<compile_context>
chip_gen: v7x
topology: tpu7x:2x2x1
jax: 0.10.2.dev20260603
libtpu: 0.0.44.dev20260713+nightly
codegen_flags: <defaults>
</compile_context>

<pallas_src>
import functools

import numpy as np
import jax
import jax.numpy as jnp
from jax import lax
from jax.experimental import pallas as pl
from jax.experimental.pallas import tpu as pltpu
from jax.experimental.pallas import tpu_sc as plsc

N = 10000
NF = 128
HID = 256
HEADS = 8
OC1 = 32
CLS = 40
NEG = 0.2

N_PAD = 10240
E_TOT = 320000 + N
B = 128
E_PAD = ((E_TOT + 4095) // 4096) * 4096
NT = 16
N_ACC = 10016
ACC_PER_TEC = N_ACC // NT
BLK1 = E_PAD // NT // B
BLK2 = E_PAD // (2 * NT) // B
RB = 512
GR = N_PAD // RB

_PERM = np.zeros(HID, np.int64)
for _h in range(HEADS):
    for _c in range(OC1):
        _PERM[(_h // 4) * 128 + _c * 4 + (_h % 4)] = _h * OC1 + _c
_COLH = np.arange(128) % 4
_COLC = np.arange(128) // 4
_ONEHOT4 = (np.arange(128)[:, None] % 4 == np.arange(4)[None, :]).astype(np.float32)


def _vgather(vec, idx):
    dn = lax.GatherDimensionNumbers(
        offset_dims=(), collapsed_slice_dims=(0,), start_index_map=(0,))
    return lax.gather(vec, idx[:, None], dn, (1,),
                      mode=lax.GatherScatterMode.PROMISE_IN_BOUNDS)


def _stage1_body(x_ref, w1_ref, a1s_ref, a1d_ref, src_ref, adst_ref):
    hh = jnp.dot(x_ref[...], w1_ref[...], precision=lax.Precision.HIGHEST)
    as4 = jnp.dot(hh, a1s_ref[0], precision=lax.Precision.HIGHEST)
    ad4 = jnp.dot(hh, a1d_ref[0], precision=lax.Precision.HIGHEST)
    z12 = jnp.zeros((RB, 12), jnp.float32)
    src_ref[0] = jnp.concatenate([as4, z12, hh], axis=1)
    adst_ref[0] = jnp.concatenate([ad4, z12], axis=1)


def _stage1(xp, w1p, a1s, a1d):
    return pl.pallas_call(
        _stage1_body,
        grid=(2, GR),
        in_specs=[
            pl.BlockSpec((RB, NF), lambda k, i: (i, 0)),
            pl.BlockSpec((NF, 128), lambda k, i: (0, k)),
            pl.BlockSpec((1, 128, 4), lambda k, i: (k, 0, 0)),
            pl.BlockSpec((1, 128, 4), lambda k, i: (k, 0, 0)),
        ],
        out_specs=[
            pl.BlockSpec((1, RB, 144), lambda k, i: (k, i, 0)),
            pl.BlockSpec((1, RB, 16), lambda k, i: (k, i, 0)),
        ],
        out_shape=[
            jax.ShapeDtypeStruct((2, N_PAD, 144), jnp.float32),
            jax.ShapeDtypeStruct((2, N_PAD, 16), jnp.float32),
        ],
    )(xp, w1p, a1s, a1d)


def _sc_layer1(srctbl, adsttbl, sidx, didx):
    mesh = plsc.VectorSubcoreMesh(core_axis_name="c", subcore_axis_name="s")

    @functools.partial(
        pl.kernel,
        out_type=[jax.ShapeDtypeStruct((2, N_PAD, 128), jnp.float32),
                  jax.ShapeDtypeStruct((2, N_PAD, 16), jnp.float32)],
        mesh=mesh,
        compiler_params=pltpu.CompilerParams(use_tc_tiling_on_sc=False),
        scratch_types=[
            pltpu.VMEM_SHARED((N_ACC, 128), jnp.float32),
            pltpu.VMEM_SHARED((N_ACC, 16), jnp.float32),
            pltpu.VMEM((B,), jnp.int32),
            pltpu.VMEM((B,), jnp.int32),
            pltpu.VMEM((B,), jnp.int32),
            pltpu.VMEM((B,), jnp.int32),
            pltpu.VMEM((B, 144), jnp.float32),
            pltpu.VMEM((B, 16), jnp.float32),
            pltpu.VMEM((B, 128), jnp.float32),
            pltpu.VMEM((B, 16), jnp.float32),
            pltpu.SemaphoreType.DMA,
            pltpu.SemaphoreType.DMA,
        ],
    )
    def k(src_hbm, adst_hbm, si_hbm, di_hbm, msg_out, den_out,
          acc_sh, den_sh, si_v, di_v, sa_v, da_v, rows_v, ad_v, msg_v, w_v,
          sem1, sem2):
        cid = lax.axis_index("c")
        sid = lax.axis_index("s")
        zf = jnp.zeros((16,), jnp.float32)

        @pl.loop(0, B)
        def _(r):
            for j in range(8):
                msg_v[r, pl.ds(16 * j, 16)] = zf
            w_v[r, pl.ds(0, 16)] = zf

        row0 = sid * ACC_PER_TEC
        for t in range(0, ACC_PER_TEC, B):
            nr = min(B, ACC_PER_TEC - t)
            pltpu.sync_copy(msg_v.at[pl.ds(0, nr)],
                            acc_sh.at[pl.ds(row0 + t, nr)])
            pltpu.sync_copy(w_v.at[pl.ds(0, nr)],
                            den_sh.at[pl.ds(row0 + t, nr)])
        plsc.subcore_barrier()

        tile4 = jnp.bitwise_and(lax.iota(jnp.int32, 16), 3)
        off = cid * N_PAD
        ebase = sid * (E_PAD // NT)

        @pl.loop(0, BLK1)
        def _(b):
            base = ebase + b * B
            pltpu.sync_copy(si_hbm.at[pl.ds(base, B)], si_v)
            pltpu.sync_copy(di_hbm.at[pl.ds(base, B)], di_v)

            @plsc.parallel_loop(0, B, step=16, unroll=4)
            def _(i):
                sa_v[pl.ds(i, 16)] = si_v[pl.ds(i, 16)] + off
                da_v[pl.ds(i, 16)] = di_v[pl.ds(i, 16)] + off

            cp1 = pltpu.async_copy(src_hbm.at[sa_v], rows_v, sem1)
            cp2 = pltpu.async_copy(adst_hbm.at[da_v], ad_v, sem2)
            cp1.wait()
            cp2.wait()

            @plsc.parallel_loop(0, B, unroll=4)
            def _(e):
                sv = rows_v[e, pl.ds(0, 16)]
                av = ad_v[e, pl.ds(0, 16)]
                ev = sv + av
                wv = jnp.exp(jnp.maximum(ev, NEG * ev))
                w_v[e, pl.ds(0, 16)] = wv
                wt = _vgather(wv, tile4)
                for j in range(8):
                    hv = rows_v[e, pl.ds(16 + 16 * j, 16)]
                    msg_v[e, pl.ds(16 * j, 16)] = hv * wt

            pltpu.sync_copy(msg_v, acc_sh.at[di_v], add=True)
            pltpu.sync_copy(w_v, den_sh.at[di_v], add=True)

        plsc.subcore_barrier()
        pltpu.sync_copy(acc_sh.at[pl.ds(row0, ACC_PER_TEC)],
                        msg_out.at[cid, pl.ds(row0, ACC_PER_TEC)])
        pltpu.sync_copy(den_sh.at[pl.ds(row0, ACC_PER_TEC)],
                        den_out.at[cid, pl.ds(row0, ACC_PER_TEC)])

    return k(srctbl, adsttbl, sidx, didx)


def _stage3_body(m0, m1, d0, d1, b1_ref, w2_ref, a2s_ref, a2d_ref,
                 src2_ref, ad2_ref):
    i = pl.program_id(0)
    m = jnp.concatenate([m0[0], m1[0]], axis=1)
    d4 = jnp.concatenate([d0[0, :, 0:4], d1[0, :, 0:4]], axis=1)
    dfull = jnp.broadcast_to(
        d4.reshape(RB, 2, 1, 4), (RB, 2, 32, 4)).reshape(RB, HID)
    h = m / (dfull + 1e-16) + b1_ref[...]
    h = jnp.maximum(h, 0.0)
    rowid = i * RB + lax.broadcasted_iota(jnp.int32, (RB, 1), 0)
    h = jnp.where(rowid < N, h, 0.0)
    h2 = jnp.dot(h, w2_ref[...], precision=lax.Precision.HIGHEST)
    as1 = jnp.dot(h2, a2s_ref[...], precision=lax.Precision.HIGHEST)
    ad1 = jnp.dot(h2, a2d_ref[...], precision=lax.Precision.HIGHEST)
    z15 = jnp.zeros((RB, 15), jnp.float32)
    z8 = jnp.zeros((RB, 8), jnp.float32)
    src2_ref[...] = jnp.concatenate([as1, z15, h2, z8], axis=1)
    ad2_ref[...] = jnp.concatenate([ad1, z15], axis=1)


def _stage3(msg, den, b1p, w2p, a2sv, a2dv):
    return pl.pallas_call(
        _stage3_body,
        grid=(GR,),
        in_specs=[
            pl.BlockSpec((1, RB, 128), lambda i: (0, i, 0)),
            pl.BlockSpec((1, RB, 128), lambda i: (1, i, 0)),
            pl.BlockSpec((1, RB, 16), lambda i: (0, i, 0)),
            pl.BlockSpec((1, RB, 16), lambda i: (1, i, 0)),
            pl.BlockSpec((1, HID), lambda i: (0, 0)),
            pl.BlockSpec((HID, CLS), lambda i: (0, 0)),
            pl.BlockSpec((CLS, 1), lambda i: (0, 0)),
            pl.BlockSpec((CLS, 1), lambda i: (0, 0)),
        ],
        out_specs=[
            pl.BlockSpec((RB, 64), lambda i: (i, 0)),
            pl.BlockSpec((RB, 16), lambda i: (i, 0)),
        ],
        out_shape=[jax.ShapeDtypeStruct((N_PAD, 64), jnp.float32),
                   jax.ShapeDtypeStruct((N_PAD, 16), jnp.float32)],
    )(msg, msg, den, den, b1p, w2p, a2sv, a2dv)


def _sc_layer2(src2, ad2, sidx, didx):
    mesh = plsc.VectorSubcoreMesh(core_axis_name="c", subcore_axis_name="s")

    @functools.partial(
        pl.kernel,
        out_type=[jax.ShapeDtypeStruct((2, N_PAD, 48), jnp.float32),
                  jax.ShapeDtypeStruct((2, N_PAD, 16), jnp.float32)],
        mesh=mesh,
        compiler_params=pltpu.CompilerParams(use_tc_tiling_on_sc=False),
        scratch_types=[
            pltpu.VMEM_SHARED((N_ACC, 48), jnp.float32),
            pltpu.VMEM_SHARED((N_ACC, 16), jnp.float32),
            pltpu.VMEM((B,), jnp.int32),
            pltpu.VMEM((B,), jnp.int32),
            pltpu.VMEM((B, 64), jnp.float32),
            pltpu.VMEM((B, 16), jnp.float32),
            pltpu.VMEM((B, 48), jnp.float32),
            pltpu.VMEM((B, 16), jnp.float32),
            pltpu.SemaphoreType.DMA,
            pltpu.SemaphoreType.DMA,
        ],
    )
    def k(s2_hbm, a2_hbm, si_hbm, di_hbm, p_out, d_out,
          acc_sh, den_sh, si_v, di_v, rows_v, ad_v, msg_v, w_v, sem1, sem2):
        cid = lax.axis_index("c")
        sid = lax.axis_index("s")
        zf = jnp.zeros((16,), jnp.float32)

        @pl.loop(0, B)
        def _(r):
            for j in range(3):
                msg_v[r, pl.ds(16 * j, 16)] = zf
            w_v[r, pl.ds(0, 16)] = zf

        row0 = sid * ACC_PER_TEC
        for t in range(0, ACC_PER_TEC, B):
            nr = min(B, ACC_PER_TEC - t)
            pltpu.sync_copy(msg_v.at[pl.ds(0, nr)],
                            acc_sh.at[pl.ds(row0 + t, nr)])
            pltpu.sync_copy(w_v.at[pl.ds(0, nr)],
                            den_sh.at[pl.ds(row0 + t, nr)])
        plsc.subcore_barrier()

        z16i = jnp.zeros((16,), jnp.int32)
        wid = sid * 2 + cid
        ebase = wid * (E_PAD // (2 * NT))

        @pl.loop(0, BLK2)
        def _(b):
            base = ebase + b * B
            pltpu.sync_copy(si_hbm.at[pl.ds(base, B)], si_v)
            pltpu.sync_copy(di_hbm.at[pl.ds(base, B)], di_v)
            cp1 = pltpu.async_copy(s2_hbm.at[si_v], rows_v, sem1)
            cp2 = pltpu.async_copy(a2_hbm.at[di_v], ad_v, sem2)
            cp1.wait()
            cp2.wait()

            @plsc.parallel_loop(0, B, unroll=4)
            def _(e):
                sv = rows_v[e, pl.ds(0, 16)]
                av = ad_v[e, pl.ds(0, 16)]
                ev = sv + av
                wv = jnp.exp(jnp.maximum(ev, NEG * ev))
                w_v[e, pl.ds(0, 16)] = wv
                wb = _vgather(wv, z16i)
                for j in range(3):
                    hv = rows_v[e, pl.ds(16 + 16 * j, 16)]
                    msg_v[e, pl.ds(16 * j, 16)] = hv * wb

            pltpu.sync_copy(msg_v, acc_sh.at[di_v], add=True)
            pltpu.sync_copy(w_v, den_sh.at[di_v], add=True)

        plsc.subcore_barrier()
        pltpu.sync_copy(acc_sh.at[pl.ds(row0, ACC_PER_TEC)],
                        p_out.at[cid, pl.ds(row0, ACC_PER_TEC)])
        pltpu.sync_copy(den_sh.at[pl.ds(row0, ACC_PER_TEC)],
                        d_out.at[cid, pl.ds(row0, ACC_PER_TEC)])

    return k(src2, ad2, sidx, didx)


def _stage5_body(p0, p1, d0, d1, b2_ref, out_ref):
    o = p0[0] + p1[0]
    dd = d0[0, :, 0:1] + d1[0, :, 0:1]
    out_ref[...] = o[:, 0:CLS] / (dd + 1e-16) + b2_ref[...]


def _stage5(p2, d2, b2):
    rb = 1000
    return pl.pallas_call(
        _stage5_body,
        grid=(N // rb,),
        in_specs=[
            pl.BlockSpec((1, rb, 48), lambda i: (0, i, 0)),
            pl.BlockSpec((1, rb, 48), lambda i: (1, i, 0)),
            pl.BlockSpec((1, rb, 16), lambda i: (0, i, 0)),
            pl.BlockSpec((1, rb, 16), lambda i: (1, i, 0)),
            pl.BlockSpec((1, CLS), lambda i: (0, 0)),
        ],
        out_specs=pl.BlockSpec((rb, CLS), lambda i: (i, 0)),
        out_shape=jax.ShapeDtypeStruct((N, CLS), jnp.float32),
    )(p2, p2, d2, d2, b2)


def kernel(x, edge_index, W1, att_src1, att_dst1, bias1,
           W2, att_src2, att_dst2, bias2):
    f32 = jnp.float32
    perm = jnp.asarray(_PERM)
    xp = jnp.zeros((N_PAD, NF), f32).at[:N].set(x)
    w1p = W1[:, perm]
    b1p = bias1[perm].reshape(1, HID)
    w2p = W2[perm, :]

    att_s = att_src1.reshape(HEADS, OC1)
    att_d = att_dst1.reshape(HEADS, OC1)
    colh = jnp.asarray(_COLH)
    colc = jnp.asarray(_COLC)
    oh = jnp.asarray(_ONEHOT4)
    a1s = jnp.stack([att_s[4 * k + colh, colc][:, None] * oh for k in (0, 1)])
    a1d = jnp.stack([att_d[4 * k + colh, colc][:, None] * oh for k in (0, 1)])

    e32 = edge_index.astype(jnp.int32)
    loops = jnp.arange(N, dtype=jnp.int32)
    padv = jnp.full((E_PAD - E_TOT,), N, jnp.int32)
    sidx = jnp.concatenate([e32[0], loops, padv])
    didx = jnp.concatenate([e32[1], loops, padv])

    srctbl, adsttbl = _stage1(xp, w1p, a1s, a1d)
    msg, den = _sc_layer1(srctbl.reshape(2 * N_PAD, 144),
                          adsttbl.reshape(2 * N_PAD, 16), sidx, didx)
    src2, ad2 = _stage3(msg, den, b1p, w2p,
                        att_src2.reshape(CLS, 1), att_dst2.reshape(CLS, 1))
    p2, d2 = _sc_layer2(src2, ad2, sidx, didx)
    return _stage5(p2, d2, bias2.reshape(1, CLS))

# --- scband reference (transcript-rebuilt; emitter-appended) ---
"""Pipeline reference for scband-gat-73933567033778 (READ-ONLY COPY).

The authoritative reference and input builder live on the scoring server;
editing this copy changes nothing except your own understanding.
"""

import jax, jax.numpy as jnp
import numpy as np

N_NODES = 10000
N_EDGES = 320000
NFEAT = 128
HIDDEN = 256
CLASSES = 40
HEADS = 8
OUT1 = HIDDEN // HEADS  # 32
NEG_SLOPE = 0.2


def add_self_loops(edge_index, num_nodes):
    loop = jnp.arange(num_nodes, dtype=edge_index.dtype)
    loops = jnp.stack([loop, loop], axis=0)
    return jnp.concatenate([edge_index, loops], axis=1)


def gat_conv(x, edge_index, W, att_src, att_dst, bias, heads, out_ch, concat):
    N = x.shape[0]
    src = edge_index[0]
    dst = edge_index[1]
    h = (x @ W).reshape(N, heads, out_ch)
    a_src = jnp.sum(h * att_src, axis=-1)  # [N, heads]
    a_dst = jnp.sum(h * att_dst, axis=-1)  # [N, heads]
    e = a_src[src] + a_dst[dst]            # [E, heads]
    e = jax.nn.leaky_relu(e, NEG_SLOPE)
    # segment softmax over incoming edges of each dst node
    emax = jax.ops.segment_max(e, dst, num_segments=N)
    emax = jnp.where(jnp.isfinite(emax), emax, 0.0)
    ex = jnp.exp(e - emax[dst])
    denom = jax.ops.segment_sum(ex, dst, num_segments=N)
    alpha = ex / (denom[dst] + 1e-16)      # [E, heads]
    msg = h[src] * alpha[:, :, None]       # [E, heads, out_ch]
    out = jax.ops.segment_sum(msg, dst, num_segments=N)  # [N, heads, out_ch]
    if concat:
        out = out.reshape(N, heads * out_ch)
    else:
        out = out.mean(axis=1)
    return out + bias


def setup_inputs(seed: int = 0) -> dict:
    key = jax.random.key(seed)
    ks = jax.random.split(key, 12)
    x = jax.random.normal(ks[0], (N_NODES, NFEAT), dtype=jnp.float32)
    edge_index = jax.random.randint(ks[1], (2, N_EDGES), 0, N_NODES, dtype=jnp.int64)
    s1 = 1.0 / np.sqrt(NFEAT)
    W1 = jax.random.uniform(ks[2], (NFEAT, HEADS * OUT1), jnp.float32, -s1, s1)
    att_src1 = jax.random.uniform(ks[3], (1, HEADS, OUT1), jnp.float32, -s1, s1)
    att_dst1 = jax.random.uniform(ks[4], (1, HEADS, OUT1), jnp.float32, -s1, s1)
    bias1 = jnp.zeros((HIDDEN,), dtype=jnp.float32)
    s2 = 1.0 / np.sqrt(HIDDEN)
    W2 = jax.random.uniform(ks[5], (HIDDEN, 1 * CLASSES), jnp.float32, -s2, s2)
    att_src2 = jax.random.uniform(ks[6], (1, 1, CLASSES), jnp.float32, -s2, s2)
    att_dst2 = jax.random.uniform(ks[7], (1, 1, CLASSES), jnp.float32, -s2, s2)
    bias2 = jnp.zeros((CLASSES,), dtype=jnp.float32)
    return {"x": x, "edge_index": edge_index,
            "W1": W1, "att_src1": att_src1, "att_dst1": att_dst1, "bias1": bias1,
            "W2": W2, "att_src2": att_src2, "att_dst2": att_dst2, "bias2": bias2}


def reference(x, edge_index, W1, att_src1, att_dst1, bias1, W2, att_src2, att_dst2, bias2):
    # eval mode: feature dropout and attention dropout are identity
    ei = add_self_loops(edge_index, x.shape[0])
    h = gat_conv(x, ei, W1, att_src1, att_dst1, bias1, HEADS, OUT1, concat=True)
    h = jax.nn.relu(h)
    out = gat_conv(h, ei, W2, att_src2, att_dst2, bias2, 1, CLASSES, concat=True)
    return out

if __name__ == "__main__":
    import jax
    _d = setup_inputs()
    print(jax.jit(kernel)(*tuple(_d.values())))

</pallas_src>

<mosaic_0001>
#map = affine_map<(d0, d1) -> (0, 0)>
#map1 = affine_map<(d0, d1) -> (0)>
#map2 = affine_map<(d0, d1) -> (0, 0, 0)>
module attributes {stable_mosaic.version = 14 : i64} {
  func.func @k(%arg0: i32, %arg1: i32, %arg2: memref<10240x64xf32, #tpu.memory_space<hbm>>, %arg3: memref<10240x16xf32, #tpu.memory_space<hbm>>, %arg4: memref<331776xi32, #tpu.memory_space<hbm>>, %arg5: memref<331776xi32, #tpu.memory_space<hbm>>, %arg6: memref<2x10240x48xf32, #tpu.memory_space<hbm>>, %arg7: memref<2x10240x16xf32, #tpu.memory_space<hbm>>, %arg8: memref<10016x48xf32, #tpu.memory_space<vmem_shared>>, %arg9: memref<10016x16xf32, #tpu.memory_space<vmem_shared>>, %arg10: memref<128xi32, #tpu.memory_space<vmem>>, %arg11: memref<128xi32, #tpu.memory_space<vmem>>, %arg12: memref<128x64xf32, #tpu.memory_space<vmem>>, %arg13: memref<128x16xf32, #tpu.memory_space<vmem>>, %arg14: memref<128x48xf32, #tpu.memory_space<vmem>>, %arg15: memref<128x16xf32, #tpu.memory_space<vmem>>, %arg16: memref<!tpu.dma_semaphore, #tpu.memory_space<semaphore_mem>>, %arg17: memref<!tpu.dma_semaphore, #tpu.memory_space<semaphore_mem>>) attributes {dimension_semantics = [#tpu.dimension_semantics<core_parallel>, #tpu.dimension_semantics<subcore_parallel>], iteration_bounds = array<i64: 2, 16>, scalar_prefetch = 0 : i64, scratch_operands = 10 : i64, tpu.core_type = #tpu.core_type<sc_vector_subcore>, window_params = [{transform_indices = #map}, {transform_indices = #map}, {transform_indices = #map1}, {transform_indices = #map1}, {transform_indices = #map2}, {transform_indices = #map2}]} {
    %broadcast_in_dim3A = arith.constant 0.000000e+00 : f32
    %broadcast_in_dim3A_0 = vector.broadcast %broadcast_in_dim3A : f32 to vector<16xf32>
    %scan3A = arith.constant 0 : i32
    %scan3A_1 = arith.constant 128 : i32
    %scan3A_2 = arith.addi %scan3A, %scan3A_1 : i32
    %scan3A_3 = arith.constant 1 : i32
    scf.for %scan3A_38 = %scan3A to %scan3A_2 step %scan3A_3  : i32 {
      %mul3A_39 = arith.constant 1 : i32
      %mul3A_40 = arith.muli %scan3A_38, %mul3A_39 : i32
      %add3A_41 = arith.constant 0 : i32
      %add3A_42 = arith.addi %add3A_41, %mul3A_40 : i32
      %swap3A = arith.index_cast %add3A_42 : i32 to index
      %swap3A_43 = arith.constant 0 : index
      %swap3A_44 = tpu.vector_load %arg14[%swap3A, %swap3A_43] {strides = array<i32>} : memref<128x48xf32, #tpu.memory_space<vmem>>, vector<1x16xf32>,
      %swap3A_45 = vector.shape_cast %swap3A_44 : vector<1x16xf32> to vector<16xf32>
      %swap3A_46 = vector.shape_cast %broadcast_in_dim3A_0 : vector<16xf32> to vector<1x16xf32>
      tpu.vector_store %arg14[%swap3A, %swap3A_43], %swap3A_46 {strides = array<i32>} : memref<128x48xf32, #tpu.memory_space<vmem>>, vector<1x16xf32>,
      %swap3A_47 = arith.index_cast %add3A_42 : i32 to index
      %swap3A_48 = arith.constant 16 : index
      %swap3A_49 = tpu.vector_load %arg14[%swap3A_47, %swap3A_48] {strides = array<i32>} : memref<128x48xf32, #tpu.memory_space<vmem>>, vector<1x16xf32>,
      %swap3A_50 = vector.shape_cast %swap3A_49 : vector<1x16xf32> to vector<16xf32>
      %swap3A_51 = vector.shape_cast %broadcast_in_dim3A_0 : vector<16xf32> to vector<1x16xf32>
      tpu.vector_store %arg14[%swap3A_47, %swap3A_48], %swap3A_51 {strides = array<i32>} : memref<128x48xf32, #tpu.memory_space<vmem>>, vector<1x16xf32>,
      %swap3A_52 = arith.index_cast %add3A_42 : i32 to index
      %swap3A_53 = arith.constant 32 : index
      %swap3A_54 = tpu.vector_load %arg14[%swap3A_52, %swap3A_53] {strides = array<i32>} : memref<128x48xf32, #tpu.memory_space<vmem>>, vector<1x16xf32>,
      %swap3A_55 = vector.shape_cast %swap3A_54 : vector<1x16xf32> to vector<16xf32>
      %swap3A_56 = vector.shape_cast %broadcast_in_dim3A_0 : vector<16xf32> to vector<1x16xf32>
      tpu.vector_store %arg14[%swap3A_52, %swap3A_53], %swap3A_56 {strides = array<i32>} : memref<128x48xf32, #tpu.memory_space<vmem>>, vector<1x16xf32>,
      %swap3A_57 = arith.index_cast %add3A_42 : i32 to index
      %swap3A_58 = arith.constant 0 : index
      %swap3A_59 = tpu.vector_load %arg15[%swap3A_57, %swap3A_58] {strides = array<i32>} : memref<128x16xf32, #tpu.memory_space<vmem>>, vector<1x16xf32>,
      %swap3A_60 = vector.shape_cast %swap3A_59 : vector<1x16xf32> to vector<16xf32>
      %swap3A_61 = vector.shape_cast %broadcast_in_dim3A_0 : vector<16xf32> to vector<1x16xf32>
      tpu.vector_store %arg15[%swap3A_57, %swap3A_58], %swap3A_61 {strides = array<i32>} : memref<128x16xf32, #tpu.memory_space<vmem>>, vector<1x16xf32>,
    }
    %scan3A_4 = arith.constant 128 : i32
    %mul3A = arith.constant 626 : i32
    %mul3A_5 = arith.muli %arg1, %mul3A : i32
    %add3A = arith.constant 0 : i32
    %add3A_6 = arith.addi %mul3A_5, %add3A : i32
    "tpu.region"() ({
      %run_scoped3A = tpu.sem_alloc : memref<!tpu.dma_semaphore, #tpu.memory_space<semaphore_mem>>
      %dma_start3A = arith.constant 0 : i32
      %dma_start3A_38 = arith.constant 0 : i32
      %dma_start3A_39 = tpu.memref_slice %arg14[%dma_start3A, %dma_start3A_38] : memref<128x48xf32, #tpu.memory_space<vmem>> -> memref<128x48xf32, #tpu.memory_space<vmem>>
      %dma_start3A_40 = arith.constant 0 : i32
      %dma_start3A_41 = tpu.memref_slice %arg8[%add3A_6, %dma_start3A_40] : memref<10016x48xf32, #tpu.memory_space<vmem_shared>> -> memref<128x48xf32, #tpu.memory_space<vmem_shared>>
      %dma_start3A_42 = arith.constant 0 : i32
      %dma_start3A_43 = tpu.memref_slice %arg8[%add3A_6, %dma_start3A_42] : memref<10016x48xf32, #tpu.memory_space<vmem_shared>> -> memref<128x48xf32, #tpu.memory_space<vmem_shared>>
      %dma_start3A_44 = arith.constant 0 : i32
      %dma_start3A_45 = arith.constant 0 : i32
      %dma_start3A_46 = tpu.memref_slice %arg14[%dma_start3A_44, %dma_start3A_45] : memref<128x48xf32, #tpu.memory_space<vmem>> -> memref<128x48xf32, #tpu.memory_space<vmem>>
      tpu.enqueue_dma source(%dma_start3A_46 : memref<128x48xf32, #tpu.memory_space<vmem>>) target(%dma_start3A_43 : memref<128x48xf32, #tpu.memory_space<vmem_shared>>) target_semaphore(%run_scoped3A : memref<!tpu.dma_semaphore, #tpu.memory_space<semaphore_mem>>)
      %dma_wait3A = arith.constant 0 : i32
      %dma_wait3A_47 = arith.constant 0 : i32
      %dma_wait3A_48 = tpu.memref_slice %arg14[%dma_wait3A, %dma_wait3A_47] : memref<128x48xf32, #tpu.memory_space<vmem>> -> memref<128x48xf32, #tpu.memory_space<vmem>>
      %dma_wait3A_49 = arith.constant 0 : i32
      %dma_wait3A_50 = tpu.memref_slice %arg8[%add3A_6, %dma_wait3A_49] : memref<10016x48xf32, #tpu.memory_space<vmem_shared>> -> memref<128x48xf32, #tpu.memory_space<vmem_shared>>
      %dma_wait3A_51 = arith.constant 0 : i32
      %dma_wait3A_52 = tpu.memref_slice %arg8[%add3A_6, %dma_wait3A_51] : memref<10016x48xf32, #tpu.memory_space<vmem_shared>> -> memref<128x48xf32, #tpu.memory_space<vmem_shared>>
      %dma_wait3A_53 = arith.constant 0 : i32
      %dma_wait3A_54 = arith.constant 0 : i32
      %dma_wait3A_55 = tpu.memref_slice %arg14[%dma_wait3A_53, %dma_wait3A_54] : memref<128x48xf32, #tpu.memory_space<vmem>> -> memref<128x48xf32, #tpu.memory_space<vmem>>
      tpu.wait_dma2 semaphore(%run_scoped3A : memref<!tpu.dma_semaphore, #tpu.memory_space<semaphore_mem>>) src(%dma_wait3A_55 : memref<128x48xf32, #tpu.memory_space<vmem>>) dst(%dma_wait3A_52 : memref<128x48xf32, #tpu.memory_space<vmem_shared>>)
      tpu.yield
    }) : () -> ()
    %add3A_7 = arith.constant 0 : i32
    %add3A_8 = arith.addi %mul3A_5, %add3A_7 : i32
    "tpu.region"() ({
      %run_scoped3A = tpu.sem_alloc : memref<!tpu.dma_semaphore, #tpu.memory_space<semaphore_mem>>
      %dma_start3A = arith.constant 0 : i32
      %dma_start3A_38 = arith.constant 0 : i32
      %dma_start3A_39 = tpu.memref_slice %arg15[%dma_start3A, %dma_start3A_38] : memref<128x16xf32, #tpu.memory_space<vmem>> -> memref<128x16xf32, #tpu.memory_space<vmem>>
      %dma_start3A_40 = arith.constant 0 : i32
      %dma_start3A_41 = tpu.memref_slice %arg9[%add3A_8, %dma_start3A_40] : memref<10016x16xf32, #tpu.memory_space<vmem_shared>> -> memref<128x16xf32, #tpu.memory_space<vmem_shared>>
      %dma_start3A_42 = arith.constant 0 : i32
      %dma_start3A_43 = tpu.memref_slice %arg9[%add3A_8, %dma_start3A_42] : memref<10016x16xf32, #tpu.memory_space<vmem_shared>> -> memref<128x16xf32, #tpu.memory_space<vmem_shared>>
      %dma_start3A_44 = arith.constant 0 : i32
      %dma_start3A_45 = arith.constant 0 : i32
      %dma_start3A_46 = tpu.memref_slice %arg15[%dma_start3A_44, %dma_start3A_45] : memref<128x16xf32, #tpu.memory_space<vmem>> -> memref<128x16xf32, #tpu.memory_space<vmem>>
      tpu.enqueue_dma source(%dma_start3A_46 : memref<128x16xf32, #tpu.memory_space<vmem>>) target(%dma_start3A_43 : memref<128x16xf32, #tpu.memory_space<vmem_shared>>) target_semaphore(%run_scoped3A : memref<!tpu.dma_semaphore, #tpu.memory_space<semaphore_mem>>)
      %dma_wait3A = arith.constant 0 : i32
      %dma_wait3A_47 = arith.constant 0 : i32
      %dma_wait3A_48 = tpu.memref_slice %arg15[%dma_wait3A, %dma_wait3A_47] : memref<128x16xf32, #tpu.memory_space<vmem>> -> memref<128x16xf32, #tpu.memory_space<vmem>>
      %dma_wait3A_49 = arith.constant 0 : i32
      %dma_wait3A_50 = tpu.memref_slice %arg9[%add3A_8, %dma_wait3A_49] : memref<10016x16xf32, #tpu.memory_space<vmem_shared>> -> memref<128x16xf32, #tpu.memory_space<vmem_shared>>
      %dma_wait3A_51 = arith.constant 0 : i32
      %dma_wait3A_52 = tpu.memref_slice %arg9[%add3A_8, %dma_wait3A_51] : memref<10016x16xf32, #tpu.memory_space<vmem_shared>> -> memref<128x16xf32, #tpu.memory_space<vmem_shared>>
      %dma_wait3A_53 = arith.constant 0 : i32
      %dma_wait3A_54 = arith.constant 0 : i32
      %dma_wait3A_55 = tpu.memref_slice %arg15[%dma_wait3A_53, %dma_wait3A_54] : memref<128x16xf32, #tpu.memory_space<vmem>> -> memref<128x16xf32, #tpu.memory_space<vmem>>
      tpu.wait_dma2 semaphore(%run_scoped3A : memref<!tpu.dma_semaphore, #tpu.memory_space<semaphore_mem>>) src(%dma_wait3A_55 : memref<128x16xf32, #tpu.memory_space<vmem>>) dst(%dma_wait3A_52 : memref<128x16xf32, #tpu.memory_space<vmem_shared>>)
      tpu.yield
    }) : () -> ()
    %add3A_9 = arith.constant 128 : i32
    %add3A_10 = arith.addi %mul3A_5, %add3A_9 : i32
    "tpu.region"() ({
      %run_scoped3A = tpu.sem_alloc : memref<!tpu.dma_semaphore, #tpu.memory_space<semaphore_mem>>
      %dma_start3A = arith.constant 0 : i32
      %dma_start3A_38 = arith.constant 0 : i32
      %dma_start3A_39 = tpu.memref_slice %arg14[%dma_start3A, %dma_start3A_38] : memref<128x48xf32, #tpu.memory_space<vmem>> -> memref<128x48xf32, #tpu.memory_space<vmem>>
      %dma_start3A_40 = arith.constant 0 : i32
      %dma_start3A_41 = tpu.memref_slice %arg8[%add3A_10, %dma_start3A_40] : memref<10016x48xf32, #tpu.memory_space<vmem_shared>> -> memref<128x48xf32, #tpu.memory_space<vmem_shared>>
      %dma_start3A_42 = arith.constant 0 : i32
      %dma_start3A_43 = tpu.memref_slice %arg8[%add3A_10, %dma_start3A_42] : memref<10016x48xf32, #tpu.memory_space<vmem_shared>> -> memref<128x48xf32, #tpu.memory_space<vmem_shared>>
      %dma_start3A_44 = arith.constant 0 : i32
      %dma_start3A_45 = arith.constant 0 : i32
      %dma_start3A_46 = tpu.memref_slice %arg14[%dma_start3A_44, %dma_start3A_45] : memref<128x48xf32, #tpu.memory_space<vmem>> -> memref<128x48xf32, #tpu.memory_space<vmem>>
      tpu.enqueue_dma source(%dma_start3A_46 : memref<128x48xf32, #tpu.memory_space<vmem>>) target(%dma_start3A_43 : memref<128x48xf32, #tpu.memory_space<vmem_shared>>) target_semaphore(%run_scoped3A : memref<!tpu.dma_semaphore, #tpu.memory_space<semaphore_mem>>)
      %dma_wait3A = arith.constant 0 : i32
      %dma_wait3A_47 = arith.constant 0 : i32
      %dma_wait3A_48 = tpu.memref_slice %arg14[%dma_wait3A, %dma_wait3A_47] : memref<128x48xf32, #tpu.memory_space<vmem>> -> memref<128x48xf32, #tpu.memory_space<vmem>>
      %dma_wait3A_49 = arith.constant 0 : i32
      %dma_wait3A_50 = tpu.memref_slice %arg8[%add3A_10, %dma_wait3A_49] : memref<10016x48xf32, #tpu.memory_space<vmem_shared>> -> memref<128x48xf32, #tpu.memory_space<vmem_shared>>
      %dma_wait3A_51 = arith.constant 0 : i32
      %dma_wait3A_52 = tpu.memref_slice %arg8[%add3A_10, %dma_wait3A_51] : memref<10016x48xf32, #tpu.memory_space<vmem_shared>> -> memref<128x48xf32, #tpu.memory_space<vmem_shared>>
      %dma_wait3A_53 = arith.constant 0 : i32
      %dma_wait3A_54 = arith.constant 0 : i32
      %dma_wait3A_55 = tpu.memref_slice %arg14[%dma_wait3A_53, %dma_wait3A_54] : memref<128x48xf32, #tpu.memory_space<vmem>> -> memref<128x48xf32, #tpu.memory_space<vmem>>
      tpu.wait_dma2 semaphore(%run_scoped3A : memref<!tpu.dma_semaphore, #tpu.memory_space<semaphore_mem>>) src(%dma_wait3A_55 : memref<128x48xf32, #tpu.memory_space<vmem>>) dst(%dma_wait3A_52 : memref<128x48xf32, #tpu.memory_space<vmem_shared>>)
      tpu.yield
    }) : () -> ()
    %add3A_11 = arith.constant 128 : i32
    %add3A_12 = arith.addi %mul3A_5, %add3A_11 : i32
    "tpu.region"() ({
      %run_scoped3A = tpu.sem_alloc : memref<!tpu.dma_semaphore, #tpu.memory_space<semaphore_mem>>
      %dma_start3A = arith.constant 0 : i32
      %dma_start3A_38 = arith.constant 0 : i32
      %dma_start3A_39 = tpu.memref_slice %arg15[%dma_start3A, %dma_start3A_38] : memref<128x16xf32, #tpu.memory_space<vmem>> -> memref<128x16xf32, #tpu.memory_space<vmem>>
      %dma_start3A_40 = arith.constant 0 : i32
      %dma_start3A_41 = tpu.memref_slice %arg9[%add3A_12, %dma_start3A_40] : memref<10016x16xf32, #tpu.memory_space<vmem_shared>> -> memref<128x16xf32, #tpu.memory_space<vmem_shared>>
      %dma_start3A_42 = arith.constant 0 : i32
      %dma_start3A_43 = tpu.memref_slice %arg9[%add3A_12, %dma_start3A_42] : memref<10016x16xf32, #tpu.memory_space<vmem_shared>> -> memref<128x16xf32, #tpu.memory_space<vmem_shared>>
      %dma_start3A_44 = arith.constant 0 : i32
      %dma_start3A_45 = arith.constant 0 : i32
      %dma_start3A_46 = tpu.memref_slice %arg15[%dma_start3A_44, %dma_start3A_45] : memref<128x16xf32, #tpu.memory_space<vmem>> -> memref<128x16xf32, #tpu.memory_space<vmem>>
      tpu.enqueue_dma source(%dma_start3A_46 : memref<128x16xf32, #tpu.memory_space<vmem>>) target(%dma_start3A_43 : memref<128x16xf32, #tpu.memory_space<vmem_shared>>) target_semaphore(%run_scoped3A : memref<!tpu.dma_semaphore, #tpu.memory_space<semaphore_mem>>)
      %dma_wait3A = arith.constant 0 : i32
      %dma_wait3A_47 = arith.constant 0 : i32
      %dma_wait3A_48 = tpu.memref_slice %arg15[%dma_wait3A, %dma_wait3A_47] : memref<128x16xf32, #tpu.memory_space<vmem>> -> memref<128x16xf32, #tpu.memory_space<vmem>>
      %dma_wait3A_49 = arith.constant 0 : i32
      %dma_wait3A_50 = tpu.memref_slice %arg9[%add3A_12, %dma_wait3A_49] : memref<10016x16xf32, #tpu.memory_space<vmem_shared>> -> memref<128x16xf32, #tpu.memory_space<vmem_shared>>
      %dma_wait3A_51 = arith.constant 0 : i32
      %dma_wait3A_52 = tpu.memref_slice %arg9[%add3A_12, %dma_wait3A_51] : memref<10016x16xf32, #tpu.memory_space<vmem_shared>> -> memref<128x16xf32, #tpu.memory_space<vmem_shared>>
      %dma_wait3A_53 = arith.constant 0 : i32
      %dma_wait3A_54 = arith.constant 0 : i32
      %dma_wait3A_55 = tpu.memref_slice %arg15[%dma_wait3A_53, %dma_wait3A_54] : memref<128x16xf32, #tpu.memory_space<vmem>> -> memref<128x16xf32, #tpu.memory_space<vmem>>
      tpu.wait_dma2 semaphore(%run_scoped3A : memref<!tpu.dma_semaphore, #tpu.memory_space<semaphore_mem>>) src(%dma_wait3A_55 : memref<128x16xf32, #tpu.memory_space<vmem>>) dst(%dma_wait3A_52 : memref<128x16xf32, #tpu.memory_space<vmem_shared>>)
      tpu.yield
    }) : () -> ()
    %add3A_13 = arith.constant 256 : i32
    %add3A_14 = arith.addi %mul3A_5, %add3A_13 : i32
    "tpu.region"() ({
      %run_scoped3A = tpu.sem_alloc : memref<!tpu.dma_semaphore, #tpu.memory_space<semaphore_mem>>
      %dma_start3A = arith.constant 0 : i32
      %dma_start3A_38 = arith.constant 0 : i32
      %dma_start3A_39 = tpu.memref_slice %arg14[%dma_start3A, %dma_start3A_38] : memref<128x48xf32, #tpu.memory_space<vmem>> -> memref<128x48xf32, #tpu.memory_space<vmem>>
      %dma_start3A_40 = arith.constant 0 : i32
      %dma_start3A_41 = tpu.memref_slice %arg8[%add3A_14, %dma_start3A_40] : memref<10016x48xf32, #tpu.memory_space<vmem_shared>> -> memref<128x48xf32, #tpu.memory_space<vmem_shared>>
      %dma_start3A_42 = arith.constant 0 : i32
      %dma_start3A_43 = tpu.memref_slice %arg8[%add3A_14, %dma_start3A_42] : memref<10016x48xf32, #tpu.memory_space<vmem_shared>> -> memref<128x48xf32, #tpu.memory_space<vmem_shared>>
      %dma_start3A_44 = arith.constant 0 : i32
      %dma_start3A_45 = arith.constant 0 : i32
      %dma_start3A_46 = tpu.memref_slice %arg14[%dma_start3A_44, %dma_start3A_45] : memref<128x48xf32, #tpu.memory_space<vmem>> -> memref<128x48xf32, #tpu.memory_space<vmem>>
      tpu.enqueue_dma source(%dma_start3A_46 : memref<128x48xf32, #tpu.memory_space<vmem>>) target(%dma_start3A_43 : memref<128x48xf32, #tpu.memory_space<vmem_shared>>) target_semaphore(%run_scoped3A : memref<!tpu.dma_semaphore, #tpu.memory_space<semaphore_mem>>)
      %dma_wait3A = arith.constant 0 : i32
      %dma_wait3A_47 = arith.constant 0 : i32
      %dma_wait3A_48 = tpu.memref_slice %arg14[%dma_wait3A, %dma_wait3A_47] : memref<128x48xf32, #tpu.memory_space<vmem>> -> memref<128x48xf32, #tpu.memory_space<vmem>>
      %dma_wait3A_49 = arith.constant 0 : i32
      %dma_wait3A_50 = tpu.memref_slice %arg8[%add3A_14, %dma_wait3A_49] : memref<10016x48xf32, #tpu.memory_space<vmem_shared>> -> memref<128x48xf32, #tpu.memory_space<vmem_shared>>
      %dma_wait3A_51 = arith.constant 0 : i32
      %dma_wait3A_52 = tpu.memref_slice %arg8[%add3A_14, %dma_wait3A_51] : memref<10016x48xf32, #tpu.memory_space<vmem_shared>> -> memref<128x48xf32, #tpu.memory_space<vmem_shared>>
      %dma_wait3A_53 = arith.constant 0 : i32
      %dma_wait3A_54 = arith.constant 0 : i32
      %dma_wait3A_55 = tpu.memref_slice %arg14[%dma_wait3A_53, %dma_wait3A_54] : memref<128x48xf32, #tpu.memory_space<vmem>> -> memref<128x48xf32, #tpu.memory_space<vmem>>
      tpu.wait_dma2 semaphore(%run_scoped3A : memref<!tpu.dma_semaphore, #tpu.memory_space<semaphore_mem>>) src(%dma_wait3A_55 : memref<128x48xf32, #tpu.memory_space<vmem>>) dst(%dma_wait3A_52 : memref<128x48xf32, #tpu.memory_space<vmem_shared>>)
      tpu.yield
    }) : () -> ()
    %add3A_15 = arith.constant 256 : i32
    %add3A_16 = arith.addi %mul3A_5, %add3A_15 : i32
    "tpu.region"() ({
      %run_scoped3A = tpu.sem_alloc : memref<!tpu.dma_semaphore, #tpu.memory_space<semaphore_mem>>
      %dma_start3A = arith.constant 0 : i32
      %dma_start3A_38 = arith.constant 0 : i32
      %dma_start3A_39 = tpu.memref_slice %arg15[%dma_start3A, %dma_start3A_38] : memref<128x16xf32, #tpu.memory_space<vmem>> -> memref<128x16xf32, #tpu.memory_space<vmem>>
      %dma_start3A_40 = arith.constant 0 : i32
      %dma_start3A_41 = tpu.memref_slice %arg9[%add3A_16, %dma_start3A_40] : memref<10016x16xf32, #tpu.memory_space<vmem_shared>> -> memref<128x16xf32, #tpu.memory_space<vmem_shared>>
      %dma_start3A_42 = arith.constant 0 : i32
      %dma_start3A_43 = tpu.memref_slice %arg9[%add3A_16, %dma_start3A_42] : memref<10016x16xf32, #tpu.memory_space<vmem_shared>> -> memref<128x16xf32, #tpu.memory_space<vmem_shared>>
      %dma_start3A_44 = arith.constant 0 : i32
      %dma_start3A_45 = arith.constant 0 : i32
      %dma_start3A_46 = tpu.memref_slice %arg15[%dma_start3A_44, %dma_start3A_45] : memref<128x16xf32, #tpu.memory_space<vmem>> -> memref<128x16xf32, #tpu.memory_space<vmem>>
      tpu.enqueue_dma source(%dma_start3A_46 : memref<128x16xf32, #tpu.memory_space<vmem>>) target(%dma_start3A_43 : memref<128x16xf32, #tpu.memory_space<vmem_shared>>) target_semaphore(%run_scoped3A : memref<!tpu.dma_semaphore, #tpu.memory_space<semaphore_mem>>)
      %dma_wait3A = arith.constant 0 : i32
      %dma_wait3A_47 = arith.constant 0 : i32
      %dma_wait3A_48 = tpu.memref_slice %arg15[%dma_wait3A, %dma_wait3A_47] : memref<128x16xf32, #tpu.memory_space<vmem>> -> memref<128x16xf32, #tpu.memory_space<vmem>>
      %dma_wait3A_49 = arith.constant 0 : i32
      %dma_wait3A_50 = tpu.memref_slice %arg9[%add3A_16, %dma_wait3A_49] : memref<10016x16xf32, #tpu.memory_space<vmem_shared>> -> memref<128x16xf32, #tpu.memory_space<vmem_shared>>
      %dma_wait3A_51 = arith.constant 0 : i32
      %dma_wait3A_52 = tpu.memref_slice %arg9[%add3A_16, %dma_wait3A_51] : memref<10016x16xf32, #tpu.memory_space<vmem_shared>> -> memref<128x16xf32, #tpu.memory_space<vmem_shared>>
      %dma_wait3A_53 = arith.constant 0 : i32
      %dma_wait3A_54 = arith.constant 0 : i32
      %dma_wait3A_55 = tpu.memref_slice %arg15[%dma_wait3A_53, %dma_wait3A_54] : memref<128x16xf32, #tpu.memory_space<vmem>> -> memref<128x16xf32, #tpu.memory_space<vmem>>
      tpu.wait_dma2 semaphore(%run_scoped3A : memref<!tpu.dma_semaphore, #tpu.memory_space<semaphore_mem>>) src(%dma_wait3A_55 : memref<128x16xf32, #tpu.memory_space<vmem>>) dst(%dma_wait3A_52 : memref<128x16xf32, #tpu.memory_space<vmem_shared>>)
      tpu.yield
    }) : () -> ()
    %add3A_17 = arith.constant 384 : i32
    %add3A_18 = arith.addi %mul3A_5, %add3A_17 : i32
    "tpu.region"() ({
      %run_scoped3A = tpu.sem_alloc : memref<!tpu.dma_semaphore, #tpu.memory_space<semaphore_mem>>
      %dma_start3A = arith.constant 0 : i32
      %dma_start3A_38 = arith.constant 0 : i32
      %dma_start3A_39 = tpu.memref_slice %arg14[%dma_start3A, %dma_start3A_38] : memref<128x48xf32, #tpu.memory_space<vmem>> -> memref<128x48xf32, #tpu.memory_space<vmem>>
      %dma_start3A_40 = arith.constant 0 : i32
      %dma_start3A_41 = tpu.memref_slice %arg8[%add3A_18, %dma_start3A_40] : memref<10016x48xf32, #tpu.memory_space<vmem_shared>> -> memref<128x48xf32, #tpu.memory_space<vmem_shared>>
      %dma_start3A_42 = arith.constant 0 : i32
      %dma_start3A_43 = tpu.memref_slice %arg8[%add3A_18, %dma_start3A_42] : memref<10016x48xf32, #tpu.memory_space<vmem_shared>> -> memref<128x48xf32, #tpu.memory_space<vmem_shared>>
      %dma_start3A_44 = arith.constant 0 : i32
      %dma_start3A_45 = arith.constant 0 : i32
      %dma_start3A_46 = tpu.memref_slice %arg14[%dma_start3A_44, %dma_start3A_45] : memref<128x48xf32, #tpu.memory_space<vmem>> -> memref<128x48xf32, #tpu.memory_space<vmem>>
      tpu.enqueue_dma source(%dma_start3A_46 : memref<128x48xf32, #tpu.memory_space<vmem>>) target(%dma_start3A_43 : memref<128x48xf32, #tpu.memory_space<vmem_shared>>) target_semaphore(%run_scoped3A : memref<!tpu.dma_semaphore, #tpu.memory_space<semaphore_mem>>)
      %dma_wait3A = arith.constant 0 : i32
      %dma_wait3A_47 = arith.constant 0 : i32
      %dma_wait3A_48 = tpu.memref_slice %arg14[%dma_wait3A, %dma_wait3A_47] : memref<128x48xf32, #tpu.memory_space<vmem>> -> memref<128x48xf32, #tpu.memory_space<vmem>>
      %dma_wait3A_49 = arith.constant 0 : i32
      %dma_wait3A_50 = tpu.memref_slice %arg8[%add3A_18, %dma_wait3A_49] : memref<10016x48xf32, #tpu.memory_space<vmem_shared>> -> memref<128x48xf32, #tpu.memory_space<vmem_shared>>
      %dma_wait3A_51 = arith.constant 0 : i32
      %dma_wait3A_52 = tpu.memref_slice %arg8[%add3A_18, %dma_wait3A_51] : memref<10016x48xf32, #tpu.memory_space<vmem_shared>> -> memref<128x48xf32, #tpu.memory_space<vmem_shared>>
      %dma_wait3A_53 = arith.constant 0 : i32
      %dma_wait3A_54 = arith.constant 0 : i32
      %dma_wait3A_55 = tpu.memref_slice %arg14[%dma_wait3A_53, %dma_wait3A_54] : memref<128x48xf32, #tpu.memory_space<vmem>> -> memref<128x48xf32, #tpu.memory_space<vmem>>
      tpu.wait_dma2 semaphore(%run_scoped3A : memref<!tpu.dma_semaphore, #tpu.memory_space<semaphore_mem>>) src(%dma_wait3A_55 : memref<128x48xf32, #tpu.memory_space<vmem>>) dst(%dma_wait3A_52 : memref<128x48xf32, #tpu.memory_space<vmem_shared>>)
      tpu.yield
    }) : () -> ()
    %add3A_19 = arith.constant 384 : i32
    %add3A_20 = arith.addi %mul3A_5, %add3A_19 : i32
    "tpu.region"() ({
      %run_scoped3A = tpu.sem_alloc : memref<!tpu.dma_semaphore, #tpu.memory_space<semaphore_mem>>
      %dma_start3A = arith.constant 0 : i32
      %dma_start3A_38 = arith.constant 0 : i32
      %dma_start3A_39 = tpu.memref_slice %arg15[%dma_start3A, %dma_start3A_38] : memref<128x16xf32, #tpu.memory_space<vmem>> -> memref<128x16xf32, #tpu.memory_space<vmem>>
      %dma_start3A_40 = arith.constant 0 : i32
      %dma_start3A_41 = tpu.memref_slice %arg9[%add3A_20, %dma_start3A_40] : memref<10016x16xf32, #tpu.memory_space<vmem_shared>> -> memref<128x16xf32, #tpu.memory_space<vmem_shared>>
      %dma_start3A_42 = arith.constant 0 : i32
      %dma_start3A_43 = tpu.memref_slice %arg9[%add3A_20, %dma_start3A_42] : memref<10016x16xf32, #tpu.memory_space<vmem_shared>> -> memref<128x16xf32, #tpu.memory_space<vmem_shared>>
      %dma_start3A_44 = arith.constant 0 : i32
      %dma_start3A_45 = arith.constant 0 : i32
      %dma_start3A_46 = tpu.memref_slice %arg15[%dma_start3A_44, %dma_start3A_45] : memref<128x16xf32, #tpu.memory_space<vmem>> -> memref<128x16xf32, #tpu.memory_space<vmem>>
      tpu.enqueue_dma source(%dma_start3A_46 : memref<128x16xf32, #tpu.memory_space<vmem>>) target(%dma_start3A_43 : memref<128x16xf32, #tpu.memory_space<vmem_shared>>) target_semaphore(%run_scoped3A : memref<!tpu.dma_semaphore, #tpu.memory_space<semaphore_mem>>)
      %dma_wait3A = arith.constant 0 : i32
      %dma_wait3A_47 = arith.constant 0 : i32
      %dma_wait3A_48 = tpu.memref_slice %arg15[%dma_wait3A, %dma_wait3A_47] : memref<128x16xf32, #tpu.memory_space<vmem>> -> memref<128x16xf32, #tpu.memory_space<vmem>>
      %dma_wait3A_49 = arith.constant 0 : i32
      %dma_wait3A_50 = tpu.memref_slice %arg9[%add3A_20, %dma_wait3A_49] : memref<10016x16xf32, #tpu.memory_space<vmem_shared>> -> memref<128x16xf32, #tpu.memory_space<vmem_shared>>
      %dma_wait3A_51 = arith.constant 0 : i32
      %dma_wait3A_52 = tpu.memref_slice %arg9[%add3A_20, %dma_wait3A_51] : memref<10016x16xf32, #tpu.memory_space<vmem_shared>> -> memref<128x16xf32, #tpu.memory_space<vmem_shared>>
      %dma_wait3A_53 = arith.constant 0 : i32
      %dma_wait3A_54 = arith.constant 0 : i32
      %dma_wait3A_55 = tpu.memref_slice %arg15[%dma_wait3A_53, %dma_wait3A_54] : memref<128x16xf32, #tpu.memory_space<vmem>> -> memref<128x16xf32, #tpu.memory_space<vmem>>
      tpu.wait_dma2 semaphore(%run_scoped3A : memref<!tpu.dma_semaphore, #tpu.memory_space<semaphore_mem>>) src(%dma_wait3A_55 : memref<128x16xf32, #tpu.memory_space<vmem>>) dst(%dma_wait3A_52 : memref<128x16xf32, #tpu.memory_space<vmem_shared>>)
      tpu.yield
    }) : () -> ()
    %add3A_21 = arith.constant 512 : i32
    %add3A_22 = arith.addi %mul3A_5, %add3A_21 : i32
    "tpu.region"() ({
      %run_scoped3A = tpu.sem_alloc : memref<!tpu.dma_semaphore, #tpu.memory_space<semaphore_mem>>
      %dma_start3A = arith.constant 0 : i32
      %dma_start3A_38 = arith.constant 0 : i32
      %dma_start3A_39 = tpu.memref_slice %arg14[%dma_start3A, %dma_start3A_38] : memref<128x48xf32, #tpu.memory_space<vmem>> -> memref<114x48xf32, #tpu.memory_space<vmem>>
      %dma_start3A_40 = arith.constant 0 : i32
      %dma_start3A_41 = tpu.memref_slice %arg8[%add3A_22, %dma_start3A_40] : memref<10016x48xf32, #tpu.memory_space<vmem_shared>> -> memref<114x48xf32, #tpu.memory_space<vmem_shared>>
      %dma_start3A_42 = arith.constant 0 : i32
      %dma_start3A_43 = tpu.memref_slice %arg8[%add3A_22, %dma_start3A_42] : memref<10016x48xf32, #tpu.memory_space<vmem_shared>> -> memref<114x48xf32, #tpu.memory_space<vmem_shared>>
      %dma_start3A_44 = arith.constant 0 : i32
      %dma_start3A_45 = arith.constant 0 : i32
      %dma_start3A_46 = tpu.memref_slice %arg14[%dma_start3A_44, %dma_start3A_45] : memref<128x48xf32, #tpu.memory_space<vmem>> -> memref<114x48xf32, #tpu.memory_space<vmem>>
      tpu.enqueue_dma source(%dma_start3A_46 : memref<114x48xf32, #tpu.memory_space<vmem>>) target(%dma_start3A_43 : memref<114x48xf32, #tpu.memory_space<vmem_shared>>) target_semaphore(%run_scoped3A : memref<!tpu.dma_semaphore, #tpu.memory_space<semaphore_mem>>)
      %dma_wait3A = arith.constant 0 : i32
      %dma_wait3A_47 = arith.constant 0 : i32
      %dma_wait3A_48 = tpu.memref_slice %arg14[%dma_wait3A, %dma_wait3A_47] : memref<128x48xf32, #tpu.memory_space<vmem>> -> memref<114x48xf32, #tpu.memory_space<vmem>>
      %dma_wait3A_49 = arith.constant 0 : i32
      %dma_wait3A_50 = tpu.memref_slice %arg8[%add3A_22, %dma_wait3A_49] : memref<10016x48xf32, #tpu.memory_space<vmem_shared>> -> memref<114x48xf32, #tpu.memory_space<vmem_shared>>
      %dma_wait3A_51 = arith.constant 0 : i32
      %dma_wait3A_52 = tpu.memref_slice %arg8[%add3A_22, %dma_wait3A_51] : memref<10016x48xf32, #tpu.memory_space<vmem_shared>> -> memref<114x48xf32, #tpu.memory_space<vmem_shared>>
      %dma_wait3A_53 = arith.constant 0 : i32
      %dma_wait3A_54 = arith.constant 0 : i32
      %dma_wait3A_55 = tpu.memref_slice %arg14[%dma_wait3A_53, %dma_wait3A_54] : memref<128x48xf32, #tpu.memory_space<vmem>> -> memref<114x48xf32, #tpu.memory_space<vmem>>
      tpu.wait_dma2 semaphore(%run_scoped3A : memref<!tpu.dma_semaphore, #tpu.memory_space<semaphore_mem>>) src(%dma_wait3A_55 : memref<114x48xf32, #tpu.memory_space<vmem>>) dst(%dma_wait3A_52 : memref<114x48xf32, #tpu.memory_space<vmem_shared>>)
      tpu.yield
    }) : () -> ()
    %add3A_23 = arith.constant 512 : i32
    %add3A_24 = arith.addi %mul3A_5, %add3A_23 : i32
    "tpu.region"() ({
      %run_scoped3A = tpu.sem_alloc : memref<!tpu.dma_semaphore, #tpu.memory_space<semaphore_mem>>
      %dma_start3A = arith.constant 0 : i32
      %dma_start3A_38 = arith.constant 0 : i32
      %dma_start3A_39 = tpu.memref_slice %arg15[%dma_start3A, %dma_start3A_38] : memref<128x16xf32, #tpu.memory_space<vmem>> -> memref<114x16xf32, #tpu.memory_space<vmem>>
      %dma_start3A_40 = arith.constant 0 : i32
      %dma_start3A_41 = tpu.memref_slice %arg9[%add3A_24, %dma_start3A_40] : memref<10016x16xf32, #tpu.memory_space<vmem_shared>> -> memref<114x16xf32, #tpu.memory_space<vmem_shared>>
      %dma_start3A_42 = arith.constant 0 : i32
      %dma_start3A_43 = tpu.memref_slice %arg9[%add3A_24, %dma_start3A_42] : memref<10016x16xf32, #tpu.memory_space<vmem_shared>> -> memref<114x16xf32, #tpu.memory_space<vmem_shared>>
      %dma_start3A_44 = arith.constant 0 : i32
      %dma_start3A_45 = arith.constant 0 : i32
      %dma_start3A_46 = tpu.memref_slice %arg15[%dma_start3A_44, %dma_start3A_45] : memref<128x16xf32, #tpu.memory_space<vmem>> -> memref<114x16xf32, #tpu.memory_space<vmem>>
      tpu.enqueue_dma source(%dma_start3A_46 : memref<114x16xf32, #tpu.memory_space<vmem>>) target(%dma_start3A_43 : memref<114x16xf32, #tpu.memory_space<vmem_shared>>) target_semaphore(%run_scoped3A : memref<!tpu.dma_semaphore, #tpu.memory_space<semaphore_mem>>)
      %dma_wait3A = arith.constant 0 : i32
      %dma_wait3A_47 = arith.constant 0 : i32
      %dma_wait3A_48 = tpu.memref_slice %arg15[%dma_wait3A, %dma_wait3A_47] : memref<128x16xf32, #tpu.memory_space<vmem>> -> memref<114x16xf32, #tpu.memory_space<vmem>>
      %dma_wait3A_49 = arith.constant 0 : i32
      %dma_wait3A_50 = tpu.memref_slice %arg9[%add3A_24, %dma_wait3A_49] : memref<10016x16xf32, #tpu.memory_space<vmem_shared>> -> memref<114x16xf32, #tpu.memory_space<vmem_shared>>
      %dma_wait3A_51 = arith.constant 0 : i32
      %dma_wait3A_52 = tpu.memref_slice %arg9[%add3A_24, %dma_wait3A_51] : memref<10016x16xf32, #tpu.memory_space<vmem_shared>> -> memref<114x16xf32, #tpu.memory_space<vmem_shared>>
      %dma_wait3A_53 = arith.constant 0 : i32
      %dma_wait3A_54 = arith.constant 0 : i32
      %dma_wait3A_55 = tpu.memref_slice %arg15[%dma_wait3A_53, %dma_wait3A_54] : memref<128x16xf32, #tpu.memory_space<vmem>> -> memref<114x16xf32, #tpu.memory_space<vmem>>
      tpu.wait_dma2 semaphore(%run_scoped3A : memref<!tpu.dma_semaphore, #tpu.memory_space<semaphore_mem>>) src(%dma_wait3A_55 : memref<114x16xf32, #tpu.memory_space<vmem>>) dst(%dma_wait3A_52 : memref<114x16xf32, #tpu.memory_space<vmem_shared>>)
      tpu.yield
    }) : () -> ()
    %barrier3A = arith.constant 0 : index
    tpu.barrier barrier_id(%barrier3A)
    %broadcast_in_dim3A_25 = arith.constant 0 : i32
    %broadcast_in_dim3A_26 = vector.broadcast %broadcast_in_dim3A_25 : i32 to vector<16xi32>
    %mul3A_27 = arith.constant 2 : i32
    %mul3A_28 = arith.muli %arg1, %mul3A_27 : i32
    %add3A_29 = arith.addi %mul3A_28, %arg0 : i32
    %mul3A_30 = arith.constant 10368 : i32
    %mul3A_31 = arith.muli %add3A_29, %mul3A_30 : i32
    %scan3A_32 = arith.constant 0 : i32
    %scan3A_33 = arith.constant 81 : i32
    %scan3A_34 = arith.addi %scan3A_32, %scan3A_33 : i32
    %scan3A_35 = arith.constant 1 : i32
    scf.for %scan3A_38 = %scan3A_32 to %scan3A_34 step %scan3A_35  : i32 {
      %mul3A_39 = arith.constant 1 : i32
      %mul3A_40 = arith.muli %scan3A_38, %mul3A_39 : i32
      %add3A_41 = arith.constant 0 : i32
      %add3A_42 = arith.addi %add3A_41, %mul3A_40 : i32
      %mul3A_43 = arith.constant 128 : i32
      %mul3A_44 = arith.muli %add3A_42, %mul3A_43 : i32
      %add3A_45 = arith.addi %mul3A_31, %mul3A_44 : i32
      "tpu.region"() ({
        %run_scoped3A = tpu.sem_alloc : memref<!tpu.dma_semaphore, #tpu.memory_space<semaphore_mem>>
        %dma_start3A_58 = tpu.memref_slice %arg4[%add3A_45] : memref<331776xi32, #tpu.memory_space<hbm>> -> memref<128xi32, #tpu.memory_space<hbm>>
        %dma_start3A_59 = tpu.memref_slice %arg4[%add3A_45] : memref<331776xi32, #tpu.memory_space<hbm>> -> memref<128xi32, #tpu.memory_space<hbm>>
        tpu.enqueue_dma source(%dma_start3A_59 : memref<128xi32, #tpu.memory_space<hbm>>) target(%arg10 : memref<128xi32, #tpu.memory_space<vmem>>) target_semaphore(%run_scoped3A : memref<!tpu.dma_semaphore, #tpu.memory_space<semaphore_mem>>)
        %dma_wait3A_60 = tpu.memref_slice %arg4[%add3A_45] : memref<331776xi32, #tpu.memory_space<hbm>> -> memref<128xi32, #tpu.memory_space<hbm>>
        %dma_wait3A_61 = tpu.memref_slice %arg4[%add3A_45] : memref<331776xi32, #tpu.memory_space<hbm>> -> memref<128xi32, #tpu.memory_space<hbm>>
        tpu.wait_dma2 semaphore(%run_scoped3A : memref<!tpu.dma_semaphore, #tpu.memory_space<semaphore_mem>>) src(%dma_wait3A_61 : memref<128xi32, #tpu.memory_space<hbm>>) dst(%arg10 : memref<128xi32, #tpu.memory_space<vmem>>)
        tpu.yield
      }) : () -> ()
      "tpu.region"() ({
        %run_scoped3A = tpu.sem_alloc : memref<!tpu.dma_semaphore, #tpu.memory_space<semaphore_mem>>
        %dma_start3A_58 = tpu.memref_slice %arg5[%add3A_45] : memref<331776xi32, #tpu.memory_space<hbm>> -> memref<128xi32, #tpu.memory_space<hbm>>
        %dma_start3A_59 = tpu.memref_slice %arg5[%add3A_45] : memref<331776xi32, #tpu.memory_space<hbm>> -> memref<128xi32, #tpu.memory_space<hbm>>
        tpu.enqueue_dma source(%dma_start3A_59 : memref<128xi32, #tpu.memory_space<hbm>>) target(%arg11 : memref<128xi32, #tpu.memory_space<vmem>>) target_semaphore(%run_scoped3A : memref<!tpu.dma_semaphore, #tpu.memory_space<semaphore_mem>>)
        %dma_wait3A_60 = tpu.memref_slice %arg5[%add3A_45] : memref<331776xi32, #tpu.memory_space<hbm>> -> memref<128xi32, #tpu.memory_space<hbm>>
        %dma_wait3A_61 = tpu.memref_slice %arg5[%add3A_45] : memref<331776xi32, #tpu.memory_space<hbm>> -> memref<128xi32, #tpu.memory_space<hbm>>
        tpu.wait_dma2 semaphore(%run_scoped3A : memref<!tpu.dma_semaphore, #tpu.memory_space<semaphore_mem>>) src(%dma_wait3A_61 : memref<128xi32, #tpu.memory_space<hbm>>) dst(%arg11 : memref<128xi32, #tpu.memory_space<vmem>>)
        tpu.yield
      }) : () -> ()
      %dma_start3A = arith.constant 0 : i32
      %dma_start3A_46 = arith.constant 0 : i32
      %dma_start3A_47 = tpu.memref_slice %arg2[%dma_start3A, %dma_start3A_46] : memref<10240x64xf32, #tpu.memory_space<hbm>> -> memref<10240x64xf32, #tpu.memory_space<hbm>>
      tpu.enqueue_indirect_dma source(%dma_start3A_47 : memref<10240x64xf32, #tpu.memory_space<hbm>>) target(%arg12 : memref<128x64xf32, #tpu.memory_space<vmem>>) offsets(%arg10 : memref<128xi32, #tpu.memory_space<vmem>>) semaphore(%arg16 : memref<!tpu.dma_semaphore, #tpu.memory_space<semaphore_mem>>)
      %dma_start3A_48 = arith.constant 0 : i32
      %dma_start3A_49 = arith.constant 0 : i32
      %dma_start3A_50 = tpu.memref_slice %arg3[%dma_start3A_48, %dma_start3A_49] : memref<10240x16xf32, #tpu.memory_space<hbm>> -> memref<10240x16xf32, #tpu.memory_space<hbm>>
      tpu.enqueue_indirect_dma source(%dma_start3A_50 : memref<10240x16xf32, #tpu.memory_space<hbm>>) target(%arg13 : memref<128x16xf32, #tpu.memory_space<vmem>>) offsets(%arg11 : memref<128xi32, #tpu.memory_space<vmem>>) semaphore(%arg17 : memref<!tpu.dma_semaphore, #tpu.memory_space<semaphore_mem>>)
      %dma_wait3A = arith.constant 0 : i32
      %dma_wait3A_51 = arith.constant 0 : i32
      %dma_wait3A_52 = tpu.memref_slice %arg2[%dma_wait3A, %dma_wait3A_51] : memref<10240x64xf32, #tpu.memory_space<hbm>> -> memref<10240x64xf32, #tpu.memory_space<hbm>>
      tpu.wait_indirect_dma semaphore(%arg16 : memref<!tpu.dma_semaphore, #tpu.memory_space<semaphore_mem>>) src(%dma_wait3A_52 : memref<10240x64xf32, #tpu.memory_space<hbm>>) dst(%arg12 : memref<128x64xf32, #tpu.memory_space<vmem>>)
      %dma_wait3A_53 = arith.constant 0 : i32
      %dma_wait3A_54 = arith.constant 0 : i32
      %dma_wait3A_55 = tpu.memref_slice %arg3[%dma_wait3A_53, %dma_wait3A_54] : memref<10240x16xf32, #tpu.memory_space<hbm>> -> memref<10240x16xf32, #tpu.memory_space<hbm>>
      tpu.wait_indirect_dma semaphore(%arg17 : memref<!tpu.dma_semaphore, #tpu.memory_space<semaphore_mem>>) src(%dma_wait3A_55 : memref<10240x16xf32, #tpu.memory_space<hbm>>) dst(%arg13 : memref<128x16xf32, #tpu.memory_space<vmem>>)
      %parallel_loop3A = arith.constant 0 : i32
      %parallel_loop3A_56 = arith.constant 128 : i32
      %parallel_loop3A_57 = arith.constant 1 : i32
      scf.for %parallel_loop3A_58 = %parallel_loop3A to %parallel_loop3A_56 step %parallel_loop3A_57  : i32 {
        %parallel_loop3A_59 = arith.index_cast %parallel_loop3A_58 : i32 to index
        %parallel_loop3A_60 = arith.constant 0 : index
        %parallel_loop3A_61 = tpu.vector_load %arg12[%parallel_loop3A_59, %parallel_loop3A_60] {strides = array<i32>} : memref<128x64xf32, #tpu.memory_space<vmem>>, vector<1x16xf32>,
        %parallel_loop3A_62 = vector.shape_cast %parallel_loop3A_61 : vector<1x16xf32> to vector<16xf32>
        %parallel_loop3A_63 = arith.index_cast %parallel_loop3A_58 : i32 to index
        %parallel_loop3A_64 = arith.constant 0 : index
        %parallel_loop3A_65 = tpu.vector_load %arg13[%parallel_loop3A_63, %parallel_loop3A_64] {strides = array<i32>} : memref<128x16xf32, #tpu.memory_space<vmem>>, vector<1x16xf32>,
        %parallel_loop3A_66 = vector.shape_cast %parallel_loop3A_65 : vector<1x16xf32> to vector<16xf32>
        %parallel_loop3A_67 = arith.addf %parallel_loop3A_62, %parallel_loop3A_66 : vector<16xf32>
        %parallel_loop3A_68 = arith.constant 2.000000e-01 : f32
        %parallel_loop3A_69 = vector.broadcast %parallel_loop3A_68 : f32 to vector<16xf32>
        %parallel_loop3A_70 = arith.mulf %parallel_loop3A_69, %parallel_loop3A_67 : vector<16xf32>
        %parallel_loop3A_71 = arith.maximumf %parallel_loop3A_67, %parallel_loop3A_70 : vector<16xf32>
        %parallel_loop3A_72 = math.exp %parallel_loop3A_71 : vector<16xf32>
        %parallel_loop3A_73 = arith.index_cast %parallel_loop3A_58 : i32 to index
        %parallel_loop3A_74 = arith.constant 0 : index
        %parallel_loop3A_75 = tpu.vector_load %arg15[%parallel_loop3A_73, %parallel_loop3A_74] {strides = array<i32>} : memref<128x16xf32, #tpu.memory_space<vmem>>, vector<1x16xf32>,
        %parallel_loop3A_76 = vector.shape_cast %parallel_loop3A_75 : vector<1x16xf32> to vector<16xf32>
        %parallel_loop3A_77 = vector.shape_cast %parallel_loop3A_72 : vector<16xf32> to vector<1x16xf32>
        tpu.vector_store %arg15[%parallel_loop3A_73, %parallel_loop3A_74], %parallel_loop3A_77 {strides = array<i32>} : memref<128x16xf32, #tpu.memory_space<vmem>>, vector<1x16xf32>,
        %parallel_loop3A_78 = vector.shape_cast %broadcast_in_dim3A_26 : vector<16xi32> to vector<16x1xi32>
        %parallel_loop3A_79 = vector.shape_cast %parallel_loop3A_78 : vector<16x1xi32> to vector<16xi32>
        %parallel_loop3A_80 = tpu.dynamic_gather %parallel_loop3A_72[%parallel_loop3A_79] in [0] : vector<16xf32>, vector<16xi32> -> vector<16xf32>
        %parallel_loop3A_81 = arith.index_cast %parallel_loop3A_58 : i32 to index
        %parallel_loop3A_82 = arith.constant 16 : index
        %parallel_loop3A_83 = tpu.vector_load %arg12[%parallel_loop3A_81, %parallel_loop3A_82] {strides = array<i32>} : memref<128x64xf32, #tpu.memory_space<vmem>>, vector<1x16xf32>,
        %parallel_loop3A_84 = vector.shape_cast %parallel_loop3A_83 : vector<1x16xf32> to vector<16xf32>
        %parallel_loop3A_85 = arith.mulf %parallel_loop3A_84, %parallel_loop3A_80 : vector<16xf32>
        %parallel_loop3A_86 = arith.index_cast %parallel_loop3A_58 : i32 to index
        %parallel_loop3A_87 = arith.constant 0 : index
        %parallel_loop3A_88 = tpu.vector_load %arg14[%parallel_loop3A_86, %parallel_loop3A_87] {strides = array<i32>} : memref<128x48xf32, #tpu.memory_space<vmem>>, vector<1x16xf32>,
        %parallel_loop3A_89 = vector.shape_cast %parallel_loop3A_88 : vector<1x16xf32> to vector<16xf32>
        %parallel_loop3A_90 = vector.shape_cast %parallel_loop3A_85 : vector<16xf32> to vector<1x16xf32>
        tpu.vector_store %arg14[%parallel_loop3A_86, %parallel_loop3A_87], %parallel_loop3A_90 {strides = array<i32>} : memref<128x48xf32, #tpu.memory_space<vmem>>, vector<1x16xf32>,
        %parallel_loop3A_91 = arith.index_cast %parallel_loop3A_58 : i32 to index
        %parallel_loop3A_92 = arith.constant 32 : index
        %parallel_loop3A_93 = tpu.vector_load %arg12[%parallel_loop3A_91, %parallel_loop3A_92] {strides = array<i32>} : memref<128x64xf32, #tpu.memory_space<vmem>>, vector<1x16xf32>,
        %parallel_loop3A_94 = vector.shape_cast %parallel_loop3A_93 : vector<1x16xf32> to vector<16xf32>
        %parallel_loop3A_95 = arith.mulf %parallel_loop3A_94, %parallel_loop3A_80 : vector<16xf32>
        %parallel_loop3A_96 = arith.index_cast %parallel_loop3A_58 : i32 to index
        %parallel_loop3A_97 = arith.constant 16 : index
        %parallel_loop3A_98 = tpu.vector_load %arg14[%parallel_loop3A_96, %parallel_loop3A_97] {strides = array<i32>} : memref<128x48xf32, #tpu.memory_space<vmem>>, vector<1x16xf32>,
        %parallel_loop3A_99 = vector.shape_cast %parallel_loop3A_98 : vector<1x16xf32> to vector<16xf32>
        %parallel_loop3A_100 = vector.shape_cast %parallel_loop3A_95 : vector<16xf32> to vector<1x16xf32>
        tpu.vector_store %arg14[%parallel_loop3A_96, %parallel_loop3A_97], %parallel_loop3A_100 {strides = array<i32>} : memref<128x48xf32, #tpu.memory_space<vmem>>, vector<1x16xf32>,
        %parallel_loop3A_101 = arith.index_cast %parallel_loop3A_58 : i32 to index
        %parallel_loop3A_102 = arith.constant 48 : index
        %parallel_loop3A_103 = tpu.vector_load %arg12[%parallel_loop3A_101, %parallel_loop3A_102] {strides = array<i32>} : memref<128x64xf32, #tpu.memory_space<vmem>>, vector<1x16xf32>,
        %parallel_loop3A_104 = vector.shape_cast %parallel_loop3A_103 : vector<1x16xf32> to vector<16xf32>
        %parallel_loop3A_105 = arith.mulf %parallel_loop3A_104, %parallel_loop3A_80 : vector<16xf32>
        %parallel_loop3A_106 = arith.index_cast %parallel_loop3A_58 : i32 to index
        %parallel_loop3A_107 = arith.constant 32 : index
        %parallel_loop3A_108 = tpu.vector_load %arg14[%parallel_loop3A_106, %parallel_loop3A_107] {strides = array<i32>} : memref<128x48xf32, #tpu.memory_space<vmem>>, vector<1x16xf32>,
        %parallel_loop3A_109 = vector.shape_cast %parallel_loop3A_108 : vector<1x16xf32> to vector<16xf32>
        %parallel_loop3A_110 = vector.shape_cast %parallel_loop3A_105 : vector<16xf32> to vector<1x16xf32>
        tpu.vector_store %arg14[%parallel_loop3A_106, %parallel_loop3A_107], %parallel_loop3A_110 {strides = array<i32>} : memref<128x48xf32, #tpu.memory_space<vmem>>, vector<1x16xf32>,
      } {sc.loop_unroll_factor = 4 : i64, sc.parallel_access}
      "tpu.region"() ({
        %run_scoped3A = tpu.sem_alloc : memref<!tpu.dma_semaphore, #tpu.memory_space<semaphore_mem>>
        %dma_start3A_58 = arith.constant 0 : i32
        %dma_start3A_59 = arith.constant 0 : i32
        %dma_start3A_60 = tpu.memref_slice %arg8[%dma_start3A_58, %dma_start3A_59] : memref<10016x48xf32, #tpu.memory_space<vmem_shared>> -> memref<10016x48xf32, #tpu.memory_space<vmem_shared>>
        tpu.enqueue_indirect_dma source(%arg14 : memref<128x48xf32, #tpu.memory_space<vmem>>) target(%dma_start3A_60 : memref<10016x48xf32, #tpu.memory_space<vmem_shared>>) offsets(%arg11 : memref<128xi32, #tpu.memory_space<vmem>>) semaphore(%run_scoped3A : memref<!tpu.dma_semaphore, #tpu.memory_space<semaphore_mem>>) {add = true}
        %dma_wait3A_61 = arith.constant 0 : i32
        %dma_wait3A_62 = arith.constant 0 : i32
        %dma_wait3A_63 = tpu.memref_slice %arg8[%dma_wait3A_61, %dma_wait3A_62] : memref<10016x48xf32, #tpu.memory_space<vmem_shared>> -> memref<10016x48xf32, #tpu.memory_space<vmem_shared>>
        tpu.wait_indirect_dma semaphore(%run_scoped3A : memref<!tpu.dma_semaphore, #tpu.memory_space<semaphore_mem>>) src(%arg14 : memref<128x48xf32, #tpu.memory_space<vmem>>) dst(%dma_wait3A_63 : memref<10016x48xf32, #tpu.memory_space<vmem_shared>>)
        tpu.yield
      }) : () -> ()
      "tpu.region"() ({
        %run_scoped3A = tpu.sem_alloc : memref<!tpu.dma_semaphore, #tpu.memory_space<semaphore_mem>>
        %dma_start3A_58 = arith.constant 0 : i32
        %dma_start3A_59 = arith.constant 0 : i32
        %dma_start3A_60 = tpu.memref_slice %arg9[%dma_start3A_58, %dma_start3A_59] : memref<10016x16xf32, #tpu.memory_space<vmem_shared>> -> memref<10016x16xf32, #tpu.memory_space<vmem_shared>>
        tpu.enqueue_indirect_dma source(%arg15 : memref<128x16xf32, #tpu.memory_space<vmem>>) target(%dma_start3A_60 : memref<10016x16xf32, #tpu.memory_space<vmem_shared>>) offsets(%arg11 : memref<128xi32, #tpu.memory_space<vmem>>) semaphore(%run_scoped3A : memref<!tpu.dma_semaphore, #tpu.memory_space<semaphore_mem>>) {add = true}
        %dma_wait3A_61 = arith.constant 0 : i32
        %dma_wait3A_62 = arith.constant 0 : i32
        %dma_wait3A_63 = tpu.memref_slice %arg9[%dma_wait3A_61, %dma_wait3A_62] : memref<10016x16xf32, #tpu.memory_space<vmem_shared>> -> memref<10016x16xf32, #tpu.memory_space<vmem_shared>>
        tpu.wait_indirect_dma semaphore(%run_scoped3A : memref<!tpu.dma_semaphore, #tpu.memory_space<semaphore_mem>>) src(%arg15 : memref<128x16xf32, #tpu.memory_space<vmem>>) dst(%dma_wait3A_63 : memref<10016x16xf32, #tpu.memory_space<vmem_shared>>)
        tpu.yield
      }) : () -> ()
    }
    %scan3A_36 = arith.constant 81 : i32
    %barrier3A_37 = arith.constant 0 : index
    tpu.barrier barrier_id(%barrier3A_37)
    "tpu.region"() ({
      %run_scoped3A = tpu.sem_alloc : memref<!tpu.dma_semaphore, #tpu.memory_space<semaphore_mem>>
      %dma_start3A = arith.constant 0 : i32
      %dma_start3A_38 = tpu.memref_slice %arg6[%arg0, %mul3A_5, %dma_start3A] : memref<2x10240x48xf32, #tpu.memory_space<hbm>> -> memref<1x626x48xf32, #tpu.memory_space<hbm>>
      %dma_start3A_39 = tpu.memref_squeeze %dma_start3A_38 : memref<1x626x48xf32, #tpu.memory_space<hbm>> -> memref<626x48xf32, #tpu.memory_space<hbm>>
      %dma_start3A_40 = arith.constant 0 : i32
      %dma_start3A_41 = tpu.memref_slice %arg8[%mul3A_5, %dma_start3A_40] : memref<10016x48xf32, #tpu.memory_space<vmem_shared>> -> memref<626x48xf32, #tpu.memory_space<vmem_shared>>
      tpu.enqueue_dma source(%dma_start3A_41 : memref<626x48xf32, #tpu.memory_space<vmem_shared>>) target(%dma_start3A_39 : memref<626x48xf32, #tpu.memory_space<hbm>>) target_semaphore(%run_scoped3A : memref<!tpu.dma_semaphore, #tpu.memory_space<semaphore_mem>>)
      %dma_wait3A = arith.constant 0 : i32
      %dma_wait3A_42 = tpu.memref_slice %arg6[%arg0, %mul3A_5, %dma_wait3A] : memref<2x10240x48xf32, #tpu.memory_space<hbm>> -> memref<1x626x48xf32, #tpu.memory_space<hbm>>
      %dma_wait3A_43 = tpu.memref_squeeze %dma_wait3A_42 : memref<1x626x48xf32, #tpu.memory_space<hbm>> -> memref<626x48xf32, #tpu.memory_space<hbm>>
      %dma_wait3A_44 = arith.constant 0 : i32
      %dma_wait3A_45 = tpu.memref_slice %arg8[%mul3A_5, %dma_wait3A_44] : memref<10016x48xf32, #tpu.memory_space<vmem_shared>> -> memref<626x48xf32, #tpu.memory_space<vmem_shared>>
      tpu.wait_dma2 semaphore(%run_scoped3A : memref<!tpu.dma_semaphore, #tpu.memory_space<semaphore_mem>>) src(%dma_wait3A_45 : memref<626x48xf32, #tpu.memory_space<vmem_shared>>) dst(%dma_wait3A_43 : memref<626x48xf32, #tpu.memory_space<hbm>>)
      tpu.yield
    }) : () -> ()
    "tpu.region"() ({
      %run_scoped3A = tpu.sem_alloc : memref<!tpu.dma_semaphore, #tpu.memory_space<semaphore_mem>>
      %dma_start3A = arith.constant 0 : i32
      %dma_start3A_38 = tpu.memref_slice %arg7[%arg0, %mul3A_5, %dma_start3A] : memref<2x10240x16xf32, #tpu.memory_space<hbm>> -> memref<1x626x16xf32, #tpu.memory_space<hbm>>
      %dma_start3A_39 = tpu.memref_squeeze %dma_start3A_38 : memref<1x626x16xf32, #tpu.memory_space<hbm>> -> memref<626x16xf32, #tpu.memory_space<hbm>>
      %dma_start3A_40 = arith.constant 0 : i32
      %dma_start3A_41 = tpu.memref_slice %arg9[%mul3A_5, %dma_start3A_40] : memref<10016x16xf32, #tpu.memory_space<vmem_shared>> -> memref<626x16xf32, #tpu.memory_space<vmem_shared>>
      tpu.enqueue_dma source(%dma_start3A_41 : memref<626x16xf32, #tpu.memory_space<vmem_shared>>) target(%dma_start3A_39 : memref<626x16xf32, #tpu.memory_space<hbm>>) target_semaphore(%run_scoped3A : memref<!tpu.dma_semaphore, #tpu.memory_space<semaphore_mem>>)
      %dma_wait3A = arith.constant 0 : i32
      %dma_wait3A_42 = tpu.memref_slice %arg7[%arg0, %mul3A_5, %dma_wait3A] : memref<2x10240x16xf32, #tpu.memory_space<hbm>> -> memref<1x626x16xf32, #tpu.memory_space<hbm>>
      %dma_wait3A_43 = tpu.memref_squeeze %dma_wait3A_42 : memref<1x626x16xf32, #tpu.memory_space<hbm>> -> memref<626x16xf32, #tpu.memory_space<hbm>>
      %dma_wait3A_44 = arith.constant 0 : i32
      %dma_wait3A_45 = tpu.memref_slice %arg9[%mul3A_5, %dma_wait3A_44] : memref<10016x16xf32, #tpu.memory_space<vmem_shared>> -> memref<626x16xf32, #tpu.memory_space<vmem_shared>>
      tpu.wait_dma2 semaphore(%run_scoped3A : memref<!tpu.dma_semaphore, #tpu.memory_space<semaphore_mem>>) src(%dma_wait3A_45 : memref<626x16xf32, #tpu.memory_space<vmem_shared>>) dst(%dma_wait3A_43 : memref<626x16xf32, #tpu.memory_space<hbm>>)
      tpu.yield
    }) : () -> ()
    return
  }
}

#map = affine_map<(d0, d1) -> (0, 0)>
#map1 = affine_map<(d0, d1) -> (0)>
#map2 = affine_map<(d0, d1) -> (0, 0, 0)>
module attributes {stable_mosaic.version = 14 : i64} {
  func.func @k(%arg0: i32, %arg1: i32, %arg2: memref<20480x144xf32, #tpu.memory_space<hbm>>, %arg3: memref<20480x16xf32, #tpu.memory_space<hbm>>, %arg4: memref<331776xi32, #tpu.memory_space<hbm>>, %arg5: memref<331776xi32, #tpu.memory_space<hbm>>, %arg6: memref<2x10240x128xf32, #tpu.memory_space<hbm>>, %arg7: memref<2x10240x16xf32, #tpu.memory_space<hbm>>, %arg8: memref<10016x128xf32, #tpu.memory_space<vmem_shared>>, %arg9: memref<10016x16xf32, #tpu.memory_space<vmem_shared>>, %arg10: memref<128xi32, #tpu.memory_space<vmem>>, %arg11: memref<128xi32, #tpu.memory_space<vmem>>, %arg12: memref<128xi32, #tpu.memory_space<vmem>>, %arg13: memref<128xi32, #tpu.memory_space<vmem>>, %arg14: memref<128x144xf32, #tpu.memory_space<vmem>>, %arg15: memref<128x16xf32, #tpu.memory_space<vmem>>, %arg16: memref<128x128xf32, #tpu.memory_space<vmem>>, %arg17: memref<128x16xf32, #tpu.memory_space<vmem>>, %arg18: memref<!tpu.dma_semaphore, #tpu.memory_space<semaphore_mem>>, %arg19: memref<!tpu.dma_semaphore, #tpu.memory_space<semaphore_mem>>) attributes {dimension_semantics = [#tpu.dimension_semantics<core_parallel>, #tpu.dimension_semantics<subcore_parallel>], iteration_bounds = array<i64: 2, 16>, scalar_prefetch = 0 : i64, scratch_operands = 12 : i64, tpu.core_type = #tpu.core_type<sc_vector_subcore>, window_params = [{transform_indices = #map}, {transform_indices = #map}, {transform_indices = #map1}, {transform_indices = #map1}, {transform_indices = #map2}, {transform_indices = #map2}]} {
    %broadcast_in_dim3A = arith.constant 0.000000e+00 : f32
    %broadcast_in_dim3A_0 = vector.broadcast %broadcast_in_dim3A : f32 to vector<16xf32>
    %scan3A = arith.constant 0 : i32
    %scan3A_1 = arith.constant 128 : i32
    %scan3A_2 = arith.addi %scan3A, %scan3A_1 : i32
    %scan3A_3 = arith.constant 1 : i32
    scf.for %scan3A_37 = %scan3A to %scan3A_2 step %scan3A_3  : i32 {
      %mul3A_38 = arith.constant 1 : i32
      %mul3A_39 = arith.muli %scan3A_37, %mul3A_38 : i32
      %add3A_40 = arith.constant 0 : i32
      %add3A_41 = arith.addi %add3A_40, %mul3A_39 : i32
      %swap3A = arith.index_cast %add3A_41 : i32 to index
      %swap3A_42 = arith.constant 0 : index
      %swap3A_43 = tpu.vector_load %arg16[%swap3A, %swap3A_42] {strides = array<i32>} : memref<128x128xf32, #tpu.memory_space<vmem>>, vector<1x16xf32>,
      %swap3A_44 = vector.shape_cast %swap3A_43 : vector<1x16xf32> to vector<16xf32>
      %swap3A_45 = vector.shape_cast %broadcast_in_dim3A_0 : vector<16xf32> to vector<1x16xf32>
      tpu.vector_store %arg16[%swap3A, %swap3A_42], %swap3A_45 {strides = array<i32>} : memref<128x128xf32, #tpu.memory_space<vmem>>, vector<1x16xf32>,
      %swap3A_46 = arith.index_cast %add3A_41 : i32 to index
      %swap3A_47 = arith.constant 16 : index
      %swap3A_48 = tpu.vector_load %arg16[%swap3A_46, %swap3A_47] {strides = array<i32>} : memref<128x128xf32, #tpu.memory_space<vmem>>, vector<1x16xf32>,
      %swap3A_49 = vector.shape_cast %swap3A_48 : vector<1x16xf32> to vector<16xf32>
      %swap3A_50 = vector.shape_cast %broadcast_in_dim3A_0 : vector<16xf32> to vector<1x16xf32>
      tpu.vector_store %arg16[%swap3A_46, %swap3A_47], %swap3A_50 {strides = array<i32>} : memref<128x128xf32, #tpu.memory_space<vmem>>, vector<1x16xf32>,
      %swap3A_51 = arith.index_cast %add3A_41 : i32 to index
      %swap3A_52 = arith.constant 32 : index
      %swap3A_53 = tpu.vector_load %arg16[%swap3A_51, %swap3A_52] {strides = array<i32>} : memref<128x128xf32, #tpu.memory_space<vmem>>, vector<1x16xf32>,
      %swap3A_54 = vector.shape_cast %swap3A_53 : vector<1x16xf32> to vector<16xf32>
      %swap3A_55 = vector.shape_cast %broadcast_in_dim3A_0 : vector<16xf32> to vector<1x16xf32>
      tpu.vector_store %arg16[%swap3A_51, %swap3A_52], %swap3A_55 {strides = array<i32>} : memref<128x128xf32, #tpu.memory_space<vmem>>, vector<1x16xf32>,
      %swap3A_56 = arith.index_cast %add3A_41 : i32 to index
      %swap3A_57 = arith.constant 48 : index
      %swap3A_58 = tpu.vector_load %arg16[%swap3A_56, %swap3A_57] {strides = array<i32>} : memref<128x128xf32, #tpu.memory_space<vmem>>, vector<1x16xf32>,
      %swap3A_59 = vector.shape_cast %swap3A_58 : vector<1x16xf32> to vector<16xf32>
      %swap3A_60 = vector.shape_cast %broadcast_in_dim3A_0 : vector<16xf32> to vector<1x16xf32>
      tpu.vector_store %arg16[%swap3A_56, %swap3A_57], %swap3A_60 {strides = array<i32>} : memref<128x128xf32, #tpu.memory_space<vmem>>, vector<1x16xf32>,
      %swap3A_61 = arith.index_cast %add3A_41 : i32 to index
      %swap3A_62 = arith.constant 64 : index
      %swap3A_63 = tpu.vector_load %arg16[%swap3A_61, %swap3A_62] {strides = array<i32>} : memref<128x128xf32, #tpu.memory_space<vmem>>, vector<1x16xf32>,
      %swap3A_64 = vector.shape_cast %swap3A_63 : vector<1x16xf32> to vector<16xf32>
      %swap3A_65 = vector.shape_cast %broadcast_in_dim3A_0 : vector<16xf32> to vector<1x16xf32>
      tpu.vector_store %arg16[%swap3A_61, %swap3A_62], %swap3A_65 {strides = array<i32>} : memref<128x128xf32, #tpu.memory_space<vmem>>, vector<1x16xf32>,
      %swap3A_66 = arith.index_cast %add3A_41 : i32 to index
      %swap3A_67 = arith.constant 80 : index
      %swap3A_68 = tpu.vector_load %arg16[%swap3A_66, %swap3A_67] {strides = array<i32>} : memref<128x128xf32, #tpu.memory_space<vmem>>, vector<1x16xf32>,
      %swap3A_69 = vector.shape_cast %swap3A_68 : vector<1x16xf32> to vector<16xf32>
      %swap3A_70 = vector.shape_cast %broadcast_in_dim3A_0 : vector<16xf32> to vector<1x16xf32>
      tpu.vector_store %arg16[%swap3A_66, %swap3A_67], %swap3A_70 {strides = array<i32>} : memref<128x128xf32, #tpu.memory_space<vmem>>, vector<1x16xf32>,
      %swap3A_71 = arith.index_cast %add3A_41 : i32 to index
      %swap3A_72 = arith.constant 96 : index
      %swap3A_73 = tpu.vector_load %arg16[%swap3A_71, %swap3A_72] {strides = array<i32>} : memref<128x128xf32, #tpu.memory_space<vmem>>, vector<1x16xf32>,
      %swap3A_74 = vector.shape_cast %swap3A_73 : vector<1x16xf32> to vector<16xf32>
      %swap3A_75 = vector.shape_cast %broadcast_in_dim3A_0 : vector<16xf32> to vector<1x16xf32>
      tpu.vector_store %arg16[%swap3A_71, %swap3A_72], %swap3A_75 {strides = array<i32>} : memref<128x128xf32, #tpu.memory_space<vmem>>, vector<1x16xf32>,
      %swap3A_76 = arith.index_cast %add3A_41 : i32 to index
      %swap3A_77 = arith.constant 112 : index
      %swap3A_78 = tpu.vector_load %arg16[%swap3A_76, %swap3A_77] {strides = array<i32>} : memref<128x128xf32, #tpu.memory_space<vmem>>, vector<1x16xf32>,
      %swap3A_79 = vector.shape_cast %swap3A_78 : vector<1x16xf32> to vector<16xf32>
      %swap3A_80 = vector.shape_cast %broadcast_in_dim3A_0 : vector<16xf32> to vector<1x16xf32>
      tpu.vector_store %arg16[%swap3A_76, %swap3A_77], %swap3A_80 {strides = array<i32>} : memref<128x128xf32, #tpu.memory_space<vmem>>, vector<1x16xf32>,
      %swap3A_81 = arith.index_cast %add3A_41 : i32 to index
      %swap3A_82 = arith.constant 0 : index
      %swap3A_83 = tpu.vector_load %arg17[%swap3A_81, %swap3A_82] {strides = array<i32>} : memref<128x16xf32, #tpu.memory_space<vmem>>, vector<1x16xf32>,
      %swap3A_84 = vector.shape_cast %swap3A_83 : vector<1x16xf32> to vector<16xf32>
      %swap3A_85 = vector.shape_cast %broadcast_in_dim3A_0 : vector<16xf32> to vector<1x16xf32>
      tpu.vector_store %arg17[%swap3A_81, %swap3A_82], %swap3A_85 {strides = array<i32>} : memref<128x16xf32, #tpu.memory_space<vmem>>, vector<1x16xf32>,
    }
    %scan3A_4 = arith.constant 128 : i32
    %mul3A = arith.constant 626 : i32
    %mul3A_5 = arith.muli %arg1, %mul3A : i32
    %add3A = arith.constant 0 : i32
    %add3A_6 = arith.addi %mul3A_5, %add3A : i32
    "tpu.region"() ({
      %run_scoped3A = tpu.sem_alloc : memref<!tpu.dma_semaphore, #tpu.memory_space<semaphore_mem>>
      %dma_start3A = arith.constant 0 : i32
      %dma_start3A_37 = arith.constant 0 : i32
      %dma_start3A_38 = tpu.memref_slice %arg16[%dma_start3A, %dma_start3A_37] : memref<128x128xf32, #tpu.memory_space<vmem>> -> memref<128x128xf32, #tpu.memory_space<vmem>>
      %dma_start3A_39 = arith.constant 0 : i32
      %dma_start3A_40 = tpu.memref_slice %arg8[%add3A_6, %dma_start3A_39] : memref<10016x128xf32, #tpu.memory_space<vmem_shared>> -> memref<128x128xf32, #tpu.memory_space<vmem_shared>>
      %dma_start3A_41 = arith.constant 0 : i32
      %dma_start3A_42 = tpu.memref_slice %arg8[%add3A_6, %dma_start3A_41] : memref<10016x128xf32, #tpu.memory_space<vmem_shared>> -> memref<128x128xf32, #tpu.memory_space<vmem_shared>>
      %dma_start3A_43 = arith.constant 0 : i32
      %dma_start3A_44 = arith.constant 0 : i32
      %dma_start3A_45 = tpu.memref_slice %arg16[%dma_start3A_43, %dma_start3A_44] : memref<128x128xf32, #tpu.memory_space<vmem>> -> memref<128x128xf32, #tpu.memory_space<vmem>>
      tpu.enqueue_dma source(%dma_start3A_45 : memref<128x128xf32, #tpu.memory_space<vmem>>) target(%dma_start3A_42 : memref<128x128xf32, #tpu.memory_space<vmem_shared>>) target_semaphore(%run_scoped3A : memref<!tpu.dma_semaphore, #tpu.memory_space<semaphore_mem>>)
      %dma_wait3A = arith.constant 0 : i32
      %dma_wait3A_46 = arith.constant 0 : i32
      %dma_wait3A_47 = tpu.memref_slice %arg16[%dma_wait3A, %dma_wait3A_46] : memref<128x128xf32, #tpu.memory_space<vmem>> -> memref<128x128xf32, #tpu.memory_space<vmem>>
      %dma_wait3A_48 = arith.constant 0 : i32
      %dma_wait3A_49 = tpu.memref_slice %arg8[%add3A_6, %dma_wait3A_48] : memref<10016x128xf32, #tpu.memory_space<vmem_shared>> -> memref<128x128xf32, #tpu.memory_space<vmem_shared>>
      %dma_wait3A_50 = arith.constant 0 : i32
      %dma_wait3A_51 = tpu.memref_slice %arg8[%add3A_6, %dma_wait3A_50] : memref<10016x128xf32, #tpu.memory_space<vmem_shared>> -> memref<128x128xf32, #tpu.memory_space<vmem_shared>>
      %dma_wait3A_52 = arith.constant 0 : i32
      %dma_wait3A_53 = arith.constant 0 : i32
      %dma_wait3A_54 = tpu.memref_slice %arg16[%dma_wait3A_52, %dma_wait3A_53] : memref<128x128xf32, #tpu.memory_space<vmem>> -> memref<128x128xf32, #tpu.memory_space<vmem>>
      tpu.wait_dma2 semaphore(%run_scoped3A : memref<!tpu.dma_semaphore, #tpu.memory_space<semaphore_mem>>) src(%dma_wait3A_54 : memref<128x128xf32, #tpu.memory_space<vmem>>) dst(%dma_wait3A_51 : memref<128x128xf32, #tpu.memory_space<vmem_shared>>)
      tpu.yield
    }) : () -> ()
    %add3A_7 = arith.constant 0 : i32
    %add3A_8 = arith.addi %mul3A_5, %add3A_7 : i32
    "tpu.region"() ({
      %run_scoped3A = tpu.sem_alloc : memref<!tpu.dma_semaphore, #tpu.memory_space<semaphore_mem>>
      %dma_start3A = arith.constant 0 : i32
      %dma_start3A_37 = arith.constant 0 : i32
      %dma_start3A_38 = tpu.memref_slice %arg17[%dma_start3A, %dma_start3A_37] : memref<128x16xf32, #tpu.memory_space<vmem>> -> memref<128x16xf32, #tpu.memory_space<vmem>>
      %dma_start3A_39 = arith.constant 0 : i32
      %dma_start3A_40 = tpu.memref_slice %arg9[%add3A_8, %dma_start3A_39] : memref<10016x16xf32, #tpu.memory_space<vmem_shared>> -> memref<128x16xf32, #tpu.memory_space<vmem_shared>>
      %dma_start3A_41 = arith.constant 0 : i32
      %dma_start3A_42 = tpu.memref_slice %arg9[%add3A_8, %dma_start3A_41] : memref<10016x16xf32, #tpu.memory_space<vmem_shared>> -> memref<128x16xf32, #tpu.memory_space<vmem_shared>>
      %dma_start3A_43 = arith.constant 0 : i32
      %dma_start3A_44 = arith.constant 0 : i32
      %dma_start3A_45 = tpu.memref_slice %arg17[%dma_start3A_43, %dma_start3A_44] : memref<128x16xf32, #tpu.memory_space<vmem>> -> memref<128x16xf32, #tpu.memory_space<vmem>>
      tpu.enqueue_dma source(%dma_start3A_45 : memref<128x16xf32, #tpu.memory_space<vmem>>) target(%dma_start3A_42 : memref<128x16xf32, #tpu.memory_space<vmem_shared>>) target_semaphore(%run_scoped3A : memref<!tpu.dma_semaphore, #tpu.memory_space<semaphore_mem>>)
      %dma_wait3A = arith.constant 0 : i32
      %dma_wait3A_46 = arith.constant 0 : i32
      %dma_wait3A_47 = tpu.memref_slice %arg17[%dma_wait3A, %dma_wait3A_46] : memref<128x16xf32, #tpu.memory_space<vmem>> -> memref<128x16xf32, #tpu.memory_space<vmem>>
      %dma_wait3A_48 = arith.constant 0 : i32
      %dma_wait3A_49 = tpu.memref_slice %arg9[%add3A_8, %dma_wait3A_48] : memref<10016x16xf32, #tpu.memory_space<vmem_shared>> -> memref<128x16xf32, #tpu.memory_space<vmem_shared>>
      %dma_wait3A_50 = arith.constant 0 : i32
      %dma_wait3A_51 = tpu.memref_slice %arg9[%add3A_8, %dma_wait3A_50] : memref<10016x16xf32, #tpu.memory_space<vmem_shared>> -> memref<128x16xf32, #tpu.memory_space<vmem_shared>>
      %dma_wait3A_52 = arith.constant 0 : i32
      %dma_wait3A_53 = arith.constant 0 : i32
      %dma_wait3A_54 = tpu.memref_slice %arg17[%dma_wait3A_52, %dma_wait3A_53] : memref<128x16xf32, #tpu.memory_space<vmem>> -> memref<128x16xf32, #tpu.memory_space<vmem>>
      tpu.wait_dma2 semaphore(%run_scoped3A : memref<!tpu.dma_semaphore, #tpu.memory_space<semaphore_mem>>) src(%dma_wait3A_54 : memref<128x16xf32, #tpu.memory_space<vmem>>) dst(%dma_wait3A_51 : memref<128x16xf32, #tpu.memory_space<vmem_shared>>)
      tpu.yield
    }) : () -> ()
    %add3A_9 = arith.constant 128 : i32
    %add3A_10 = arith.addi %mul3A_5, %add3A_9 : i32
    "tpu.region"() ({
      %run_scoped3A = tpu.sem_alloc : memref<!tpu.dma_semaphore, #tpu.memory_space<semaphore_mem>>
      %dma_start3A = arith.constant 0 : i32
      %dma_start3A_37 = arith.constant 0 : i32
      %dma_start3A_38 = tpu.memref_slice %arg16[%dma_start3A, %dma_start3A_37] : memref<128x128xf32, #tpu.memory_space<vmem>> -> memref<128x128xf32, #tpu.memory_space<vmem>>
      %dma_start3A_39 = arith.constant 0 : i32
      %dma_start3A_40 = tpu.memref_slice %arg8[%add3A_10, %dma_start3A_39] : memref<10016x128xf32, #tpu.memory_space<vmem_shared>> -> memref<128x128xf32, #tpu.memory_space<vmem_shared>>
      %dma_start3A_41 = arith.constant 0 : i32
      %dma_start3A_42 = tpu.memref_slice %arg8[%add3A_10, %dma_start3A_41] : memref<10016x128xf32, #tpu.memory_space<vmem_shared>> -> memref<128x128xf32, #tpu.memory_space<vmem_shared>>
      %dma_start3A_43 = arith.constant 0 : i32
      %dma_start3A_44 = arith.constant 0 : i32
      %dma_start3A_45 = tpu.memref_slice %arg16[%dma_start3A_43, %dma_start3A_44] : memref<128x128xf32, #tpu.memory_space<vmem>> -> memref<128x128xf32, #tpu.memory_space<vmem>>
      tpu.enqueue_dma source(%dma_start3A_45 : memref<128x128xf32, #tpu.memory_space<vmem>>) target(%dma_start3A_42 : memref<128x128xf32, #tpu.memory_space<vmem_shared>>) target_semaphore(%run_scoped3A : memref<!tpu.dma_semaphore, #tpu.memory_space<semaphore_mem>>)
      %dma_wait3A = arith.constant 0 : i32
      %dma_wait3A_46 = arith.constant 0 : i32
      %dma_wait3A_47 = tpu.memref_slice %arg16[%dma_wait3A, %dma_wait3A_46] : memref<128x128xf32, #tpu.memory_space<vmem>> -> memref<128x128xf32, #tpu.memory_space<vmem>>
      %dma_wait3A_48 = arith.constant 0 : i32
      %dma_wait3A_49 = tpu.memref_slice %arg8[%add3A_10, %dma_wait3A_48] : memref<10016x128xf32, #tpu.memory_space<vmem_shared>> -> memref<128x128xf32, #tpu.memory_space<vmem_shared>>
      %dma_wait3A_50 = arith.constant 0 : i32
      %dma_wait3A_51 = tpu.memref_slice %arg8[%add3A_10, %dma_wait3A_50] : memref<10016x128xf32, #tpu.memory_space<vmem_shared>> -> memref<128x128xf32, #tpu.memory_space<vmem_shared>>
      %dma_wait3A_52 = arith.constant 0 : i32
      %dma_wait3A_53 = arith.constant 0 : i32
      %dma_wait3A_54 = tpu.memref_slice %arg16[%dma_wait3A_52, %dma_wait3A_53] : memref<128x128xf32, #tpu.memory_space<vmem>> -> memref<128x128xf32, #tpu.memory_space<vmem>>
      tpu.wait_dma2 semaphore(%run_scoped3A : memref<!tpu.dma_semaphore, #tpu.memory_space<semaphore_mem>>) src(%dma_wait3A_54 : memref<128x128xf32, #tpu.memory_space<vmem>>) dst(%dma_wait3A_51 : memref<128x128xf32, #tpu.memory_space<vmem_shared>>)
      tpu.yield
    }) : () -> ()
    %add3A_11 = arith.constant 128 : i32
    %add3A_12 = arith.addi %mul3A_5, %add3A_11 : i32
    "tpu.region"() ({
      %run_scoped3A = tpu.sem_alloc : memref<!tpu.dma_semaphore, #tpu.memory_space<semaphore_mem>>
      %dma_start3A = arith.constant 0 : i32
      %dma_start3A_37 = arith.constant 0 : i32
      %dma_start3A_38 = tpu.memref_slice %arg17[%dma_start3A, %dma_start3A_37] : memref<128x16xf32, #tpu.memory_space<vmem>> -> memref<128x16xf32, #tpu.memory_space<vmem>>
      %dma_start3A_39 = arith.constant 0 : i32
      %dma_start3A_40 = tpu.memref_slice %arg9[%add3A_12, %dma_start3A_39] : memref<10016x16xf32, #tpu.memory_space<vmem_shared>> -> memref<128x16xf32, #tpu.memory_space<vmem_shared>>
      %dma_start3A_41 = arith.constant 0 : i32
      %dma_start3A_42 = tpu.memref_slice %arg9[%add3A_12, %dma_start3A_41] : memref<10016x16xf32, #tpu.memory_space<vmem_shared>> -> memref<128x16xf32, #tpu.memory_space<vmem_shared>>
      %dma_start3A_43 = arith.constant 0 : i32
      %dma_start3A_44 = arith.constant 0 : i32
      %dma_start3A_45 = tpu.memref_slice %arg17[%dma_start3A_43, %dma_start3A_44] : memref<128x16xf32, #tpu.memory_space<vmem>> -> memref<128x16xf32, #tpu.memory_space<vmem>>
      tpu.enqueue_dma source(%dma_start3A_45 : memref<128x16xf32, #tpu.memory_space<vmem>>) target(%dma_start3A_42 : memref<128x16xf32, #tpu.memory_space<vmem_shared>>) target_semaphore(%run_scoped3A : memref<!tpu.dma_semaphore, #tpu.memory_space<semaphore_mem>>)
      %dma_wait3A = arith.constant 0 : i32
      %dma_wait3A_46 = arith.constant 0 : i32
      %dma_wait3A_47 = tpu.memref_slice %arg17[%dma_wait3A, %dma_wait3A_46] : memref<128x16xf32, #tpu.memory_space<vmem>> -> memref<128x16xf32, #tpu.memory_space<vmem>>
      %dma_wait3A_48 = arith.constant 0 : i32
      %dma_wait3A_49 = tpu.memref_slice %arg9[%add3A_12, %dma_wait3A_48] : memref<10016x16xf32, #tpu.memory_space<vmem_shared>> -> memref<128x16xf32, #tpu.memory_space<vmem_shared>>
      %dma_wait3A_50 = arith.constant 0 : i32
      %dma_wait3A_51 = tpu.memref_slice %arg9[%add3A_12, %dma_wait3A_50] : memref<10016x16xf32, #tpu.memory_space<vmem_shared>> -> memref<128x16xf32, #tpu.memory_space<vmem_shared>>
      %dma_wait3A_52 = arith.constant 0 : i32
      %dma_wait3A_53 = arith.constant 0 : i32
      %dma_wait3A_54 = tpu.memref_slice %arg17[%dma_wait3A_52, %dma_wait3A_53] : memref<128x16xf32, #tpu.memory_space<vmem>> -> memref<128x16xf32, #tpu.memory_space<vmem>>
      tpu.wait_dma2 semaphore(%run_scoped3A : memref<!tpu.dma_semaphore, #tpu.memory_space<semaphore_mem>>) src(%dma_wait3A_54 : memref<128x16xf32, #tpu.memory_space<vmem>>) dst(%dma_wait3A_51 : memref<128x16xf32, #tpu.memory_space<vmem_shared>>)
      tpu.yield
    }) : () -> ()
    %add3A_13 = arith.constant 256 : i32
    %add3A_14 = arith.addi %mul3A_5, %add3A_13 : i32
    "tpu.region"() ({
      %run_scoped3A = tpu.sem_alloc : memref<!tpu.dma_semaphore, #tpu.memory_space<semaphore_mem>>
      %dma_start3A = arith.constant 0 : i32
      %dma_start3A_37 = arith.constant 0 : i32
      %dma_start3A_38 = tpu.memref_slice %arg16[%dma_start3A, %dma_start3A_37] : memref<128x128xf32, #tpu.memory_space<vmem>> -> memref<128x128xf32, #tpu.memory_space<vmem>>
      %dma_start3A_39 = arith.constant 0 : i32
      %dma_start3A_40 = tpu.memref_slice %arg8[%add3A_14, %dma_start3A_39] : memref<10016x128xf32, #tpu.memory_space<vmem_shared>> -> memref<128x128xf32, #tpu.memory_space<vmem_shared>>
      %dma_start3A_41 = arith.constant 0 : i32
      %dma_start3A_42 = tpu.memref_slice %arg8[%add3A_14, %dma_start3A_41] : memref<10016x128xf32, #tpu.memory_space<vmem_shared>> -> memref<128x128xf32, #tpu.memory_space<vmem_shared>>
      %dma_start3A_43 = arith.constant 0 : i32
      %dma_start3A_44 = arith.constant 0 : i32
      %dma_start3A_45 = tpu.memref_slice %arg16[%dma_start3A_43, %dma_start3A_44] : memref<128x128xf32, #tpu.memory_space<vmem>> -> memref<128x128xf32, #tpu.memory_space<vmem>>
      tpu.enqueue_dma source(%dma_start3A_45 : memref<128x128xf32, #tpu.memory_space<vmem>>) target(%dma_start3A_42 : memref<128x128xf32, #tpu.memory_space<vmem_shared>>) target_semaphore(%run_scoped3A : memref<!tpu.dma_semaphore, #tpu.memory_space<semaphore_mem>>)
      %dma_wait3A = arith.constant 0 : i32
      %dma_wait3A_46 = arith.constant 0 : i32
      %dma_wait3A_47 = tpu.memref_slice %arg16[%dma_wait3A, %dma_wait3A_46] : memref<128x128xf32, #tpu.memory_space<vmem>> -> memref<128x128xf32, #tpu.memory_space<vmem>>
      %dma_wait3A_48 = arith.constant 0 : i32
      %dma_wait3A_49 = tpu.memref_slice %arg8[%add3A_14, %dma_wait3A_48] : memref<10016x128xf32, #tpu.memory_space<vmem_shared>> -> memref<128x128xf32, #tpu.memory_space<vmem_shared>>
      %dma_wait3A_50 = arith.constant 0 : i32
      %dma_wait3A_51 = tpu.memref_slice %arg8[%add3A_14, %dma_wait3A_50] : memref<10016x128xf32, #tpu.memory_space<vmem_shared>> -> memref<128x128xf32, #tpu.memory_space<vmem_shared>>
      %dma_wait3A_52 = arith.constant 0 : i32
      %dma_wait3A_53 = arith.constant 0 : i32
      %dma_wait3A_54 = tpu.memref_slice %arg16[%dma_wait3A_52, %dma_wait3A_53] : memref<128x128xf32, #tpu.memory_space<vmem>> -> memref<128x128xf32, #tpu.memory_space<vmem>>
      tpu.wait_dma2 semaphore(%run_scoped3A : memref<!tpu.dma_semaphore, #tpu.memory_space<semaphore_mem>>) src(%dma_wait3A_54 : memref<128x128xf32, #tpu.memory_space<vmem>>) dst(%dma_wait3A_51 : memref<128x128xf32, #tpu.memory_space<vmem_shared>>)
      tpu.yield
    }) : () -> ()
    %add3A_15 = arith.constant 256 : i32
    %add3A_16 = arith.addi %mul3A_5, %add3A_15 : i32
    "tpu.region"() ({
      %run_scoped3A = tpu.sem_alloc : memref<!tpu.dma_semaphore, #tpu.memory_space<semaphore_mem>>
      %dma_start3A = arith.constant 0 : i32
      %dma_start3A_37 = arith.constant 0 : i32
      %dma_start3A_38 = tpu.memref_slice %arg17[%dma_start3A, %dma_start3A_37] : memref<128x16xf32, #tpu.memory_space<vmem>> -> memref<128x16xf32, #tpu.memory_space<vmem>>
      %dma_start3A_39 = arith.constant 0 : i32
      %dma_start3A_40 = tpu.memref_slice %arg9[%add3A_16, %dma_start3A_39] : memref<10016x16xf32, #tpu.memory_space<vmem_shared>> -> memref<128x16xf32, #tpu.memory_space<vmem_shared>>
      %dma_start3A_41 = arith.constant 0 : i32
      %dma_start3A_42 = tpu.memref_slice %arg9[%add3A_16, %dma_start3A_41] : memref<10016x16xf32, #tpu.memory_space<vmem_shared>> -> memref<128x16xf32, #tpu.memory_space<vmem_shared>>
      %dma_start3A_43 = arith.constant 0 : i32
      %dma_start3A_44 = arith.constant 0 : i32
      %dma_start3A_45 = tpu.memref_slice %arg17[%dma_start3A_43, %dma_start3A_44] : memref<128x16xf32, #tpu.memory_space<vmem>> -> memref<128x16xf32, #tpu.memory_space<vmem>>
      tpu.enqueue_dma source(%dma_start3A_45 : memref<128x16xf32, #tpu.memory_space<vmem>>) target(%dma_start3A_42 : memref<128x16xf32, #tpu.memory_space<vmem_shared>>) target_semaphore(%run_scoped3A : memref<!tpu.dma_semaphore, #tpu.memory_space<semaphore_mem>>)
      %dma_wait3A = arith.constant 0 : i32
      %dma_wait3A_46 = arith.constant 0 : i32
      %dma_wait3A_47 = tpu.memref_slice %arg17[%dma_wait3A, %dma_wait3A_46] : memref<128x16xf32, #tpu.memory_space<vmem>> -> memref<128x16xf32, #tpu.memory_space<vmem>>
      %dma_wait3A_48 = arith.constant 0 : i32
      %dma_wait3A_49 = tpu.memref_slice %arg9[%add3A_16, %dma_wait3A_48] : memref<10016x16xf32, #tpu.memory_space<vmem_shared>> -> memref<128x16xf32, #tpu.memory_space<vmem_shared>>
      %dma_wait3A_50 = arith.constant 0 : i32
      %dma_wait3A_51 = tpu.memref_slice %arg9[%add3A_16, %dma_wait3A_50] : memref<10016x16xf32, #tpu.memory_space<vmem_shared>> -> memref<128x16xf32, #tpu.memory_space<vmem_shared>>
      %dma_wait3A_52 = arith.constant 0 : i32
      %dma_wait3A_53 = arith.constant 0 : i32
      %dma_wait3A_54 = tpu.memref_slice %arg17[%dma_wait3A_52, %dma_wait3A_53] : memref<128x16xf32, #tpu.memory_space<vmem>> -> memref<128x16xf32, #tpu.memory_space<vmem>>
      tpu.wait_dma2 semaphore(%run_scoped3A : memref<!tpu.dma_semaphore, #tpu.memory_space<semaphore_mem>>) src(%dma_wait3A_54 : memref<128x16xf32, #tpu.memory_space<vmem>>) dst(%dma_wait3A_51 : memref<128x16xf32, #tpu.memory_space<vmem_shared>>)
      tpu.yield
    }) : () -> ()
    %add3A_17 = arith.constant 384 : i32
    %add3A_18 = arith.addi %mul3A_5, %add3A_17 : i32
    "tpu.region"() ({
      %run_scoped3A = tpu.sem_alloc : memref<!tpu.dma_semaphore, #tpu.memory_space<semaphore_mem>>
      %dma_start3A = arith.constant 0 : i32
      %dma_start3A_37 = arith.constant 0 : i32
      %dma_start3A_38 = tpu.memref_slice %arg16[%dma_start3A, %dma_start3A_37] : memref<128x128xf32, #tpu.memory_space<vmem>> -> memref<128x128xf32, #tpu.memory_space<vmem>>
      %dma_start3A_39 = arith.constant 0 : i32
      %dma_start3A_40 = tpu.memref_slice %arg8[%add3A_18, %dma_start3A_39] : memref<10016x128xf32, #tpu.memory_space<vmem_shared>> -> memref<128x128xf32, #tpu.memory_space<vmem_shared>>
      %dma_start3A_41 = arith.constant 0 : i32
      %dma_start3A_42 = tpu.memref_slice %arg8[%add3A_18, %dma_start3A_41] : memref<10016x128xf32, #tpu.memory_space<vmem_shared>> -> memref<128x128xf32, #tpu.memory_space<vmem_shared>>
      %dma_start3A_43 = arith.constant 0 : i32
      %dma_start3A_44 = arith.constant 0 : i32
      %dma_start3A_45 = tpu.memref_slice %arg16[%dma_start3A_43, %dma_start3A_44] : memref<128x128xf32, #tpu.memory_space<vmem>> -> memref<128x128xf32, #tpu.memory_space<vmem>>
      tpu.enqueue_dma source(%dma_start3A_45 : memref<128x128xf32, #tpu.memory_space<vmem>>) target(%dma_start3A_42 : memref<128x128xf32, #tpu.memory_space<vmem_shared>>) target_semaphore(%run_scoped3A : memref<!tpu.dma_semaphore, #tpu.memory_space<semaphore_mem>>)
      %dma_wait3A = arith.constant 0 : i32
      %dma_wait3A_46 = arith.constant 0 : i32
      %dma_wait3A_47 = tpu.memref_slice %arg16[%dma_wait3A, %dma_wait3A_46] : memref<128x128xf32, #tpu.memory_space<vmem>> -> memref<128x128xf32, #tpu.memory_space<vmem>>
      %dma_wait3A_48 = arith.constant 0 : i32
      %dma_wait3A_49 = tpu.memref_slice %arg8[%add3A_18, %dma_wait3A_48] : memref<10016x128xf32, #tpu.memory_space<vmem_shared>> -> memref<128x128xf32, #tpu.memory_space<vmem_shared>>
      %dma_wait3A_50 = arith.constant 0 : i32
      %dma_wait3A_51 = tpu.memref_slice %arg8[%add3A_18, %dma_wait3A_50] : memref<10016x128xf32, #tpu.memory_space<vmem_shared>> -> memref<128x128xf32, #tpu.memory_space<vmem_shared>>
      %dma_wait3A_52 = arith.constant 0 : i32
      %dma_wait3A_53 = arith.constant 0 : i32
      %dma_wait3A_54 = tpu.memref_slice %arg16[%dma_wait3A_52, %dma_wait3A_53] : memref<128x128xf32, #tpu.memory_space<vmem>> -> memref<128x128xf32, #tpu.memory_space<vmem>>
      tpu.wait_dma2 semaphore(%run_scoped3A : memref<!tpu.dma_semaphore, #tpu.memory_space<semaphore_mem>>) src(%dma_wait3A_54 : memref<128x128xf32, #tpu.memory_space<vmem>>) dst(%dma_wait3A_51 : memref<128x128xf32, #tpu.memory_space<vmem_shared>>)
      tpu.yield
    }) : () -> ()
    %add3A_19 = arith.constant 384 : i32
    %add3A_20 = arith.addi %mul3A_5, %add3A_19 : i32
    "tpu.region"() ({
      %run_scoped3A = tpu.sem_alloc : memref<!tpu.dma_semaphore, #tpu.memory_space<semaphore_mem>>
      %dma_start3A = arith.constant 0 : i32
      %dma_start3A_37 = arith.constant 0 : i32
      %dma_start3A_38 = tpu.memref_slice %arg17[%dma_start3A, %dma_start3A_37] : memref<128x16xf32, #tpu.memory_space<vmem>> -> memref<128x16xf32, #tpu.memory_space<vmem>>
      %dma_start3A_39 = arith.constant 0 : i32
      %dma_start3A_40 = tpu.memref_slice %arg9[%add3A_20, %dma_start3A_39] : memref<10016x16xf32, #tpu.memory_space<vmem_shared>> -> memref<128x16xf32, #tpu.memory_space<vmem_shared>>
      %dma_start3A_41 = arith.constant 0 : i32
      %dma_start3A_42 = tpu.memref_slice %arg9[%add3A_20, %dma_start3A_41] : memref<10016x16xf32, #tpu.memory_space<vmem_shared>> -> memref<128x16xf32, #tpu.memory_space<vmem_shared>>
      %dma_start3A_43 = arith.constant 0 : i32
      %dma_start3A_44 = arith.constant 0 : i32
      %dma_start3A_45 = tpu.memref_slice %arg17[%dma_start3A_43, %dma_start3A_44] : memref<128x16xf32, #tpu.memory_space<vmem>> -> memref<128x16xf32, #tpu.memory_space<vmem>>
      tpu.enqueue_dma source(%dma_start3A_45 : memref<128x16xf32, #tpu.memory_space<vmem>>) target(%dma_start3A_42 : memref<128x16xf32, #tpu.memory_space<vmem_shared>>) target_semaphore(%run_scoped3A : memref<!tpu.dma_semaphore, #tpu.memory_space<semaphore_mem>>)
      %dma_wait3A = arith.constant 0 : i32
      %dma_wait3A_46 = arith.constant 0 : i32
      %dma_wait3A_47 = tpu.memref_slice %arg17[%dma_wait3A, %dma_wait3A_46] : memref<128x16xf32, #tpu.memory_space<vmem>> -> memref<128x16xf32, #tpu.memory_space<vmem>>
      %dma_wait3A_48 = arith.constant 0 : i32
      %dma_wait3A_49 = tpu.memref_slice %arg9[%add3A_20, %dma_wait3A_48] : memref<10016x16xf32, #tpu.memory_space<vmem_shared>> -> memref<128x16xf32, #tpu.memory_space<vmem_shared>>
      %dma_wait3A_50 = arith.constant 0 : i32
      %dma_wait3A_51 = tpu.memref_slice %arg9[%add3A_20, %dma_wait3A_50] : memref<10016x16xf32, #tpu.memory_space<vmem_shared>> -> memref<128x16xf32, #tpu.memory_space<vmem_shared>>
      %dma_wait3A_52 = arith.constant 0 : i32
      %dma_wait3A_53 = arith.constant 0 : i32
      %dma_wait3A_54 = tpu.memref_slice %arg17[%dma_wait3A_52, %dma_wait3A_53] : memref<128x16xf32, #tpu.memory_space<vmem>> -> memref<128x16xf32, #tpu.memory_space<vmem>>
      tpu.wait_dma2 semaphore(%run_scoped3A : memref<!tpu.dma_semaphore, #tpu.memory_space<semaphore_mem>>) src(%dma_wait3A_54 : memref<128x16xf32, #tpu.memory_space<vmem>>) dst(%dma_wait3A_51 : memref<128x16xf32, #tpu.memory_space<vmem_shared>>)
      tpu.yield
    }) : () -> ()
    %add3A_21 = arith.constant 512 : i32
    %add3A_22 = arith.addi %mul3A_5, %add3A_21 : i32
    "tpu.region"() ({
      %run_scoped3A = tpu.sem_alloc : memref<!tpu.dma_semaphore, #tpu.memory_space<semaphore_mem>>
      %dma_start3A = arith.constant 0 : i32
      %dma_start3A_37 = arith.constant 0 : i32
      %dma_start3A_38 = tpu.memref_slice %arg16[%dma_start3A, %dma_start3A_37] : memref<128x128xf32, #tpu.memory_space<vmem>> -> memref<114x128xf32, #tpu.memory_space<vmem>>
      %dma_start3A_39 = arith.constant 0 : i32
      %dma_start3A_40 = tpu.memref_slice %arg8[%add3A_22, %dma_start3A_39] : memref<10016x128xf32, #tpu.memory_space<vmem_shared>> -> memref<114x128xf32, #tpu.memory_space<vmem_shared>>
      %dma_start3A_41 = arith.constant 0 : i32
      %dma_start3A_42 = tpu.memref_slice %arg8[%add3A_22, %dma_start3A_41] : memref<10016x128xf32, #tpu.memory_space<vmem_shared>> -> memref<114x128xf32, #tpu.memory_space<vmem_shared>>
      %dma_start3A_43 = arith.constant 0 : i32
      %dma_start3A_44 = arith.constant 0 : i32
      %dma_start3A_45 = tpu.memref_slice %arg16[%dma_start3A_43, %dma_start3A_44] : memref<128x128xf32, #tpu.memory_space<vmem>> -> memref<114x128xf32, #tpu.memory_space<vmem>>
      tpu.enqueue_dma source(%dma_start3A_45 : memref<114x128xf32, #tpu.memory_space<vmem>>) target(%dma_start3A_42 : memref<114x128xf32, #tpu.memory_space<vmem_shared>>) target_semaphore(%run_scoped3A : memref<!tpu.dma_semaphore, #tpu.memory_space<semaphore_mem>>)
      %dma_wait3A = arith.constant 0 : i32
      %dma_wait3A_46 = arith.constant 0 : i32
      %dma_wait3A_47 = tpu.memref_slice %arg16[%dma_wait3A, %dma_wait3A_46] : memref<128x128xf32, #tpu.memory_space<vmem>> -> memref<114x128xf32, #tpu.memory_space<vmem>>
      %dma_wait3A_48 = arith.constant 0 : i32
      %dma_wait3A_49 = tpu.memref_slice %arg8[%add3A_22, %dma_wait3A_48] : memref<10016x128xf32, #tpu.memory_space<vmem_shared>> -> memref<114x128xf32, #tpu.memory_space<vmem_shared>>
      %dma_wait3A_50 = arith.constant 0 : i32
      %dma_wait3A_51 = tpu.memref_slice %arg8[%add3A_22, %dma_wait3A_50] : memref<10016x128xf32, #tpu.memory_space<vmem_shared>> -> memref<114x128xf32, #tpu.memory_space<vmem_shared>>
      %dma_wait3A_52 = arith.constant 0 : i32
      %dma_wait3A_53 = arith.constant 0 : i32
      %dma_wait3A_54 = tpu.memref_slice %arg16[%dma_wait3A_52, %dma_wait3A_53] : memref<128x128xf32, #tpu.memory_space<vmem>> -> memref<114x128xf32, #tpu.memory_space<vmem>>
      tpu.wait_dma2 semaphore(%run_scoped3A : memref<!tpu.dma_semaphore, #tpu.memory_space<semaphore_mem>>) src(%dma_wait3A_54 : memref<114x128xf32, #tpu.memory_space<vmem>>) dst(%dma_wait3A_51 : memref<114x128xf32, #tpu.memory_space<vmem_shared>>)
      tpu.yield
    }) : () -> ()
    %add3A_23 = arith.constant 512 : i32
    %add3A_24 = arith.addi %mul3A_5, %add3A_23 : i32
    "tpu.region"() ({
      %run_scoped3A = tpu.sem_alloc : memref<!tpu.dma_semaphore, #tpu.memory_space<semaphore_mem>>
      %dma_start3A = arith.constant 0 : i32
      %dma_start3A_37 = arith.constant 0 : i32
      %dma_start3A_38 = tpu.memref_slice %arg17[%dma_start3A, %dma_start3A_37] : memref<128x16xf32, #tpu.memory_space<vmem>> -> memref<114x16xf32, #tpu.memory_space<vmem>>
      %dma_start3A_39 = arith.constant 0 : i32
      %dma_start3A_40 = tpu.memref_slice %arg9[%add3A_24, %dma_start3A_39] : memref<10016x16xf32, #tpu.memory_space<vmem_shared>> -> memref<114x16xf32, #tpu.memory_space<vmem_shared>>
      %dma_start3A_41 = arith.constant 0 : i32
      %dma_start3A_42 = tpu.memref_slice %arg9[%add3A_24, %dma_start3A_41] : memref<10016x16xf32, #tpu.memory_space<vmem_shared>> -> memref<114x16xf32, #tpu.memory_space<vmem_shared>>
      %dma_start3A_43 = arith.constant 0 : i32
      %dma_start3A_44 = arith.constant 0 : i32
      %dma_start3A_45 = tpu.memref_slice %arg17[%dma_start3A_43, %dma_start3A_44] : memref<128x16xf32, #tpu.memory_space<vmem>> -> memref<114x16xf32, #tpu.memory_space<vmem>>
      tpu.enqueue_dma source(%dma_start3A_45 : memref<114x16xf32, #tpu.memory_space<vmem>>) target(%dma_start3A_42 : memref<114x16xf32, #tpu.memory_space<vmem_shared>>) target_semaphore(%run_scoped3A : memref<!tpu.dma_semaphore, #tpu.memory_space<semaphore_mem>>)
      %dma_wait3A = arith.constant 0 : i32
      %dma_wait3A_46 = arith.constant 0 : i32
      %dma_wait3A_47 = tpu.memref_slice %arg17[%dma_wait3A, %dma_wait3A_46] : memref<128x16xf32, #tpu.memory_space<vmem>> -> memref<114x16xf32, #tpu.memory_space<vmem>>
      %dma_wait3A_48 = arith.constant 0 : i32
      %dma_wait3A_49 = tpu.memref_slice %arg9[%add3A_24, %dma_wait3A_48] : memref<10016x16xf32, #tpu.memory_space<vmem_shared>> -> memref<114x16xf32, #tpu.memory_space<vmem_shared>>
      %dma_wait3A_50 = arith.constant 0 : i32
      %dma_wait3A_51 = tpu.memref_slice %arg9[%add3A_24, %dma_wait3A_50] : memref<10016x16xf32, #tpu.memory_space<vmem_shared>> -> memref<114x16xf32, #tpu.memory_space<vmem_shared>>
      %dma_wait3A_52 = arith.constant 0 : i32
      %dma_wait3A_53 = arith.constant 0 : i32
      %dma_wait3A_54 = tpu.memref_slice %arg17[%dma_wait3A_52, %dma_wait3A_53] : memref<128x16xf32, #tpu.memory_space<vmem>> -> memref<114x16xf32, #tpu.memory_space<vmem>>
      tpu.wait_dma2 semaphore(%run_scoped3A : memref<!tpu.dma_semaphore, #tpu.memory_space<semaphore_mem>>) src(%dma_wait3A_54 : memref<114x16xf32, #tpu.memory_space<vmem>>) dst(%dma_wait3A_51 : memref<114x16xf32, #tpu.memory_space<vmem_shared>>)
      tpu.yield
    }) : () -> ()
    %barrier3A = arith.constant 0 : index
    tpu.barrier barrier_id(%barrier3A)
    %iota3A = tpu.iota {dimensions = array<i32: 0>} : vector<16xi32>
    %and3A = arith.constant 3 : i32
    %and3A_25 = vector.broadcast %and3A : i32 to vector<16xi32>
    %and3A_26 = arith.andi %iota3A, %and3A_25 : vector<16xi32>
    %mul3A_27 = arith.constant 10240 : i32
    %mul3A_28 = arith.muli %arg0, %mul3A_27 : i32
    %mul3A_29 = arith.constant 20736 : i32
    %mul3A_30 = arith.muli %arg1, %mul3A_29 : i32
    %scan3A_31 = arith.constant 0 : i32
    %scan3A_32 = arith.constant 162 : i32
    %scan3A_33 = arith.addi %scan3A_31, %scan3A_32 : i32
    %scan3A_34 = arith.constant 1 : i32
    scf.for %scan3A_37 = %scan3A_31 to %scan3A_33 step %scan3A_34  : i32 {
      %mul3A_38 = arith.constant 1 : i32
      %mul3A_39 = arith.muli %scan3A_37, %mul3A_38 : i32
      %add3A_40 = arith.constant 0 : i32
      %add3A_41 = arith.addi %add3A_40, %mul3A_39 : i32
      %mul3A_42 = arith.constant 128 : i32
      %mul3A_43 = arith.muli %add3A_41, %mul3A_42 : i32
      %add3A_44 = arith.addi %mul3A_30, %mul3A_43 : i32
      "tpu.region"() ({
        %run_scoped3A = tpu.sem_alloc : memref<!tpu.dma_semaphore, #tpu.memory_space<semaphore_mem>>
        %dma_start3A_60 = tpu.memref_slice %arg4[%add3A_44] : memref<331776xi32, #tpu.memory_space<hbm>> -> memref<128xi32, #tpu.memory_space<hbm>>
        %dma_start3A_61 = tpu.memref_slice %arg4[%add3A_44] : memref<331776xi32, #tpu.memory_space<hbm>> -> memref<128xi32, #tpu.memory_space<hbm>>
        tpu.enqueue_dma source(%dma_start3A_61 : memref<128xi32, #tpu.memory_space<hbm>>) target(%arg10 : memref<128xi32, #tpu.memory_space<vmem>>) target_semaphore(%run_scoped3A : memref<!tpu.dma_semaphore, #tpu.memory_space<semaphore_mem>>)
        %dma_wait3A_62 = tpu.memref_slice %arg4[%add3A_44] : memref<331776xi32, #tpu.memory_space<hbm>> -> memref<128xi32, #tpu.memory_space<hbm>>
        %dma_wait3A_63 = tpu.memref_slice %arg4[%add3A_44] : memref<331776xi32, #tpu.memory_space<hbm>> -> memref<128xi32, #tpu.memory_space<hbm>>
        tpu.wait_dma2 semaphore(%run_scoped3A : memref<!tpu.dma_semaphore, #tpu.memory_space<semaphore_mem>>) src(%dma_wait3A_63 : memref<128xi32, #tpu.memory_space<hbm>>) dst(%arg10 : memref<128xi32, #tpu.memory_space<vmem>>)
        tpu.yield
      }) : () -> ()
      "tpu.region"() ({
        %run_scoped3A = tpu.sem_alloc : memref<!tpu.dma_semaphore, #tpu.memory_space<semaphore_mem>>
        %dma_start3A_60 = tpu.memref_slice %arg5[%add3A_44] : memref<331776xi32, #tpu.memory_space<hbm>> -> memref<128xi32, #tpu.memory_space<hbm>>
        %dma_start3A_61 = tpu.memref_slice %arg5[%add3A_44] : memref<331776xi32, #tpu.memory_space<hbm>> -> memref<128xi32, #tpu.memory_space<hbm>>
        tpu.enqueue_dma source(%dma_start3A_61 : memref<128xi32, #tpu.memory_space<hbm>>) target(%arg11 : memref<128xi32, #tpu.memory_space<vmem>>) target_semaphore(%run_scoped3A : memref<!tpu.dma_semaphore, #tpu.memory_space<semaphore_mem>>)
        %dma_wait3A_62 = tpu.memref_slice %arg5[%add3A_44] : memref<331776xi32, #tpu.memory_space<hbm>> -> memref<128xi32, #tpu.memory_space<hbm>>
        %dma_wait3A_63 = tpu.memref_slice %arg5[%add3A_44] : memref<331776xi32, #tpu.memory_space<hbm>> -> memref<128xi32, #tpu.memory_space<hbm>>
        tpu.wait_dma2 semaphore(%run_scoped3A : memref<!tpu.dma_semaphore, #tpu.memory_space<semaphore_mem>>) src(%dma_wait3A_63 : memref<128xi32, #tpu.memory_space<hbm>>) dst(%arg11 : memref<128xi32, #tpu.memory_space<vmem>>)
        tpu.yield
      }) : () -> ()
      %parallel_loop3A = arith.constant 0 : i32
      %parallel_loop3A_45 = arith.constant 128 : i32
      %parallel_loop3A_46 = arith.constant 16 : i32
      scf.for %parallel_loop3A_60 = %parallel_loop3A to %parallel_loop3A_45 step %parallel_loop3A_46  : i32 {
        %parallel_loop3A_61 = arith.index_cast %parallel_loop3A_60 : i32 to index
        %parallel_loop3A_62 = tpu.vector_load %arg10[%parallel_loop3A_61] {strides = array<i32>} : memref<128xi32, #tpu.memory_space<vmem>>, vector<16xi32>,
        %parallel_loop3A_63 = vector.shape_cast %parallel_loop3A_62 : vector<16xi32> to vector<16xi32>
        %parallel_loop3A_64 = vector.broadcast %mul3A_28 : i32 to vector<16xi32>
        %parallel_loop3A_65 = arith.addi %parallel_loop3A_63, %parallel_loop3A_64 : vector<16xi32>
        %parallel_loop3A_66 = arith.index_cast %parallel_loop3A_60 : i32 to index
        %parallel_loop3A_67 = tpu.vector_load %arg12[%parallel_loop3A_66] {strides = array<i32>} : memref<128xi32, #tpu.memory_space<vmem>>, vector<16xi32>,
        %parallel_loop3A_68 = vector.shape_cast %parallel_loop3A_67 : vector<16xi32> to vector<16xi32>
        %parallel_loop3A_69 = vector.shape_cast %parallel_loop3A_65 : vector<16xi32> to vector<16xi32>
        tpu.vector_store %arg12[%parallel_loop3A_66], %parallel_loop3A_69 {strides = array<i32>} : memref<128xi32, #tpu.memory_space<vmem>>, vector<16xi32>,
        %parallel_loop3A_70 = arith.index_cast %parallel_loop3A_60 : i32 to index
        %parallel_loop3A_71 = tpu.vector_load %arg11[%parallel_loop3A_70] {strides = array<i32>} : memref<128xi32, #tpu.memory_space<vmem>>, vector<16xi32>,
        %parallel_loop3A_72 = vector.shape_cast %parallel_loop3A_71 : vector<16xi32> to vector<16xi32>
        %parallel_loop3A_73 = vector.broadcast %mul3A_28 : i32 to vector<16xi32>
        %parallel_loop3A_74 = arith.addi %parallel_loop3A_72, %parallel_loop3A_73 : vector<16xi32>
        %parallel_loop3A_75 = arith.index_cast %parallel_loop3A_60 : i32 to index
        %parallel_loop3A_76 = tpu.vector_load %arg13[%parallel_loop3A_75] {strides = array<i32>} : memref<128xi32, #tpu.memory_space<vmem>>, vector<16xi32>,
        %parallel_loop3A_77 = vector.shape_cast %parallel_loop3A_76 : vector<16xi32> to vector<16xi32>
        %parallel_loop3A_78 = vector.shape_cast %parallel_loop3A_74 : vector<16xi32> to vector<16xi32>
        tpu.vector_store %arg13[%parallel_loop3A_75], %parallel_loop3A_78 {strides = array<i32>} : memref<128xi32, #tpu.memory_space<vmem>>, vector<16xi32>,
      } {sc.loop_unroll_factor = 4 : i64, sc.parallel_access}
      %dma_start3A = arith.constant 0 : i32
      %dma_start3A_47 = arith.constant 0 : i32
      %dma_start3A_48 = tpu.memref_slice %arg2[%dma_start3A, %dma_start3A_47] : memref<20480x144xf32, #tpu.memory_space<hbm>> -> memref<20480x144xf32, #tpu.memory_space<hbm>>
      tpu.enqueue_indirect_dma source(%dma_start3A_48 : memref<20480x144xf32, #tpu.memory_space<hbm>>) target(%arg14 : memref<128x144xf32, #tpu.memory_space<vmem>>) offsets(%arg12 : memref<128xi32, #tpu.memory_space<vmem>>) semaphore(%arg18 : memref<!tpu.dma_semaphore, #tpu.memory_space<semaphore_mem>>)
      %dma_start3A_49 = arith.constant 0 : i32
      %dma_start3A_50 = arith.constant 0 : i32
      %dma_start3A_51 = tpu.memref_slice %arg3[%dma_start3A_49, %dma_start3A_50] : memref<20480x16xf32, #tpu.memory_space<hbm>> -> memref<20480x16xf32, #tpu.memory_space<hbm>>
      tpu.enqueue_indirect_dma source(%dma_start3A_51 : memref<20480x16xf32, #tpu.memory_space<hbm>>) target(%arg15 : memref<128x16xf32, #tpu.memory_space<vmem>>) offsets(%arg13 : memref<128xi32, #tpu.memory_space<vmem>>) semaphore(%arg19 : memref<!tpu.dma_semaphore, #tpu.memory_space<semaphore_mem>>)
      %dma_wait3A = arith.constant 0 : i32
      %dma_wait3A_52 = arith.constant 0 : i32
      %dma_wait3A_53 = tpu.memref_slice %arg2[%dma_wait3A, %dma_wait3A_52] : memref<20480x144xf32, #tpu.memory_space<hbm>> -> memref<20480x144xf32, #tpu.memory_space<hbm>>
      tpu.wait_indirect_dma semaphore(%arg18 : memref<!tpu.dma_semaphore, #tpu.memory_space<semaphore_mem>>) src(%dma_wait3A_53 : memref<20480x144xf32, #tpu.memory_space<hbm>>) dst(%arg14 : memref<128x144xf32, #tpu.memory_space<vmem>>)
      %dma_wait3A_54 = arith.constant 0 : i32
      %dma_wait3A_55 = arith.constant 0 : i32
      %dma_wait3A_56 = tpu.memref_slice %arg3[%dma_wait3A_54, %dma_wait3A_55] : memref<20480x16xf32, #tpu.memory_space<hbm>> -> memref<20480x16xf32, #tpu.memory_space<hbm>>
      tpu.wait_indirect_dma semaphore(%arg19 : memref<!tpu.dma_semaphore, #tpu.memory_space<semaphore_mem>>) src(%dma_wait3A_56 : memref<20480x16xf32, #tpu.memory_space<hbm>>) dst(%arg15 : memref<128x16xf32, #tpu.memory_space<vmem>>)
      %parallel_loop3A_57 = arith.constant 0 : i32
      %parallel_loop3A_58 = arith.constant 128 : i32
      %parallel_loop3A_59 = arith.constant 1 : i32
      scf.for %parallel_loop3A_60 = %parallel_loop3A_57 to %parallel_loop3A_58 step %parallel_loop3A_59  : i32 {
        %parallel_loop3A_61 = arith.index_cast %parallel_loop3A_60 : i32 to index
        %parallel_loop3A_62 = arith.constant 0 : index
        %parallel_loop3A_63 = tpu.vector_load %arg14[%parallel_loop3A_61, %parallel_loop3A_62] {strides = array<i32>} : memref<128x144xf32, #tpu.memory_space<vmem>>, vector<1x16xf32>,
        %parallel_loop3A_64 = vector.shape_cast %parallel_loop3A_63 : vector<1x16xf32> to vector<16xf32>
        %parallel_loop3A_65 = arith.index_cast %parallel_loop3A_60 : i32 to index
        %parallel_loop3A_66 = arith.constant 0 : index
        %parallel_loop3A_67 = tpu.vector_load %arg15[%parallel_loop3A_65, %parallel_loop3A_66] {strides = array<i32>} : memref<128x16xf32, #tpu.memory_space<vmem>>, vector<1x16xf32>,
        %parallel_loop3A_68 = vector.shape_cast %parallel_loop3A_67 : vector<1x16xf32> to vector<16xf32>
        %parallel_loop3A_69 = arith.addf %parallel_loop3A_64, %parallel_loop3A_68 : vector<16xf32>
        %parallel_loop3A_70 = arith.constant 2.000000e-01 : f32
        %parallel_loop3A_71 = vector.broadcast %parallel_loop3A_70 : f32 to vector<16xf32>
        %parallel_loop3A_72 = arith.mulf %parallel_loop3A_71, %parallel_loop3A_69 : vector<16xf32>
        %parallel_loop3A_73 = arith.maximumf %parallel_loop3A_69, %parallel_loop3A_72 : vector<16xf32>
        %parallel_loop3A_74 = math.exp %parallel_loop3A_73 : vector<16xf32>
        %parallel_loop3A_75 = arith.index_cast %parallel_loop3A_60 : i32 to index
        %parallel_loop3A_76 = arith.constant 0 : index
        %parallel_loop3A_77 = tpu.vector_load %arg17[%parallel_loop3A_75, %parallel_loop3A_76] {strides = array<i32>} : memref<128x16xf32, #tpu.memory_space<vmem>>, vector<1x16xf32>,
        %parallel_loop3A_78 = vector.shape_cast %parallel_loop3A_77 : vector<1x16xf32> to vector<16xf32>
        %parallel_loop3A_79 = vector.shape_cast %parallel_loop3A_74 : vector<16xf32> to vector<1x16xf32>
        tpu.vector_store %arg17[%parallel_loop3A_75, %parallel_loop3A_76], %parallel_loop3A_79 {strides = array<i32>} : memref<128x16xf32, #tpu.memory_space<vmem>>, vector<1x16xf32>,
        %parallel_loop3A_80 = vector.shape_cast %and3A_26 : vector<16xi32> to vector<16x1xi32>
        %parallel_loop3A_81 = vector.shape_cast %parallel_loop3A_80 : vector<16x1xi32> to vector<16xi32>
        %parallel_loop3A_82 = tpu.dynamic_gather %parallel_loop3A_74[%parallel_loop3A_81] in [0] : vector<16xf32>, vector<16xi32> -> vector<16xf32>
        %parallel_loop3A_83 = arith.index_cast %parallel_loop3A_60 : i32 to index
        %parallel_loop3A_84 = arith.constant 16 : index
        %parallel_loop3A_85 = tpu.vector_load %arg14[%parallel_loop3A_83, %parallel_loop3A_84] {strides = array<i32>} : memref<128x144xf32, #tpu.memory_space<vmem>>, vector<1x16xf32>,
        %parallel_loop3A_86 = vector.shape_cast %parallel_loop3A_85 : vector<1x16xf32> to vector<16xf32>
        %parallel_loop3A_87 = arith.mulf %parallel_loop3A_86, %parallel_loop3A_82 : vector<16xf32>
        %parallel_loop3A_88 = arith.index_cast %parallel_loop3A_60 : i32 to index
        %parallel_loop3A_89 = arith.constant 0 : index
        %parallel_loop3A_90 = tpu.vector_load %arg16[%parallel_loop3A_88, %parallel_loop3A_89] {strides = array<i32>} : memref<128x128xf32, #tpu.memory_space<vmem>>, vector<1x16xf32>,
        %parallel_loop3A_91 = vector.shape_cast %parallel_loop3A_90 : vector<1x16xf32> to vector<16xf32>
        %parallel_loop3A_92 = vector.shape_cast %parallel_loop3A_87 : vector<16xf32> to vector<1x16xf32>
        tpu.vector_store %arg16[%parallel_loop3A_88, %parallel_loop3A_89], %parallel_loop3A_92 {strides = array<i32>} : memref<128x128xf32, #tpu.memory_space<vmem>>, vector<1x16xf32>,
        %parallel_loop3A_93 = arith.index_cast %parallel_loop3A_60 : i32 to index
        %parallel_loop3A_94 = arith.constant 32 : index
        %parallel_loop3A_95 = tpu.vector_load %arg14[%parallel_loop3A_93, %parallel_loop3A_94] {strides = array<i32>} : memref<128x144xf32, #tpu.memory_space<vmem>>, vector<1x16xf32>,
        %parallel_loop3A_96 = vector.shape_cast %parallel_loop3A_95 : vector<1x16xf32> to vector<16xf32>
        %parallel_loop3A_97 = arith.mulf %parallel_loop3A_96, %parallel_loop3A_82 : vector<16xf32>
        %parallel_loop3A_98 = arith.index_cast %parallel_loop3A_60 : i32 to index
        %parallel_loop3A_99 = arith.constant 16 : index
        %parallel_loop3A_100 = tpu.vector_load %arg16[%parallel_loop3A_98, %parallel_loop3A_99] {strides = array<i32>} : memref<128x128xf32, #tpu.memory_space<vmem>>, vector<1x16xf32>,
        %parallel_loop3A_101 = vector.shape_cast %parallel_loop3A_100 : vector<1x16xf32> to vector<16xf32>
        %parallel_loop3A_102 = vector.shape_cast %parallel_loop3A_97 : vector<16xf32> to vector<1x16xf32>
        tpu.vector_store %arg16[%parallel_loop3A_98, %parallel_loop3A_99], %parallel_loop3A_102 {strides = array<i32>} : memref<128x128xf32, #tpu.memory_space<vmem>>, vector<1x16xf32>,
        %parallel_loop3A_103 = arith.index_cast %parallel_loop3A_60 : i32 to index
        %parallel_loop3A_104 = arith.constant 48 : index
        %parallel_loop3A_105 = tpu.vector_load %arg14[%parallel_loop3A_103, %parallel_loop3A_104] {strides = array<i32>} : memref<128x144xf32, #tpu.memory_space<vmem>>, vector<1x16xf32>,
        %parallel_loop3A_106 = vector.shape_cast %parallel_loop3A_105 : vector<1x16xf32> to vector<16xf32>
        %parallel_loop3A_107 = arith.mulf %parallel_loop3A_106, %parallel_loop3A_82 : vector<16xf32>
        %parallel_loop3A_108 = arith.index_cast %parallel_loop3A_60 : i32 to index
        %parallel_loop3A_109 = arith.constant 32 : index
        %parallel_loop3A_110 = tpu.vector_load %arg16[%parallel_loop3A_108, %parallel_loop3A_109] {strides = array<i32>} : memref<128x128xf32, #tpu.memory_space<vmem>>, vector<1x16xf32>,
        %parallel_loop3A_111 = vector.shape_cast %parallel_loop3A_110 : vector<1x16xf32> to vector<16xf32>
        %parallel_loop3A_112 = vector.shape_cast %parallel_loop3A_107 : vector<16xf32> to vector<1x16xf32>
        tpu.vector_store %arg16[%parallel_loop3A_108, %parallel_loop3A_109], %parallel_loop3A_112 {strides = array<i32>} : memref<128x128xf32, #tpu.memory_space<vmem>>, vector<1x16xf32>,
        %parallel_loop3A_113 = arith.index_cast %parallel_loop3A_60 : i32 to index
        %parallel_loop3A_114 = arith.constant 64 : index
        %parallel_loop3A_115 = tpu.vector_load %arg14[%parallel_loop3A_113, %parallel_loop3A_114] {strides = array<i32>} : memref<128x144xf32, #tpu.memory_space<vmem>>, vector<1x16xf32>,
        %parallel_loop3A_116 = vector.shape_cast %parallel_loop3A_115 : vector<1x16xf32> to vector<16xf32>
        %parallel_loop3A_117 = arith.mulf %parallel_loop3A_116, %parallel_loop3A_82 : vector<16xf32>
        %parallel_loop3A_118 = arith.index_cast %parallel_loop3A_60 : i32 to index
        %parallel_loop3A_119 = arith.constant 48 : index
        %parallel_loop3A_120 = tpu.vector_load %arg16[%parallel_loop3A_118, %parallel_loop3A_119] {strides = array<i32>} : memref<128x128xf32, #tpu.memory_space<vmem>>, vector<1x16xf32>,
        %parallel_loop3A_121 = vector.shape_cast %parallel_loop3A_120 : vector<1x16xf32> to vector<16xf32>
        %parallel_loop3A_122 = vector.shape_cast %parallel_loop3A_117 : vector<16xf32> to vector<1x16xf32>
        tpu.vector_store %arg16[%parallel_loop3A_118, %parallel_loop3A_119], %parallel_loop3A_122 {strides = array<i32>} : memref<128x128xf32, #tpu.memory_space<vmem>>, vector<1x16xf32>,
        %parallel_loop3A_123 = arith.index_cast %parallel_loop3A_60 : i32 to index
        %parallel_loop3A_124 = arith.constant 80 : index
        %parallel_loop3A_125 = tpu.vector_load %arg14[%parallel_loop3A_123, %parallel_loop3A_124] {strides = array<i32>} : memref<128x144xf32, #tpu.memory_space<vmem>>, vector<1x16xf32>,
        %parallel_loop3A_126 = vector.shape_cast %parallel_loop3A_125 : vector<1x16xf32> to vector<16xf32>
        %parallel_loop3A_127 = arith.mulf %parallel_loop3A_126, %parallel_loop3A_82 : vector<16xf32>
        %parallel_loop3A_128 = arith.index_cast %parallel_loop3A_60 : i32 to index
        %parallel_loop3A_129 = arith.constant 64 : index
        %parallel_loop3A_130 = tpu.vector_load %arg16[%parallel_loop3A_128, %parallel_loop3A_129] {strides = array<i32>} : memref<128x128xf32, #tpu.memory_space<vmem>>, vector<1x16xf32>,
        %parallel_loop3A_131 = vector.shape_cast %parallel_loop3A_130 : vector<1x16xf32> to vector<16xf32>
        %parallel_loop3A_132 = vector.shape_cast %parallel_loop3A_127 : vector<16xf32> to vector<1x16xf32>
        tpu.vector_store %arg16[%parallel_loop3A_128, %parallel_loop3A_129], %parallel_loop3A_132 {strides = array<i32>} : memref<128x128xf32, #tpu.memory_space<vmem>>, vector<1x16xf32>,
        %parallel_loop3A_133 = arith.index_cast %parallel_loop3A_60 : i32 to index
        %parallel_loop3A_134 = arith.constant 96 : index
        %parallel_loop3A_135 = tpu.vector_load %arg14[%parallel_loop3A_133, %parallel_loop3A_134] {strides = array<i32>} : memref<128x144xf32, #tpu.memory_space<vmem>>, vector<1x16xf32>,
        %parallel_loop3A_136 = vector.shape_cast %parallel_loop3A_135 : vector<1x16xf32> to vector<16xf32>
        %parallel_loop3A_137 = arith.mulf %parallel_loop3A_136, %parallel_loop3A_82 : vector<16xf32>
        %parallel_loop3A_138 = arith.index_cast %parallel_loop3A_60 : i32 to index
        %parallel_loop3A_139 = arith.constant 80 : index
        %parallel_loop3A_140 = tpu.vector_load %arg16[%parallel_loop3A_138, %parallel_loop3A_139] {strides = array<i32>} : memref<128x128xf32, #tpu.memory_space<vmem>>, vector<1x16xf32>,
        %parallel_loop3A_141 = vector.shape_cast %parallel_loop3A_140 : vector<1x16xf32> to vector<16xf32>
        %parallel_loop3A_142 = vector.shape_cast %parallel_loop3A_137 : vector<16xf32> to vector<1x16xf32>
        tpu.vector_store %arg16[%parallel_loop3A_138, %parallel_loop3A_139], %parallel_loop3A_142 {strides = array<i32>} : memref<128x128xf32, #tpu.memory_space<vmem>>, vector<1x16xf32>,
        %parallel_loop3A_143 = arith.index_cast %parallel_loop3A_60 : i32 to index
        %parallel_loop3A_144 = arith.constant 112 : index
        %parallel_loop3A_145 = tpu.vector_load %arg14[%parallel_loop3A_143, %parallel_loop3A_144] {strides = array<i32>} : memref<128x144xf32, #tpu.memory_space<vmem>>, vector<1x16xf32>,
        %parallel_loop3A_146 = vector.shape_cast %parallel_loop3A_145 : vector<1x16xf32> to vector<16xf32>
        %parallel_loop3A_147 = arith.mulf %parallel_loop3A_146, %parallel_loop3A_82 : vector<16xf32>
        %parallel_loop3A_148 = arith.index_cast %parallel_loop3A_60 : i32 to index
        %parallel_loop3A_149 = arith.constant 96 : index
        %parallel_loop3A_150 = tpu.vector_load %arg16[%parallel_loop3A_148, %parallel_loop3A_149] {strides = array<i32>} : memref<128x128xf32, #tpu.memory_space<vmem>>, vector<1x16xf32>,
        %parallel_loop3A_151 = vector.shape_cast %parallel_loop3A_150 : vector<1x16xf32> to vector<16xf32>
        %parallel_loop3A_152 = vector.shape_cast %parallel_loop3A_147 : vector<16xf32> to vector<1x16xf32>
        tpu.vector_store %arg16[%parallel_loop3A_148, %parallel_loop3A_149], %parallel_loop3A_152 {strides = array<i32>} : memref<128x128xf32, #tpu.memory_space<vmem>>, vector<1x16xf32>,
        %parallel_loop3A_153 = arith.index_cast %parallel_loop3A_60 : i32 to index
        %parallel_loop3A_154 = arith.constant 128 : index
        %parallel_loop3A_155 = tpu.vector_load %arg14[%parallel_loop3A_153, %parallel_loop3A_154] {strides = array<i32>} : memref<128x144xf32, #tpu.memory_space<vmem>>, vector<1x16xf32>,
        %parallel_loop3A_156 = vector.shape_cast %parallel_loop3A_155 : vector<1x16xf32> to vector<16xf32>
        %parallel_loop3A_157 = arith.mulf %parallel_loop3A_156, %parallel_loop3A_82 : vector<16xf32>
        %parallel_loop3A_158 = arith.index_cast %parallel_loop3A_60 : i32 to index
        %parallel_loop3A_159 = arith.constant 112 : index
        %parallel_loop3A_160 = tpu.vector_load %arg16[%parallel_loop3A_158, %parallel_loop3A_159] {strides = array<i32>} : memref<128x128xf32, #tpu.memory_space<vmem>>, vector<1x16xf32>,
        %parallel_loop3A_161 = vector.shape_cast %parallel_loop3A_160 : vector<1x16xf32> to vector<16xf32>
        %parallel_loop3A_162 = vector.shape_cast %parallel_loop3A_157 : vector<16xf32> to vector<1x16xf32>
        tpu.vector_store %arg16[%parallel_loop3A_158, %parallel_loop3A_159], %parallel_loop3A_162 {strides = array<i32>} : memref<128x128xf32, #tpu.memory_space<vmem>>, vector<1x16xf32>,
      } {sc.loop_unroll_factor = 4 : i64, sc.parallel_access}
      "tpu.region"() ({
        %run_scoped3A = tpu.sem_alloc : memref<!tpu.dma_semaphore, #tpu.memory_space<semaphore_mem>>
        %dma_start3A_60 = arith.constant 0 : i32
        %dma_start3A_61 = arith.constant 0 : i32
        %dma_start3A_62 = tpu.memref_slice %arg8[%dma_start3A_60, %dma_start3A_61] : memref<10016x128xf32, #tpu.memory_space<vmem_shared>> -> memref<10016x128xf32, #tpu.memory_space<vmem_shared>>
        tpu.enqueue_indirect_dma source(%arg16 : memref<128x128xf32, #tpu.memory_space<vmem>>) target(%dma_start3A_62 : memref<10016x128xf32, #tpu.memory_space<vmem_shared>>) offsets(%arg11 : memref<128xi32, #tpu.memory_space<vmem>>) semaphore(%run_scoped3A : memref<!tpu.dma_semaphore, #tpu.memory_space<semaphore_mem>>) {add = true}
        %dma_wait3A_63 = arith.constant 0 : i32
        %dma_wait3A_64 = arith.constant 0 : i32
        %dma_wait3A_65 = tpu.memref_slice %arg8[%dma_wait3A_63, %dma_wait3A_64] : memref<10016x128xf32, #tpu.memory_space<vmem_shared>> -> memref<10016x128xf32, #tpu.memory_space<vmem_shared>>
        tpu.wait_indirect_dma semaphore(%run_scoped3A : memref<!tpu.dma_semaphore, #tpu.memory_space<semaphore_mem>>) src(%arg16 : memref<128x128xf32, #tpu.memory_space<vmem>>) dst(%dma_wait3A_65 : memref<10016x128xf32, #tpu.memory_space<vmem_shared>>)
        tpu.yield
      }) : () -> ()
      "tpu.region"() ({
        %run_scoped3A = tpu.sem_alloc : memref<!tpu.dma_semaphore, #tpu.memory_space<semaphore_mem>>
        %dma_start3A_60 = arith.constant 0 : i32
        %dma_start3A_61 = arith.constant 0 : i32
        %dma_start3A_62 = tpu.memref_slice %arg9[%dma_start3A_60, %dma_start3A_61] : memref<10016x16xf32, #tpu.memory_space<vmem_shared>> -> memref<10016x16xf32, #tpu.memory_space<vmem_shared>>
        tpu.enqueue_indirect_dma source(%arg17 : memref<128x16xf32, #tpu.memory_space<vmem>>) target(%dma_start3A_62 : memref<10016x16xf32, #tpu.memory_space<vmem_shared>>) offsets(%arg11 : memref<128xi32, #tpu.memory_space<vmem>>) semaphore(%run_scoped3A : memref<!tpu.dma_semaphore, #tpu.memory_space<semaphore_mem>>) {add = true}
        %dma_wait3A_63 = arith.constant 0 : i32
        %dma_wait3A_64 = arith.constant 0 : i32
        %dma_wait3A_65 = tpu.memref_slice %arg9[%dma_wait3A_63, %dma_wait3A_64] : memref<10016x16xf32, #tpu.memory_space<vmem_shared>> -> memref<10016x16xf32, #tpu.memory_space<vmem_shared>>
        tpu.wait_indirect_dma semaphore(%run_scoped3A : memref<!tpu.dma_semaphore, #tpu.memory_space<semaphore_mem>>) src(%arg17 : memref<128x16xf32, #tpu.memory_space<vmem>>) dst(%dma_wait3A_65 : memref<10016x16xf32, #tpu.memory_space<vmem_shared>>)
        tpu.yield
      }) : () -> ()
    }
    %scan3A_35 = arith.constant 162 : i32
    %barrier3A_36 = arith.constant 0 : index
    tpu.barrier barrier_id(%barrier3A_36)
    "tpu.region"() ({
      %run_scoped3A = tpu.sem_alloc : memref<!tpu.dma_semaphore, #tpu.memory_space<semaphore_mem>>
      %dma_start3A = arith.constant 0 : i32
      %dma_start3A_37 = tpu.memref_slice %arg6[%arg0, %mul3A_5, %dma_start3A] : memref<2x10240x128xf32, #tpu.memory_space<hbm>> -> memref<1x626x128xf32, #tpu.memory_space<hbm>>
      %dma_start3A_38 = tpu.memref_squeeze %dma_start3A_37 : memref<1x626x128xf32, #tpu.memory_space<hbm>> -> memref<626x128xf32, #tpu.memory_space<hbm>>
      %dma_start3A_39 = arith.constant 0 : i32
      %dma_start3A_40 = tpu.memref_slice %arg8[%mul3A_5, %dma_start3A_39] : memref<10016x128xf32, #tpu.memory_space<vmem_shared>> -> memref<626x128xf32, #tpu.memory_space<vmem_shared>>
      tpu.enqueue_dma source(%dma_start3A_40 : memref<626x128xf32, #tpu.memory_space<vmem_shared>>) target(%dma_start3A_38 : memref<626x128xf32, #tpu.memory_space<hbm>>) target_semaphore(%run_scoped3A : memref<!tpu.dma_semaphore, #tpu.memory_space<semaphore_mem>>)
      %dma_wait3A = arith.constant 0 : i32
      %dma_wait3A_41 = tpu.memref_slice %arg6[%arg0, %mul3A_5, %dma_wait3A] : memref<2x10240x128xf32, #tpu.memory_space<hbm>> -> memref<1x626x128xf32, #tpu.memory_space<hbm>>
      %dma_wait3A_42 = tpu.memref_squeeze %dma_wait3A_41 : memref<1x626x128xf32, #tpu.memory_space<hbm>> -> memref<626x128xf32, #tpu.memory_space<hbm>>
      %dma_wait3A_43 = arith.constant 0 : i32
      %dma_wait3A_44 = tpu.memref_slice %arg8[%mul3A_5, %dma_wait3A_43] : memref<10016x128xf32, #tpu.memory_space<vmem_shared>> -> memref<626x128xf32, #tpu.memory_space<vmem_shared>>
      tpu.wait_dma2 semaphore(%run_scoped3A : memref<!tpu.dma_semaphore, #tpu.memory_space<semaphore_mem>>) src(%dma_wait3A_44 : memref<626x128xf32, #tpu.memory_space<vmem_shared>>) dst(%dma_wait3A_42 : memref<626x128xf32, #tpu.memory_space<hbm>>)
      tpu.yield
    }) : () -> ()
    "tpu.region"() ({
      %run_scoped3A = tpu.sem_alloc : memref<!tpu.dma_semaphore, #tpu.memory_space<semaphore_mem>>
      %dma_start3A = arith.constant 0 : i32
      %dma_start3A_37 = tpu.memref_slice %arg7[%arg0, %mul3A_5, %dma_start3A] : memref<2x10240x16xf32, #tpu.memory_space<hbm>> -> memref<1x626x16xf32, #tpu.memory_space<hbm>>
      %dma_start3A_38 = tpu.memref_squeeze %dma_start3A_37 : memref<1x626x16xf32, #tpu.memory_space<hbm>> -> memref<626x16xf32, #tpu.memory_space<hbm>>
      %dma_start3A_39 = arith.constant 0 : i32
      %dma_start3A_40 = tpu.memref_slice %arg9[%mul3A_5, %dma_start3A_39] : memref<10016x16xf32, #tpu.memory_space<vmem_shared>> -> memref<626x16xf32, #tpu.memory_space<vmem_shared>>
      tpu.enqueue_dma source(%dma_start3A_40 : memref<626x16xf32, #tpu.memory_space<vmem_shared>>) target(%dma_start3A_38 : memref<626x16xf32, #tpu.memory_space<hbm>>) target_semaphore(%run_scoped3A : memref<!tpu.dma_semaphore, #tpu.memory_space<semaphore_mem>>)
      %dma_wait3A = arith.constant 0 : i32
      %dma_wait3A_41 = tpu.memref_slice %arg7[%arg0, %mul3A_5, %dma_wait3A] : memref<2x10240x16xf32, #tpu.memory_space<hbm>> -> memref<1x626x16xf32, #tpu.memory_space<hbm>>
      %dma_wait3A_42 = tpu.memref_squeeze %dma_wait3A_41 : memref<1x626x16xf32, #tpu.memory_space<hbm>> -> memref<626x16xf32, #tpu.memory_space<hbm>>
      %dma_wait3A_43 = arith.constant 0 : i32
      %dma_wait3A_44 = tpu.memref_slice %arg9[%mul3A_5, %dma_wait3A_43] : memref<10016x16xf32, #tpu.memory_space<vmem_shared>> -> memref<626x16xf32, #tpu.memory_space<vmem_shared>>
      tpu.wait_dma2 semaphore(%run_scoped3A : memref<!tpu.dma_semaphore, #tpu.memory_space<semaphore_mem>>) src(%dma_wait3A_44 : memref<626x16xf32, #tpu.memory_space<vmem_shared>>) dst(%dma_wait3A_42 : memref<626x16xf32, #tpu.memory_space<hbm>>)
      tpu.yield
    }) : () -> ()
    return
  }
}

module attributes {stable_mosaic.version = 14 : i64} {
  func.func @_stage1_body(%arg0: i32, %arg1: i32, %arg2: memref<512x128xf32, #tpu.memory_space<vmem>>, %arg3: memref<128x128xf32, #tpu.memory_space<vmem>>, %arg4: memref<1x128x4xf32, #tpu.memory_space<vmem>>, %arg5: memref<1x128x4xf32, #tpu.memory_space<vmem>>, %arg6: memref<1x512x144xf32, #tpu.memory_space<vmem>>, %arg7: memref<1x512x16xf32, #tpu.memory_space<vmem>>) attributes {dimension_semantics = [#tpu.dimension_semantics<arbitrary>, #tpu.dimension_semantics<arbitrary>], iteration_bounds = array<i64: 2, 20>, scalar_prefetch = 0 : i64, scratch_operands = 0 : i64, tpu.core_type = #tpu.core_type<tc>, window_params = [{transform_indices = @transform_0, window_bounds = array<i64: 512, 128>}, {transform_indices = @transform_1, window_bounds = array<i64: 128, 128>}, {transform_indices = @transform_2, window_bounds = array<i64: 1, 128, 4>}, {transform_indices = @transform_3, window_bounds = array<i64: 1, 128, 4>}, {transform_indices = @transform_4, window_bounds = array<i64: 1, 512, 144>}, {transform_indices = @transform_5, window_bounds = array<i64: 1, 512, 16>}]} {
    %get3A = arith.constant 0 : index
    %get3A_0 = arith.constant 0 : index
    %get3A_1 = vector.load %arg2[%get3A, %get3A_0] : memref<512x128xf32, #tpu.memory_space<vmem>>, vector<512x128xf32>
    %get3A_2 = arith.constant 0 : index
    %get3A_3 = arith.constant 0 : index
    %get3A_4 = vector.load %arg3[%get3A_2, %get3A_3] : memref<128x128xf32, #tpu.memory_space<vmem>>, vector<128x128xf32>
    %dot_general3A = arith.constant dense<0.000000e+00> : vector<512x128xf32>
    %dot_general3A_5 = tpu.matmul %get3A_1, %get3A_4, %dot_general3A {dimension_numbers = #tpu.dot_dimension_numbers<[1], [0], [0], [1], [0, 0, 1, 1], [], []>, precision = #tpu.contract_precision<fp32>, transpose_lhs_hint = false} : vector<512x128xf32>, vector<128x128xf32>, vector<512x128xf32> -> vector<512x128xf32>
    %get3A_6 = arith.constant 0 : index
    %get3A_7 = arith.constant 0 : index
    %get3A_8 = arith.constant 0 : index
    %get3A_9 = vector.load %arg4[%get3A_6, %get3A_7, %get3A_8] : memref<1x128x4xf32, #tpu.memory_space<vmem>>, vector<1x128x4xf32>
    %get3A_10 = vector.shape_cast %get3A_9 : vector<1x128x4xf32> to vector<128x4xf32>
    %dot_general3A_11 = arith.constant dense<0.000000e+00> : vector<512x4xf32>
    %dot_general3A_12 = tpu.matmul %dot_general3A_5, %get3A_10, %dot_general3A_11 {dimension_numbers = #tpu.dot_dimension_numbers<[1], [0], [0], [1], [0, 0, 1, 1], [], []>, precision = #tpu.contract_precision<fp32>, transpose_lhs_hint = false} : vector<512x128xf32>, vector<128x4xf32>, vector<512x4xf32> -> vector<512x4xf32>
    %get3A_13 = arith.constant 0 : index
    %get3A_14 = arith.constant 0 : index
    %get3A_15 = arith.constant 0 : index
    %get3A_16 = vector.load %arg5[%get3A_13, %get3A_14, %get3A_15] : memref<1x128x4xf32, #tpu.memory_space<vmem>>, vector<1x128x4xf32>
    %get3A_17 = vector.shape_cast %get3A_16 : vector<1x128x4xf32> to vector<128x4xf32>
    %dot_general3A_18 = arith.constant dense<0.000000e+00> : vector<512x4xf32>
    %dot_general3A_19 = tpu.matmul %dot_general3A_5, %get3A_17, %dot_general3A_18 {dimension_numbers = #tpu.dot_dimension_numbers<[1], [0], [0], [1], [0, 0, 1, 1], [], []>, precision = #tpu.contract_precision<fp32>, transpose_lhs_hint = false} : vector<512x128xf32>, vector<128x4xf32>, vector<512x4xf32> -> vector<512x4xf32>
    %broadcast_in_dim3A = arith.constant 0.000000e+00 : f32
    %broadcast_in_dim3A_20 = vector.broadcast %broadcast_in_dim3A : f32 to vector<512x12xf32>
    %concatenate3A = tpu.concatenate %dot_general3A_12, %broadcast_in_dim3A_20, %dot_general3A_5 in 1 : vector<512x4xf32>, vector<512x12xf32>, vector<512x128xf32> -> vector<512x144xf32>
    %swap3A = arith.constant 0 : index
    %swap3A_21 = arith.constant 0 : index
    %swap3A_22 = arith.constant 0 : index
    %swap3A_23 = vector.load %arg6[%swap3A, %swap3A_21, %swap3A_22] : memref<1x512x144xf32, #tpu.memory_space<vmem>>, vector<1x512x144xf32>
    %swap3A_24 = vector.shape_cast %swap3A_23 : vector<1x512x144xf32> to vector<512x144xf32>
    %swap3A_25 = vector.shape_cast %concatenate3A : vector<512x144xf32> to vector<1x512x144xf32>
    tpu.vector_store %arg6[%swap3A, %swap3A_21, %swap3A_22], %swap3A_25 {strides = array<i32>} : memref<1x512x144xf32, #tpu.memory_space<vmem>>, vector<1x512x144xf32>,
    %concatenate3A_26 = tpu.concatenate %dot_general3A_19, %broadcast_in_dim3A_20 in 1 : vector<512x4xf32>, vector<512x12xf32> -> vector<512x16xf32>
    %swap3A_27 = arith.constant 0 : index
    %swap3A_28 = arith.constant 0 : index
    %swap3A_29 = arith.constant 0 : index
    %swap3A_30 = vector.load %arg7[%swap3A_27, %swap3A_28, %swap3A_29] : memref<1x512x16xf32, #tpu.memory_space<vmem>>, vector<1x512x16xf32>
    %swap3A_31 = vector.shape_cast %swap3A_30 : vector<1x512x16xf32> to vector<512x16xf32>
    %swap3A_32 = vector.shape_cast %concatenate3A_26 : vector<512x16xf32> to vector<1x512x16xf32>
    tpu.vector_store %arg7[%swap3A_27, %swap3A_28, %swap3A_29], %swap3A_32 {strides = array<i32>} : memref<1x512x16xf32, #tpu.memory_space<vmem>>, vector<1x512x16xf32>,
    return
  }
  func.func @transform_0(%arg0: i32, %arg1: i32) -> (i32, i32) {
    %c0_i32 = arith.constant 0 : i32
    %c0_i32_0 = arith.constant 0 : i32
    return %arg1, %c0_i32 : i32, i32
  }
  func.func @transform_1(%arg0: i32, %arg1: i32) -> (i32, i32) {
    %c0_i32 = arith.constant 0 : i32
    %c0_i32_0 = arith.constant 0 : i32
    return %c0_i32, %arg0 : i32, i32
  }
  func.func @transform_2(%arg0: i32, %arg1: i32) -> (i32, i32, i32) {
    %c0_i32 = arith.constant 0 : i32
    %c0_i32_0 = arith.constant 0 : i32
    %c0_i32_1 = arith.constant 0 : i32
    return %arg0, %c0_i32, %c0_i32_0 : i32, i32, i32
  }
  func.func @transform_3(%arg0: i32, %arg1: i32) -> (i32, i32, i32) {
    %c0_i32 = arith.constant 0 : i32
    %c0_i32_0 = arith.constant 0 : i32
    %c0_i32_1 = arith.constant 0 : i32
    return %arg0, %c0_i32, %c0_i32_0 : i32, i32, i32
  }
  func.func @transform_4(%arg0: i32, %arg1: i32) -> (i32, i32, i32) {
    %c0_i32 = arith.constant 0 : i32
    %c0_i32_0 = arith.constant 0 : i32
    return %arg0, %arg1, %c0_i32 : i32, i32, i32
  }
  func.func @transform_5(%arg0: i32, %arg1: i32) -> (i32, i32, i32) {
    %c0_i32 = arith.constant 0 : i32
    %c0_i32_0 = arith.constant 0 : i32
    return %arg0, %arg1, %c0_i32 : i32, i32, i32
  }
}

module attributes {stable_mosaic.version = 14 : i64} {
  func.func @_stage3_body(%arg0: i32, %arg1: memref<1x512x128xf32, #tpu.memory_space<vmem>>, %arg2: memref<1x512x128xf32, #tpu.memory_space<vmem>>, %arg3: memref<1x512x16xf32, #tpu.memory_space<vmem>>, %arg4: memref<1x512x16xf32, #tpu.memory_space<vmem>>, %arg5: memref<1x256xf32, #tpu.memory_space<vmem>>, %arg6: memref<256x40xf32, #tpu.memory_space<vmem>>, %arg7: memref<40x1xf32, #tpu.memory_space<vmem>>, %arg8: memref<40x1xf32, #tpu.memory_space<vmem>>, %arg9: memref<512x64xf32, #tpu.memory_space<vmem>>, %arg10: memref<512x16xf32, #tpu.memory_space<vmem>>) attributes {dimension_semantics = [#tpu.dimension_semantics<arbitrary>], iteration_bounds = array<i64: 20>, scalar_prefetch = 0 : i64, scratch_operands = 0 : i64, tpu.core_type = #tpu.core_type<tc>, window_params = [{transform_indices = @transform_0, window_bounds = array<i64: 1, 512, 128>}, {transform_indices = @transform_1, window_bounds = array<i64: 1, 512, 128>}, {transform_indices = @transform_2, window_bounds = array<i64: 1, 512, 16>}, {transform_indices = @transform_3, window_bounds = array<i64: 1, 512, 16>}, {pipeline_mode = #tpu.pipeline_mode<synchronous>, transform_indices = @transform_4, window_bounds = array<i64: 1, 256>}, {pipeline_mode = #tpu.pipeline_mode<synchronous>, transform_indices = @transform_5, window_bounds = array<i64: 256, 40>}, {pipeline_mode = #tpu.pipeline_mode<synchronous>, transform_indices = @transform_6, window_bounds = array<i64: 40, 1>}, {pipeline_mode = #tpu.pipeline_mode<synchronous>, transform_indices = @transform_7, window_bounds = array<i64: 40, 1>}, {transform_indices = @transform_8, window_bounds = array<i64: 512, 64>}, {transform_indices = @transform_9, window_bounds = array<i64: 512, 16>}]} {
    %get3A = arith.constant 0 : index
    %get3A_0 = arith.constant 0 : index
    %get3A_1 = arith.constant 0 : index
    %get3A_2 = vector.load %arg1[%get3A, %get3A_0, %get3A_1] : memref<1x512x128xf32, #tpu.memory_space<vmem>>, vector<1x512x128xf32>
    %get3A_3 = vector.shape_cast %get3A_2 : vector<1x512x128xf32> to vector<512x128xf32>
    %get3A_4 = arith.constant 0 : index
    %get3A_5 = arith.constant 0 : index
    %get3A_6 = arith.constant 0 : index
    %get3A_7 = vector.load %arg2[%get3A_4, %get3A_5, %get3A_6] : memref<1x512x128xf32, #tpu.memory_space<vmem>>, vector<1x512x128xf32>
    %get3A_8 = vector.shape_cast %get3A_7 : vector<1x512x128xf32> to vector<512x128xf32>
    %concatenate3A = tpu.concatenate %get3A_3, %get3A_8 in 1 : vector<512x128xf32>, vector<512x128xf32> -> vector<512x256xf32>
    %get3A_9 = arith.constant 0 : index
    %get3A_10 = arith.constant 0 : index
    %get3A_11 = arith.constant 0 : index
    %get3A_12 = vector.load %arg3[%get3A_9, %get3A_10, %get3A_11] : memref<1x512x16xf32, #tpu.memory_space<vmem>>, vector<1x512x4xf32>
    %get3A_13 = vector.shape_cast %get3A_12 : vector<1x512x4xf32> to vector<512x4xf32>
    %get3A_14 = arith.constant 0 : index
    %get3A_15 = arith.constant 0 : index
    %get3A_16 = arith.constant 0 : index
    %get3A_17 = vector.load %arg4[%get3A_14, %get3A_15, %get3A_16] : memref<1x512x16xf32, #tpu.memory_space<vmem>>, vector<1x512x4xf32>
    %get3A_18 = vector.shape_cast %get3A_17 : vector<1x512x4xf32> to vector<512x4xf32>
    %concatenate3A_19 = tpu.concatenate %get3A_13, %get3A_18 in 1 : vector<512x4xf32>, vector<512x4xf32> -> vector<512x8xf32>
    %reshape3A = vector.shape_cast %concatenate3A_19 : vector<512x8xf32> to vector<512x2x1x4xf32>
    %broadcast_in_dim3A = vector.shape_cast %reshape3A : vector<512x2x1x4xf32> to vector<512x2x1x4xf32>
    %broadcast_in_dim3A_20 = vector.broadcast %broadcast_in_dim3A : vector<512x2x1x4xf32> to vector<512x2x32x4xf32>
    %reshape3A_21 = vector.shape_cast %broadcast_in_dim3A_20 : vector<512x2x32x4xf32> to vector<512x256xf32>
    %add3A = arith.constant 1.000000e-16 : f32
    %add3A_22 = vector.broadcast %add3A : f32 to vector<512x256xf32>
    %add3A_23 = arith.addf %reshape3A_21, %add3A_22 : vector<512x256xf32>
    %div3A = arith.divf %concatenate3A, %add3A_23 : vector<512x256xf32>
    %get3A_24 = arith.constant 0 : index
    %get3A_25 = arith.constant 0 : index
    %get3A_26 = vector.load %arg5[%get3A_24, %get3A_25] : memref<1x256xf32, #tpu.memory_space<vmem>>, vector<1x256xf32>
    %add3A_27 = vector.broadcast %get3A_26 : vector<1x256xf32> to vector<512x256xf32>
    %add3A_28 = arith.addf %div3A, %add3A_27 : vector<512x256xf32>
    %max3A = arith.constant 0.000000e+00 : f32
    %max3A_29 = vector.broadcast %max3A : f32 to vector<512x256xf32>
    %max3A_30 = arith.maximumf %add3A_28, %max3A_29 : vector<512x256xf32>
    %mul3A = arith.constant 512 : i32
    %mul3A_31 = arith.muli %arg0, %mul3A : i32
    %iota3A = tpu.iota {dimensions = array<i32: 0>} : vector<512x1xi32>
    %add3A_32 = vector.broadcast %mul3A_31 : i32 to vector<512x1xi32>
    %add3A_33 = arith.addi %add3A_32, %iota3A : vector<512x1xi32>
    %lt3A = arith.constant 10000 : i32
    %lt3A_34 = vector.broadcast %lt3A : i32 to vector<512x1xi32>
    %lt3A_35 = arith.cmpi slt, %add3A_33, %lt3A_34 : vector<512x1xi32>
    %jit3A = arith.constant 0.000000e+00 : f32
    %broadcast_in_dim3A_36 = vector.shape_cast %lt3A_35 : vector<512x1xi1> to vector<512x1xi1>
    %broadcast_in_dim3A_37 = vector.broadcast %broadcast_in_dim3A_36 : vector<512x1xi1> to vector<512x256xi1>
    %broadcast_in_dim3A_38 = vector.broadcast %jit3A : f32 to vector<512x256xf32>
    %select_n3A = arith.select %broadcast_in_dim3A_37, %max3A_30, %broadcast_in_dim3A_38 : vector<512x256xi1>, vector<512x256xf32>
    %get3A_39 = arith.constant 0 : index
    %get3A_40 = arith.constant 0 : index
    %get3A_41 = vector.load %arg6[%get3A_39, %get3A_40] : memref<256x40xf32, #tpu.memory_space<vmem>>, vector<256x40xf32>
    %dot_general3A = arith.constant dense<0.000000e+00> : vector<512x40xf32>
    %dot_general3A_42 = tpu.matmul %select_n3A, %get3A_41, %dot_general3A {dimension_numbers = #tpu.dot_dimension_numbers<[1], [0], [0], [1], [0, 0, 1, 1], [], []>, precision = #tpu.contract_precision<fp32>, transpose_lhs_hint = false} : vector<512x256xf32>, vector<256x40xf32>, vector<512x40xf32> -> vector<512x40xf32>
    %get3A_43 = arith.constant 0 : index
    %get3A_44 = arith.constant 0 : index
    %get3A_45 = vector.load %arg7[%get3A_43, %get3A_44] : memref<40x1xf32, #tpu.memory_space<vmem>>, vector<40x1xf32>
    %dot_general3A_46 = arith.constant dense<0.000000e+00> : vector<512x1xf32>
    %dot_general3A_47 = tpu.matmul %dot_general3A_42, %get3A_45, %dot_general3A_46 {dimension_numbers = #tpu.dot_dimension_numbers<[1], [0], [0], [1], [0, 0, 1, 1], [], []>, precision = #tpu.contract_precision<fp32>, transpose_lhs_hint = false} : vector<512x40xf32>, vector<40x1xf32>, vector<512x1xf32> -> vector<512x1xf32>
    %get3A_48 = arith.constant 0 : index
    %get3A_49 = arith.constant 0 : index
    %get3A_50 = vector.load %arg8[%get3A_48, %get3A_49] : memref<40x1xf32, #tpu.memory_space<vmem>>, vector<40x1xf32>
    %dot_general3A_51 = arith.constant dense<0.000000e+00> : vector<512x1xf32>
    %dot_general3A_52 = tpu.matmul %dot_general3A_42, %get3A_50, %dot_general3A_51 {dimension_numbers = #tpu.dot_dimension_numbers<[1], [0], [0], [1], [0, 0, 1, 1], [], []>, precision = #tpu.contract_precision<fp32>, transpose_lhs_hint = false} : vector<512x40xf32>, vector<40x1xf32>, vector<512x1xf32> -> vector<512x1xf32>
    %broadcast_in_dim3A_53 = arith.constant 0.000000e+00 : f32
    %broadcast_in_dim3A_54 = vector.broadcast %broadcast_in_dim3A_53 : f32 to vector<512x15xf32>
    %broadcast_in_dim3A_55 = arith.constant 0.000000e+00 : f32
    %broadcast_in_dim3A_56 = vector.broadcast %broadcast_in_dim3A_55 : f32 to vector<512x8xf32>
    %concatenate3A_57 = tpu.concatenate %dot_general3A_47, %broadcast_in_dim3A_54, %dot_general3A_42, %broadcast_in_dim3A_56 in 1 : vector<512x1xf32>, vector<512x15xf32>, vector<512x40xf32>, vector<512x8xf32> -> vector<512x64xf32>
    %swap3A = arith.constant 0 : index
    %swap3A_58 = arith.constant 0 : index
    %swap3A_59 = vector.load %arg9[%swap3A, %swap3A_58] : memref<512x64xf32, #tpu.memory_space<vmem>>, vector<512x64xf32>
    tpu.vector_store %arg9[%swap3A, %swap3A_58], %concatenate3A_57 {strides = array<i32>} : memref<512x64xf32, #tpu.memory_space<vmem>>, vector<512x64xf32>,
    %concatenate3A_60 = tpu.concatenate %dot_general3A_52, %broadcast_in_dim3A_54 in 1 : vector<512x1xf32>, vector<512x15xf32> -> vector<512x16xf32>
    %swap3A_61 = arith.constant 0 : index
    %swap3A_62 = arith.constant 0 : index
    %swap3A_63 = vector.load %arg10[%swap3A_61, %swap3A_62] : memref<512x16xf32, #tpu.memory_space<vmem>>, vector<512x16xf32>
    tpu.vector_store %arg10[%swap3A_61, %swap3A_62], %concatenate3A_60 {strides = array<i32>} : memref<512x16xf32, #tpu.memory_space<vmem>>, vector<512x16xf32>,
    return
  }
  func.func @transform_0(%arg0: i32) -> (i32, i32, i32) {
    %c0_i32 = arith.constant 0 : i32
    %c0_i32_0 = arith.constant 0 : i32
    %c0_i32_1 = arith.constant 0 : i32
    return %c0_i32, %arg0, %c0_i32_0 : i32, i32, i32
  }
  func.func @transform_1(%arg0: i32) -> (i32, i32, i32) {
    %c1_i32 = arith.constant 1 : i32
    %c0_i32 = arith.constant 0 : i32
    %c0_i32_0 = arith.constant 0 : i32
    return %c1_i32, %arg0, %c0_i32 : i32, i32, i32
  }
  func.func @transform_2(%arg0: i32) -> (i32, i32, i32) {
    %c0_i32 = arith.constant 0 : i32
    %c0_i32_0 = arith.constant 0 : i32
    %c0_i32_1 = arith.constant 0 : i32
    return %c0_i32, %arg0, %c0_i32_0 : i32, i32, i32
  }
  func.func @transform_3(%arg0: i32) -> (i32, i32, i32) {
    %c1_i32 = arith.constant 1 : i32
    %c0_i32 = arith.constant 0 : i32
    %c0_i32_0 = arith.constant 0 : i32
    return %c1_i32, %arg0, %c0_i32 : i32, i32, i32
  }
  func.func @transform_4(%arg0: i32) -> (i32, i32) {
    %c0_i32 = arith.constant 0 : i32
    %c0_i32_0 = arith.constant 0 : i32
    %c0_i32_1 = arith.constant 0 : i32
    return %c0_i32, %c0_i32_0 : i32, i32
  }
  func.func @transform_5(%arg0: i32) -> (i32, i32) {
    %c0_i32 = arith.constant 0 : i32
    %c0_i32_0 = arith.constant 0 : i32
    %c0_i32_1 = arith.constant 0 : i32
    return %c0_i32, %c0_i32_0 : i32, i32
  }
  func.func @transform_6(%arg0: i32) -> (i32, i32) {
    %c0_i32 = arith.constant 0 : i32
    %c0_i32_0 = arith.constant 0 : i32
    %c0_i32_1 = arith.constant 0 : i32
    return %c0_i32, %c0_i32_0 : i32, i32
  }
  func.func @transform_7(%arg0: i32) -> (i32, i32) {
    %c0_i32 = arith.constant 0 : i32
    %c0_i32_0 = arith.constant 0 : i32
    %c0_i32_1 = arith.constant 0 : i32
    return %c0_i32, %c0_i32_0 : i32, i32
  }
  func.func @transform_8(%arg0: i32) -> (i32, i32) {
    %c0_i32 = arith.constant 0 : i32
    %c0_i32_0 = arith.constant 0 : i32
    return %arg0, %c0_i32 : i32, i32
  }
  func.func @transform_9(%arg0: i32) -> (i32, i32) {
    %c0_i32 = arith.constant 0 : i32
    %c0_i32_0 = arith.constant 0 : i32
    return %arg0, %c0_i32 : i32, i32
  }
}

module attributes {stable_mosaic.version = 14 : i64} {
  func.func @_stage5_body(%arg0: i32, %arg1: memref<1x1000x48xf32, #tpu.memory_space<vmem>>, %arg2: memref<1x1000x48xf32, #tpu.memory_space<vmem>>, %arg3: memref<1x1000x16xf32, #tpu.memory_space<vmem>>, %arg4: memref<1x1000x16xf32, #tpu.memory_space<vmem>>, %arg5: memref<1x40xf32, #tpu.memory_space<vmem>>, %arg6: memref<1000x40xf32, #tpu.memory_space<vmem>>) attributes {dimension_semantics = [#tpu.dimension_semantics<arbitrary>], iteration_bounds = array<i64: 10>, scalar_prefetch = 0 : i64, scratch_operands = 0 : i64, tpu.core_type = #tpu.core_type<tc>, window_params = [{transform_indices = @transform_0, window_bounds = array<i64: 1, 1000, 48>}, {transform_indices = @transform_1, window_bounds = array<i64: 1, 1000, 48>}, {transform_indices = @transform_2, window_bounds = array<i64: 1, 1000, 16>}, {transform_indices = @transform_3, window_bounds = array<i64: 1, 1000, 16>}, {pipeline_mode = #tpu.pipeline_mode<synchronous>, transform_indices = @transform_4, window_bounds = array<i64: 1, 40>}, {transform_indices = @transform_5, window_bounds = array<i64: 1000, 40>}]} {
    %get3A = arith.constant 0 : index
    %get3A_0 = arith.constant 0 : index
    %get3A_1 = arith.constant 0 : index
    %get3A_2 = vector.load %arg1[%get3A, %get3A_0, %get3A_1] : memref<1x1000x48xf32, #tpu.memory_space<vmem>>, vector<1x1000x48xf32>
    %get3A_3 = vector.shape_cast %get3A_2 : vector<1x1000x48xf32> to vector<1000x48xf32>
    %get3A_4 = arith.constant 0 : index
    %get3A_5 = arith.constant 0 : index
    %get3A_6 = arith.constant 0 : index
    %get3A_7 = vector.load %arg2[%get3A_4, %get3A_5, %get3A_6] : memref<1x1000x48xf32, #tpu.memory_space<vmem>>, vector<1x1000x48xf32>
    %get3A_8 = vector.shape_cast %get3A_7 : vector<1x1000x48xf32> to vector<1000x48xf32>
    %add3A = arith.addf %get3A_3, %get3A_8 : vector<1000x48xf32>
    %get3A_9 = arith.constant 0 : index
    %get3A_10 = arith.constant 0 : index
    %get3A_11 = arith.constant 0 : index
    %get3A_12 = vector.load %arg3[%get3A_9, %get3A_10, %get3A_11] : memref<1x1000x16xf32, #tpu.memory_space<vmem>>, vector<1x1000x1xf32>
    %get3A_13 = vector.shape_cast %get3A_12 : vector<1x1000x1xf32> to vector<1000x1xf32>
    %get3A_14 = arith.constant 0 : index
    %get3A_15 = arith.constant 0 : index
    %get3A_16 = arith.constant 0 : index
    %get3A_17 = vector.load %arg4[%get3A_14, %get3A_15, %get3A_16] : memref<1x1000x16xf32, #tpu.memory_space<vmem>>, vector<1x1000x1xf32>
    %get3A_18 = vector.shape_cast %get3A_17 : vector<1x1000x1xf32> to vector<1000x1xf32>
    %add3A_19 = arith.addf %get3A_13, %get3A_18 : vector<1000x1xf32>
    %slice3A = vector.extract_strided_slice %add3A {offsets = [0, 0], sizes = [1000, 40], strides = [1, 1]} : vector<1000x48xf32> to vector<1000x40xf32>
    %add3A_20 = arith.constant 1.000000e-16 : f32
    %add3A_21 = vector.broadcast %add3A_20 : f32 to vector<1000x1xf32>
    %add3A_22 = arith.addf %add3A_19, %add3A_21 : vector<1000x1xf32>
    %div3A = vector.broadcast %add3A_22 : vector<1000x1xf32> to vector<1000x40xf32>
    %div3A_23 = arith.divf %slice3A, %div3A : vector<1000x40xf32>
    %get3A_24 = arith.constant 0 : index
    %get3A_25 = arith.constant 0 : index
    %get3A_26 = vector.load %arg5[%get3A_24, %get3A_25] : memref<1x40xf32, #tpu.memory_space<vmem>>, vector<1x40xf32>
    %add3A_27 = vector.broadcast %get3A_26 : vector<1x40xf32> to vector<1000x40xf32>
    %add3A_28 = arith.addf %div3A_23, %add3A_27 : vector<1000x40xf32>
    %swap3A = arith.constant 0 : index
    %swap3A_29 = arith.constant 0 : index
    %swap3A_30 = vector.load %arg6[%swap3A, %swap3A_29] : memref<1000x40xf32, #tpu.memory_space<vmem>>, vector<1000x40xf32>
    tpu.vector_store %arg6[%swap3A, %swap3A_29], %add3A_28 {strides = array<i32>} : memref<1000x40xf32, #tpu.memory_space<vmem>>, vector<1000x40xf32>,
    return
  }
  func.func @transform_0(%arg0: i32) -> (i32, i32, i32) {
    %c0_i32 = arith.constant 0 : i32
    %c0_i32_0 = arith.constant 0 : i32
    %c0_i32_1 = arith.constant 0 : i32
    return %c0_i32, %arg0, %c0_i32_0 : i32, i32, i32
  }
  func.func @transform_1(%arg0: i32) -> (i32, i32, i32) {
    %c1_i32 = arith.constant 1 : i32
    %c0_i32 = arith.constant 0 : i32
    %c0_i32_0 = arith.constant 0 : i32
    return %c1_i32, %arg0, %c0_i32 : i32, i32, i32
  }
  func.func @transform_2(%arg0: i32) -> (i32, i32, i32) {
    %c0_i32 = arith.constant 0 : i32
    %c0_i32_0 = arith.constant 0 : i32
    %c0_i32_1 = arith.constant 0 : i32
    return %c0_i32, %arg0, %c0_i32_0 : i32, i32, i32
  }
  func.func @transform_3(%arg0: i32) -> (i32, i32, i32) {
    %c1_i32 = arith.constant 1 : i32
    %c0_i32 = arith.constant 0 : i32
    %c0_i32_0 = arith.constant 0 : i32
    return %c1_i32, %arg0, %c0_i32 : i32, i32, i32
  }
  func.func @transform_4(%arg0: i32) -> (i32, i32) {
    %c0_i32 = arith.constant 0 : i32
    %c0_i32_0 = arith.constant 0 : i32
    %c0_i32_1 = arith.constant 0 : i32
    return %c0_i32, %c0_i32_0 : i32, i32
  }
  func.func @transform_5(%arg0: i32) -> (i32, i32) {
    %c0_i32 = arith.constant 0 : i32
    %c0_i32_0 = arith.constant 0 : i32
    return %arg0, %c0_i32 : i32, i32
  }
}

</mosaic_0001>

<sc_bundles>
// kernel: kernel.10.cloned.1.call-start
scs
__scs_entry_jumppad:
0x0: {  	(pc) =	sbr.rel $0x88, $3  }
0x1: {  	(tag) =	ssettag $0x0;
	lr =	simm.s32 $0x1  }
0x2: {  	[smem:$0x3F97] =	sst lr;
	_ =	strace $0xD0000000  }
0x3: {  	_ = 	snop  }
0x4: {  	_ = 	snop  }
0x5: {  	_ = 	snop  }
0x6: {  	_ = 	snop  }
0x7: {  	_ = 	snop  }
__scs_overlays_trampoline_lowered:
0x8: {  	[smem:$0x3FA6] =	sst s0  }
0x9: {  	[smem:$0x3FA7] =	sst s1  }
0xa: {  	[smem:$0x3FA8] =	sst s2  }
0xb: {  	[smem:$0x3FA9] =	sst s3  }
0xc: {  	[smem:$0x3FAA] =	sst s4  }
0xd: {  	[smem:$0x3FAB] =	sst s5  }
0xe: {  	[smem:$0x3FAC] =	sst s6  }
0xf: {  	[smem:$0x3FAD] =	sst s7  }
0x10: {  	[smem:$0x3FAE] =	sst s8  }
0x11: {  	[smem:$0x3FAF] =	sst s9;
	s0 =	simm.s32 @!p0 $0x0  }
0x12: {  	s1 =	sld [smem:$0x3F95];
	s0 =	simm.s32 @p0 $0x1  }
0x13: {  	[smem:$0x3FB0] =	sst s0;
	s0 =	simm.s32 @!p1 $0x0  }
0x14: {  	s2 =	sld [smem:$0x3F94];
	s0 =	simm.s32 @p1 $0x1  }
0x15: {  	[smem:$0x3FB1] =	sst s0;
	s0 =	simm.s32 @!p2 $0x0  }
0x16: {  	s3 =	sld [smem:$0x3FDB];
	s0 =	simm.s32 @p2 $0x1  }
0x17: {  	s4 =	simm.s32 $0x1BF5;
	[smem:$0x3FB3] =	sst s0  }
0x18: {  	s0 =	sld [smem:$0x3F96];
	_ =	swait.ge [sflag:s4], $0x0  }
0x19: {  	s7 =	sld [smem:$0x3F97]  }
0x1a: {  	s8 =	sadd.s32 $0xFFFFE003, lr  }
0x1b: {  	s9 =	sadd.s32 $0xFFFFFEF7, lr;
	s5 =	simm.s32 $0xFFFFFFFF;
	p2 =	slt.u32 s8, $0xFFFFF086  }
0x1c: {  	p1 =	slt.u32 s9, $0xF7A;
	s5 =	simm.s32 @!p2 $0x0  }
0x1d: {  	s5 =	simm.s32 @p1 $0x1;
	p0 =	seq.s32 s7, s2  }
0x1e: {  	s7 =	smul.u32 @!p0 $0xF7A, s2;
	p2 =	seq.s32 @!p0 s5, $0x0  }
0x1f: {  	s9 =	smul.u32 $0xF7A, s1;
	s8 =	simm.s32 @!p0 $0x1BF5;
	p2 =	por !p2, p0  }
0x20: {  	[sflag:s8] =	ssyncset.s32 @!p0 $0xFFFFF086;
	s6 =	sadd.s32 @!p0 s3, s7;
	s7 =	simm.s32 @!p0 $0x108  }
0x21: {  	s3 =	sadd.s32 s3, s9;
	s6 =	sadd.s32 @!p0 $0x88, s6;
	s7 =	simm.s32 @p2 $0x1082  }
0x22: {  	[simem:s7], [sflag:s8] =	dma.local @!p0 [hbm:s6], $0xF7A  }
0x23: {  	s9 =	sor.u32 $0xD0000000, s2;
	s6 =	simm.s32 $0x108;
	_ =	swait.ge @!p0 [sflag:s8], $0x0  }
0x24: {  	s3 =	sadd.s32 $0x88, s3;
	s6 =	simm.s32 @!p1 $0x1082;
	[sflag:s4] =	ssyncset.s32 $0xFFFFF086  }
0x25: {  	[simem:s6], [sflag:s4] =	dma.local [hbm:s3], $0xF7A  }
0x26: {  	[smem:$0x3F97] =	sst s1;
	(tag) =	ssettag s2;
	_ =	strace s9  }
0x27: {  	s1 =	sld [smem:$0x3FA7]  }
0x28: {  	s2 =	sld [smem:$0x3FA8]  }
0x29: {  	s4 =	sld [smem:$0x3FAA]  }
0x2a: {  	p0 =	seq.s32 s5, $0x0;
	s5 =	sld [smem:$0x3FAB]  }
0x2b: {  	s6 =	sld [smem:$0x3FAC]  }
0x2c: {  	s7 =	sld [smem:$0x3FAD]  }
0x2d: {  	s3 =	simm.s32 $0x108;
	s8 =	sld [smem:$0x3FAE]  }
0x2e: {  	s3 =	simm.s32 @!p0 $0x1082;
	s9 =	sld [smem:$0x3FAF]  }
0x2f: {  	lr =	sadd.s32 s0, s3;
	s0 =	sld [smem:$0x3FA6]  }
0x30: {  	s3 =	sld [smem:$0x3FA9]  }
0x31: {  	[smem:$0x3FB2] =	sst s10  }
0x32: {  	s10 =	sld [smem:$0x3FB0];
	_ =	sdelay $0x3  }
0x33: {  	p0 =	seq.s32 s10, $0x1;
	s10 =	sld [smem:$0x3FB2];
	_ =	sdelay $0x3  }
0x34: {  	[smem:$0x3FB2] =	sst s10  }
0x35: {  	s10 =	sld [smem:$0x3FB1];
	_ =	sdelay $0x3  }
0x36: {  	p1 =	seq.s32 s10, $0x1;
	s10 =	sld [smem:$0x3FB2];
	_ =	sdelay $0x3  }
0x37: {  	[smem:$0x3FB2] =	sst s10  }
0x38: {  	s10 =	sld [smem:$0x3FB3]  }
0x39: {  	_ = 	snop;
	(pc) =	sbr.ind lr, $3  }
0x3a: {  	_ = 	snop  }
0x3b: {  	_ = 	snop  }
0x3c: {  	p2 =	seq.s32 s10, $0x1;
	s10 =	sld [smem:$0x3FB2]  }
0x3d: {  	_ =	shalt  }
0x3e: {  	_ =	shalt  }
0x3f: {  	_ =	shalt  }
0x40: {  	_ =	shalt  }
0x41: {  	_ =	shalt  }
0x42: {  	_ =	shalt  }
0x43: {  	_ =	shalt  }
0x44: {  	_ =	shalt  }
0x45: {  	_ =	shalt  }
0x46: {  	_ =	shalt  }
0x47: {  	_ =	shalt  }
0x48: {  	_ =	shalt  }
0x49: {  	_ =	shalt  }
0x4a: {  	_ =	shalt  }
0x4b: {  	_ =	shalt  }
0x4c: {  	_ =	shalt  }
0x4d: {  	_ =	shalt  }
0x4e: {  	_ =	shalt  }
0x4f: {  	_ =	shalt  }
0x50: {  	_ =	shalt  }
0x51: {  	_ =	shalt  }
0x52: {  	_ =	shalt  }
0x53: {  	_ =	shalt  }
0x54: {  	_ =	shalt  }
0x55: {  	_ =	shalt  }
0x56: {  	_ =	shalt  }
0x57: {  	_ =	shalt  }
0x58: {  	_ =	shalt  }
0x59: {  	_ =	shalt  }
0x5a: {  	_ =	shalt  }
0x5b: {  	_ =	shalt  }
0x5c: {  	_ =	shalt  }
0x5d: {  	_ =	shalt  }
0x5e: {  	_ =	shalt  }
0x5f: {  	_ =	shalt  }
0x60: {  	_ =	shalt  }
0x61: {  	_ =	shalt  }
0x62: {  	_ =	shalt  }
0x63: {  	_ =	shalt  }
0x64: {  	_ =	shalt  }
0x65: {  	_ =	shalt  }
0x66: {  	_ =	shalt  }
0x67: {  	_ =	shalt  }
0x68: {  	_ =	shalt  }
0x69: {  	_ =	shalt  }
0x6a: {  	_ =	shalt  }
0x6b: {  	_ =	shalt  }
0x6c: {  	_ =	shalt  }
0x6d: {  	_ =	shalt  }
0x6e: {  	_ =	shalt  }
0x6f: {  	_ =	shalt  }
0x70: {  	_ =	shalt  }
0x71: {  	_ =	shalt  }
0x72: {  	_ =	shalt  }
0x73: {  	_ =	shalt  }
0x74: {  	_ =	shalt  }
0x75: {  	_ =	shalt  }
0x76: {  	_ =	shalt  }
0x77: {  	_ =	shalt  }
0x78: {  	_ =	shalt  }
0x79: {  	_ =	shalt  }
0x7a: {  	_ =	shalt  }
0x7b: {  	_ =	shalt  }
0x7c: {  	_ =	shalt  }
0x7d: {  	_ =	shalt  }
0x7e: {  	_ =	shalt  }
0x7f: {  	_ =	shalt  }
0x80: {  	_ =	shalt  }
0x81: {  	_ =	shalt  }
0x82: {  	_ =	shalt  }
0x83: {  	_ =	shalt  }
0x84: {  	_ =	shalt  }
0x85: {  	_ =	shalt  }
0x86: {  	_ =	shalt  }
0x87: {  	_ =	shalt  }
.Lfunc_end0:
.L_simem_size_0:
called_computation.1_lowered:
.L_overlay_start_0:
0x88: {  	s2 =	sld [smem:$0x3FD9]  }
0x89: {  	s3 =	sld [smem:$0x3FFE];
	_ =	sdelay $0x1  }
0x8a: {  	s1 =	srdreg.scid  }
0x8b: {  	s0 =	sand.u32 $0x1, s1  }
0x8c: {  	s17 =	sshll.u32 s0, $0xA;
	s2 =	sadd.s32 s3, s2  }
0x8d: {  	s2 =	sadd.s32 s2, s17  }
0x8e: {  	[smem:$0x3FBE] =	sst s2  }
0x8f: {  	_ = 	snop  }
0x90: {  	s2 =	sld [smem:$0x3FD0];
	(tm) =	ssettm $0x1  }
0x91: {  	s18 =	sld [smem:$0x3FFB];
	_ =	sdelay $0x3  }
0x92: {  	_ =	strace s18  }
0x93: {  	s3 =	sld [smem:$0x3FFC];
	_ =	sdelay $0x3  }
0x94: {  	_ =	strace s3  }
0x95: {  	s3 =	sld [smem:$0x3FFD];
	_ =	sdelay $0x3  }
0x96: {  	_ =	strace s3  }
0x97: {  	_ =	strace $0x8FFFFFFF  }
0x98: {  	s19 =	sld [smem:$0x3FDB];
	_ =	sdelay $0x1  }
0x99: {  	s4 =	simm.s32 $_scs_section_size  }
0x9a: {  	s5 =	simm.s32 $_size__tile_overlayer_lowered;
	s6 =	simm.s32 $_tile_overlayer_lowered  }
0x9b: {  	s22 =	simm.s32 $0x1BFF;
	s21 =	sshll.u32 s6, $0x1;
	s3 =	sadd.s32 s4, s19  }
0x9c: {  	s7 =	simm.s32 $0x0;
	s20 =	sshll.u32 s5, $0x1;
	s5 =	sadd.s32 s21, s3  }
0x9d: {  	[timem:s7], [sflag:s22] =	dma.local [hbm:s5], s20  }
0x9e: {  	_ =	swait.ge [sflag:s22], s20  }
0x9f: {  	s4 =	ssub.s32 $0x0, s20;
	[sflag:s22] =	ssyncset.done $0x0  }
0xa0: {  	[sflag:s22] =	ssyncadd.s32 s4;
	_ =	sdelay $0x1  }
0xa1: {  	s23 =	simm.s32 $0x1B8B  }
0xa2: {  	_ =	swait.ge [sflag:s23], $0x1  }
0xa3: {  	[sflag:s23] =	ssyncset.done $0x0  }
0xa4: {  	s25 =	simm.s32 $0x1B8E;
	s24 =	sld [smem:$0x3FFE];
	[sflag:s23] =	ssyncadd.s32 $0xFFFFFFFF  }
0xa5: {  	s26 =	simm.s32 $execute0_lowered;
	[smem:$0x3FD2] =	sst s25  }
0xa6: {  	s5 =	sshll.u32 s26, $0x1;
	_ =	strace $0x80000049;
	[dreg:$0x1] =	wrdreg $0xFFFFFFFF  }
0xa7: {  	s28 =	simm.s32 $_size_execute0_lowered;
	s3 =	sadd.s32 s3, s5;
	[dreg:$0x0] =	wrdreg $0x0  }
0xa8: {  	s5 =	sshll.u32 s28, $0x1;
	[dreg:$0x2] =	wrdreg s3  }
0xa9: {  	[dreg:$0x3] =	wrdreg s5  }
0xaa: {  	[dreg:$0x4] =	wrdreg $0xC0  }
0xab: {  	_ =	task [dreg:s7], $0x5FFFF  }
0xac: {  	[dreg:$0x1] =	wrdreg $0xFFFFFFFF  }
0xad: {  	[dreg:$0x0] =	wrdreg $0x60  }
0xae: {  	[dreg:$0x2] =	wrdreg s24  }
0xaf: {  	[dreg:$0x3] =	wrdreg s2  }
0xb0: {  	[dreg:$0x4] =	wrdreg $0x0  }
0xb1: {  	[dreg:$0x5] =	wrdreg $0x75600  }
0xb2: {  	[dreg:$0x6] =	wrdreg $0x9  }
0xb3: {  	_ =	task.clear_ibuf [dreg:s7], $0x7FFFF;
	_ =	strace $0x90000049  }
0xb4: {  	s29 =	simm.s32 $0x9;
	_ =	strace $0x8000004B  }
0xb5: {  	_ =	swait.ge [sflag:s29], $0x1  }
0xb6: {  	[sflag:s29] =	ssyncadd.s32 $0xFFFFFFFF  }
0xb7: {  	_ =	strace $0x9000004B  }
0xb8: {  	_ =	sfence  }
0xb9: {  	s30 =	sld [smem:$0x0];
	_ =	sdelay $0x2  }
0xba: {  	s31 =	sshll.u32 s1, $0xD;
	s1 =	sshrl.u32 s1, $0x2  }
0xbb: {  	s3 =	sand.u32 $0x4000, s31;
	s1 =	sadd.s32 s1, s30  }
0xbc: {  	s0 =	sor.u32 s3, s0;
	s1 =	sshll.u32 s1, $0x11  }
0xbd: {  	s0 =	sor.u32 s1, s0  }
0xbe: {  	s0 =	sadd.s32 $0x8F2B, s0  }
0xbf: {  	[sflag:s0] =	ssyncadd.remote.s32 $0x1  }
0xc0: {  	_ =	sfence.sel $0xFFFF  }
0xc1: {  	[dreg:$0x0] =	wrdreg $0xFFFFFFFF;
	(pc) =	sbr.abs _section_cstart, $3  }
0xc2: {  	[dreg:$0x1] =	wrdreg $0xFFFFFFFF  }
0xc3: {  	_ =	task.clear_ibuf [dreg:s7], $0x2FFFF;
	_ =	strace $0x9FFFFFFF  }
0xc4: {  	(tm) =	ssettm $0x7FFFFFFF  }
0xc5: {  	_ =	shalt  }
tec
execute0_lowered:
.L_overlay_start_1:
0x0: {  	(tag) =	ssettag $0x1  }
0x1: {  	s0 =	rddreg [dreg:$0x0]  }
0x2: {  	s1 =	rddreg [dreg:$0x1]  }
0x3: {  	s3 =	rddreg [dreg:$0x2]  }
0x4: {  	s4 =	rddreg [dreg:$0x3];
	s17 =	stileid.u32  }
0x5: {  	s2 =	srdreg.scid;
	s5 =	simm.s32 $0x0;
	s9 =	smul.u32 $0x7560, s17  }
0x6: {  	s28 =	simm.s32 $0x9D00;
	s29 =	simm.s32 $0x80;
	s10 =	smul.u32 $0x2720, s17  }
0x7: {  	s30 =	simm.s32 $0x9D80;
	s31 =	simm.s32 $0xBD80;
	s13 =	smul.u32 $0x272, s17  }
0x8: {  	s2 =	sand.u32 $0x1, s2;
	[smem:$0x7FF] =	sst s5;
	s23 =	smul.u32 $0x1D580, s17  }
0x9: {  	s6 =	sadd.s32 $0x16A00, s0;
	s7 =	smul.u32 $0x78000, s2;
	_ =	strace $0x8000004A  }
0xa: {  	s11 =	smul.u32 $0x28000, s2;
	s14 =	ssub.s32 $0x2, s2;
	s15 =	sadd.s32 $0x80, s13  }
0xb: {  	s22 =	sshrl.u32 s14, $0x1;
	s18 =	sadd.s32 s9, s3;
	s20 =	sadd.s32 s10, s4  }
0xc: {  	s13 =	sshll.u32 s13, $0x4;
	s8 =	sadd.s32 s9, s7;
	s7 =	sadd.s32 $0x2800, s0  }
0xd: {  	s11 =	sadd.s32 s10, s11;
	s16 =	smul.u32 $0xC0, s15;
	s25 =	sshll.u32 s15, $0x4  }
0xe: {  	s15 =	sadd.s32 $0x12000, s23;
	s9 =	sadd.s32 $0x18000, s23;
	[dreg:$0x5] =	wrdreg s18  }
0xf: {  	[dreg:$0x6] =	wrdreg s20;
	s12 =	sshrl.u32 s8, $0x3;
	s8 =	sadd.s32 $0xC800, s0  }
0x10: {  	s11 =	sshrl.u32 s11, $0x3;
	s26 =	sadd.s32 s25, s4;
	s19 =	sshrl.u32 s15, $0x2  }
0x11: {  	s9 =	sshrl.u32 s9, $0x2;
	s12 =	sadd.s32 s12, s0;
	s24 =	sshrl.u32 s16, $0x2  }
0x12: {  	[dreg:$0x8] =	wrdreg s26;
	s16 =	sadd.s32 s4, s13;
	s13 =	sadd.s32 s19, s3  }
0x13: {  	s0 =	sadd.s32 s11, s0;
	s9 =	sadd.s32 s9, s3;
	[dreg:$0xb] =	wrdreg s13  }
0x14: {  	s11 =	ssub.s32 s14, s22;
	s10 =	sadd.s32 s24, s3;
	[dreg:$0xd] =	wrdreg s9  }
0x15: {  	s14 =	sadd.s32 $0xC000, s23;
	s21 =	sadd.s32 $0x1000, s16;
	[dreg:$0x7] =	wrdreg s10  }
0x16: {  	s23 =	sshll.u32 s17, $0x1;
	s22 =	sadd.s32 $0x1800, s16;
	[dreg:$0xa] =	wrdreg s21  }
0x17: {  	s24 =	sadd.s32 $0x2000, s16;
	s2 =	sor.u32 s2, s23;
	[dreg:$0xc] =	wrdreg s22  }
0x18: {  	s25 =	sadd.s32 $0x34A00, s12;
	s0 =	sadd.s32 $0x2AA00, s0;
	[dreg:$0xe] =	wrdreg s24  }
0x19: {  	s26 =	smax.u32 s11, $0x1;
	s23 =	simm.s32 $0xC580;
	[dreg:$0xf] =	wrdreg s25  }
0x1a: {  	s10 =	sshrl.u32 s14, $0x2;
	s19 =	smul.u32 $0x2880, s2;
	[dreg:$0x10] =	wrdreg s0  }
0x1b: {  	[dreg:$0x11] =	wrdreg s26;
	s24 =	simm.s32 $0x3;
	s25 =	simm.s32 $0xDD80  }
0x1c: {  	s26 =	simm.s32 $0x9C80;
	s0 =	simm.s32 $0x1;
	s10 =	sadd.s32 s10, s3  }
0x1d: {  	v0 =	vimm.f32 $0.0e+00;
	v1 =	vimm.s32 $0x0;
	s2 =	simm.s32 $0x2;
	[dreg:$0x9] =	wrdreg s10;
	s10 =	simm.s32 $0x0  }
.LBB2_1:
0x1e: {  	s9 =	simm.s32 $0xC5A0  }
0x1f: {  	[tilespmem:s9+$0x0] =	vst v0  }
0x20: {  	[tilespmem:s9+$0xFFFFFFE0] =	vst v0  }
0x21: {  	[dreg:$0x12] =	wrdreg s10;
	s10 =	simm.s32 $0x40;
	s11 =	simm.s32 $0x0;
	[tilespmem:s9+$0xFFFFFFF0] =	vst v0  }
.LBB2_2:
0x22: {  	p0 =	sne.s32 s10, $0x1FC0  }
0x23: {  	[tilespmem:s11+$0xDD80] =	vst v0;
	s9 =	sadd.s32 $0x30, s9;
	s11 =	smov.u32 s10;
	s10 =	sadd.s32 $0x40, s10  }
.Ltmp0:
0x24: {  	[tilespmem:s9+$0x0] =	vst v0;
	(pc) =	sbr.rel @p0 .LBB2_2-.Ltmp0, $3  }
0x25: {  	_ =	sdelay $0x1  }
0x26: {  	[tilespmem:s9+$0xFFFFFFE0] =	vst v0  }
0x27: {  	s11 =	sshra.s32 s11, $0x2;
	[tilespmem:s9+$0xFFFFFFF0] =	vst v0  }
0x28: {  	[tilespmem:s11+$0xDD80] =	vst v0  }
0x29: {  	[spmem:s18] =	stream.linear.scatter [tilespmem:s23], [sflag:$0x3], $0x1800, $0x38;
	[tilespmem:$0xE580] =	vst v63  }
0x2a: {  	_ =	swait.ge [sflag:s24], $0x1800  }
0x2b: {  	[sflag:s24] =	ssyncset.done $0x0  }
0x2c: {  	[sflag:s24] =	ssyncadd.s32 $0xFFFFE800  }
0x2d: {  	[spmem:s20] =	stream.linear.scatter [tilespmem:s25], [sflag:$0x3], $0x800, $0x38;
	[tilespmem:$0xE580] =	vst v63  }
0x2e: {  	_ =	swait.ge [sflag:s24], $0x800  }
0x2f: {  	[sflag:s24] =	ssyncset.done $0x0  }
0x30: {  	s9 =	rddreg [dreg:$0x7];
	[sflag:s24] =	ssyncadd.s32 $0xFFFFF800  }
0x31: {  	[spmem:s9] =	stream.linear.scatter [tilespmem:s23], [sflag:$0x3], $0x1800, $0x38;
	[tilespmem:$0xE580] =	vst v63  }
0x32: {  	_ =	swait.ge [sflag:s24], $0x1800  }
0x33: {  	[sflag:s24] =	ssyncset.done $0x0  }
0x34: {  	s15 =	rddreg [dreg:$0x8];
	[sflag:s24] =	ssyncadd.s32 $0xFFFFE800  }
0x35: {  	[spmem:s15] =	stream.linear.scatter [tilespmem:s25], [sflag:$0x3], $0x800, $0x38;
	[tilespmem:$0xE580] =	vst v63  }
0x36: {  	_ =	swait.ge [sflag:s24], $0x800  }
0x37: {  	[sflag:s24] =	ssyncset.done $0x0  }
0x38: {  	s16 =	rddreg [dreg:$0x9];
	[sflag:s24] =	ssyncadd.s32 $0xFFFFF800  }
0x39: {  	[spmem:s16] =	stream.linear.scatter [tilespmem:s23], [sflag:$0x3], $0x1800, $0x38;
	[tilespmem:$0xE580] =	vst v63  }
0x3a: {  	_ =	swait.ge [sflag:s24], $0x1800  }
0x3b: {  	[sflag:s24] =	ssyncset.done $0x0  }
0x3c: {  	s17 =	rddreg [dreg:$0xa];
	[sflag:s24] =	ssyncadd.s32 $0xFFFFE800  }
0x3d: {  	[spmem:s17] =	stream.linear.scatter [tilespmem:s25], [sflag:$0x3], $0x800, $0x38;
	[tilespmem:$0xE580] =	vst v63  }
0x3e: {  	_ =	swait.ge [sflag:s24], $0x800  }
0x3f: {  	[sflag:s24] =	ssyncset.done $0x0  }
0x40: {  	s18 =	rddreg [dreg:$0xb];
	[sflag:s24] =	ssyncadd.s32 $0xFFFFF800  }
0x41: {  	[spmem:s18] =	stream.linear.scatter [tilespmem:s23], [sflag:$0x3], $0x1800, $0x38;
	[tilespmem:$0xE580] =	vst v63  }
0x42: {  	_ =	swait.ge [sflag:s24], $0x1800  }
0x43: {  	[sflag:s24] =	ssyncset.done $0x0  }
0x44: {  	s20 =	rddreg [dreg:$0xc];
	[sflag:s24] =	ssyncadd.s32 $0xFFFFE800  }
0x45: {  	[spmem:s20] =	stream.linear.scatter [tilespmem:s25], [sflag:$0x3], $0x800, $0x38;
	[tilespmem:$0xE580] =	vst v63  }
0x46: {  	_ =	swait.ge [sflag:s24], $0x800  }
0x47: {  	[sflag:s24] =	ssyncset.done $0x0  }
0x48: {  	s21 =	rddreg [dreg:$0xd];
	[sflag:s24] =	ssyncadd.s32 $0xFFFFF800  }
0x49: {  	[spmem:s21] =	stream.linear.scatter [tilespmem:s23], [sflag:$0x3], $0x1560, $0x38;
	[tilespmem:$0xE580] =	vst v63  }
0x4a: {  	_ =	swait.ge [sflag:s24], $0x1560  }
0x4b: {  	[sflag:s24] =	ssyncset.done $0x0  }
0x4c: {  	s22 =	rddreg [dreg:$0xe];
	[sflag:s24] =	ssyncadd.s32 $0xFFFFEAA0  }
0x4d: {  	[spmem:s22] =	stream.linear.scatter [tilespmem:s25], [sflag:$0x3], $0x720, $0x38;
	[tilespmem:$0xE580] =	vst v63  }
0x4e: {  	_ =	swait.ge [sflag:s24], $0x720  }
0x4f: {  	[sflag:s24] =	ssyncset.done $0x0  }
0x50: {  	[sflag:s24] =	ssyncadd.s32 $0xFFFFF8E0  }
0x51: {  	s12 =	simm.s32 $0x0;
	[bflag:$0x0] =	sbarrier.arrive $0xFFFF  }
.LBB2_4:
0x52: {  	s9 =	sshll.u32 s12, $0x7  }
0x53: {  	s9 =	sadd.s32 s19, s9  }
0x54: {  	s9 =	sshrl.u32 s9, $0x3  }
0x55: {  	s10 =	sadd.s32 s1, s9  }
0x56: {  	[tilespmem:s26], [sflag:$0x3] =	stream.linear.gather [hbm4b:s10+s5], $0x80, $0x38;
	[tilespmem:$0xE580] =	vst v63  }
0x57: {  	_ =	swait.ge [sflag:s24], $0x80  }
0x58: {  	[sflag:s24] =	ssyncset.done $0x0  }
0x59: {  	s9 =	sadd.s32 s8, s9;
	[sflag:s24] =	ssyncadd.s32 $0xFFFFFF80  }
0x5a: {  	[tilespmem:s28], [sflag:$0x3] =	stream.linear.gather [hbm4b:s9+s5], $0x80, $0x38;
	[tilespmem:$0xE580] =	vst v63  }
0x5b: {  	_ =	swait.ge [sflag:s24], $0x80  }
0x5c: {  	[sflag:s24] =	ssyncset.done $0x0  }
0x5d: {  	[sflag:s24] =	ssyncadd.s32 $0xFFFFFF80  }
0x5e: {  	[tilespmem:s30], [sflag:$0x1] =	stream.indirect.gather [hbm4b:s6+s29], $0x40, s26, s29, $0xb8;
	[tilespmem:$0xE580] =	vst v63  }
0x5f: {  	_ = 	snop  }
0x60: {  	[tilespmem:s31], [sflag:$0x2] =	stream.indirect.gather [hbm4b:s7+s29], $0x10, s28, s29, $0xb8;
	[tilespmem:$0xE580] =	vst v63  }
0x61: {  	_ =	swait.ge [sflag:s0], $0x2000  }
0x62: {  	[sflag:s0] =	ssyncset.done $0x0  }
0x63: {  	[sflag:s0] =	ssyncadd.s32 $0xFFFFE000  }
0x64: {  	_ =	swait.ge [sflag:s2], $0x800  }
0x65: {  	[sflag:s2] =	ssyncset.done $0x0  }
0x66: {  	s18 =	simm.s32 $0x9E00;
	[sflag:s2] =	ssyncadd.s32 $0xFFFFF800  }
0x67: {  	s16 =	simm.s32 $0xBDA0;
	v2 =	vld [tilespmem:s18+$0x40]  }
0x68: {  	v3 =	vld [tilespmem:s16+$0x10];
	_ =	sdelay $0x1  }
0x69: {  	v5 =	vld [tilespmem:s18+$0xFFFFFFC0]  }
0x6a: {  	v6 =	vld [tilespmem:s16+$0xFFFFFFF0]  }
0x6b: {  	v7 =	vld [tilespmem:s18+$0x0]  }
0x6c: {  	v2 =	vadd.f32 v3, v2;
	v3 =	vld [tilespmem:s16+$0x0]  }
0x6d: {  	v4 =	vld [tilespmem:s16+$0xFFFFFFE0]  }
0x6e: {  	v8 =	vld [tilespmem:s18+$0xFFFFFF80]  }
0x6f: {  	v9 =	vmul.f32 $2.000000030e-01, v2  }
0x70: {  	v5 =	vadd.f32 v6, v5  }
0x71: {  	s17 =	simm.s32 $0xBDE0;
	v2 =	vmax.f32 v2, v9;
	v3 =	vadd.f32 v3, v7  }
0x72: {  	s13 =	simm.s32 $0x9F00;
	v6 =	vmul.f32 $2.000000030e-01, v5;
	v9 =	vld [tilespmem:s17+$0x10];
	v2 =	vmul.f32 $1.442695020e+00, v2  }
0x73: {  	v4 =	vadd.f32 v4, v8;
	v7 =	vld [tilespmem:s13+$0x40];
	v8 =	vmul.f32 $2.000000030e-01, v3  }
0x74: {  	(erf) = vpow2.f32 v2;
	v2 =	vmax.f32 v5, v6  }
0x75: {  	v5 =	vmul.f32 $2.000000030e-01, v4;
	v2 =	vmul.f32 $1.442695020e+00, v2;
	v3 =	vmax.f32 v3, v8  }
0x76: {  	v3 =	vmul.f32 $1.442695020e+00, v3  }
0x77: {  	v4 =	vmax.f32 v4, v5;
	(erf) = vpow2.f32 v2  }
0x78: {  	v4 =	vmul.f32 $1.442695020e+00, v4;
	(erf) = vpow2.f32 v3;
	v3 =	vadd.f32 v9, v7  }
0x79: {  	v2 =	vld [tilespmem:s13+$0xFFFFFFC0]  }
0x7a: {  	(erf) = vpow2.f32 v4;
	v4 =	vld [tilespmem:s17+$0xFFFFFFF0];
	v6 =	vmul.f32 $2.000000030e-01, v3  }
0x7b: {  	v5 =	vld [tilespmem:s17+$0xFFFFFFE0]  }
0x7c: {  	v8 =	vld [tilespmem:s17+$0x0]  }
0x7d: {  	v7 =	vld [tilespmem:s13+$0x0]  }
0x7e: {  	s20 =	simm.s32 $0xDDA0;
	v9 =	vld [tilespmem:s13+$0xFFFFFF80];
	v3 =	vmax.f32 v3, v6;
	v6 =	vpop (erf)  }
0x7f: {  	v3 =	vmul.f32 $1.442695020e+00, v3;
	v2 =	vadd.f32 v4, v2;
	[tilespmem:s20+$0x10] =	vst v6  }
0x80: {  	v4 =	vld [tilespmem:s18+$0x50]  }
0x81: {  	v10 =	vmul.f32 $2.000000030e-01, v2  }
0x82: {  	s21 =	simm.s32 $0xBE20;
	v7 =	vadd.f32 v8, v7;
	(erf) = vpow2.f32 v3  }
0x83: {  	s14 =	simm.s32 $0xA000;
	v17 =	vld [tilespmem:s21+$0xFFFFFFF0];
	v5 =	vadd.f32 v5, v9;
	v8 =	vperm.xlane v6, v1;
	v3 =	vpop (erf);
	v2 =	vmax.f32 v2, v10  }
0x84: {  	v20 =	vld [tilespmem:s14+$0xFFFFFF80];
	[tilespmem:s20+$0xFFFFFFF0] =	vst v3;
	v10 =	vmul.f32 $2.000000030e-01, v7;
	v2 =	vmul.f32 $1.442695020e+00, v2  }
0x85: {  	v14 =	vmul.f32 $2.000000030e-01, v5;
	v11 =	vpop (erf);
	v6 =	vld [tilespmem:s18+$0xFFFFFFD0];
	v4 =	vmul.f32 v4, v8  }
0x86: {  	s15 =	simm.s32 $0xC5E0;
	[tilespmem:s20+$0x0] =	vst v11;
	v7 =	vmax.f32 v7, v10;
	(erf) = vpow2.f32 v2;
	v2 =	vld [tilespmem:s14+$0x40]  }
0x87: {  	v12 =	vpop (erf);
	[tilespmem:s15+$0x30] =	vst v4;
	v4 =	vmax.f32 v5, v14;
	v5 =	vmul.f32 $1.442695020e+00, v7;
	v7 =	vld [tilespmem:s21+$0x10]  }
0x88: {  	[tilespmem:s20+$0xFFFFFFE0] =	vst v12;
	v9 =	vld [tilespmem:s18+$0x10]  }
0x89: {  	v15 =	vperm.xlane v3, v1;
	v13 =	vld [tilespmem:s18+$0xFFFFFF90];
	(erf) = vpow2.f32 v5  }
0x8a: {  	v10 =	vld [tilespmem:s18+$0x60];
	v4 =	vmul.f32 $1.442695020e+00, v4  }
0x8b: {  	s22 =	simm.s32 $0xDDE0;
	v3 =	vmul.f32 v6, v15;
	v6 =	vld [tilespmem:s14+$0x0];
	v5 =	vpop (erf)  }
0x8c: {  	(erf) = vpow2.f32 v4;
	v4 =	vld [tilespmem:s14+$0xFFFFFFC0];
	[tilespmem:s22+$0x10] =	vst v5;
	v2 =	vadd.f32 v7, v2  }
0x8d: {  	[tilespmem:s15+$0xFFFFFFD0] =	vst v3;
	v3 =	vperm.xlane v12, v1;
	v16 =	vld [tilespmem:s13+$0x50]  }
0x8e: {  	v12 =	vld [tilespmem:s18+$0xFFFFFFE0];
	v18 =	vperm.xlane v5, v1;
	v5 =	vmul.f32 $2.000000030e-01, v2  }
0x8f: {  	v7 =	vld [tilespmem:s21+$0x0];
	v10 =	vmul.f32 v10, v8;
	v19 =	vpop (erf)  }
0x90: {  	v14 =	vld [tilespmem:s21+$0xFFFFFFE0];
	[tilespmem:s22+$0xFFFFFFF0] =	vst v19;
	v5 =	vmax.f32 v2, v5;
	v2 =	vperm.xlane v11, v1;
	v11 =	vmul.f32 v13, v3  }
0x91: {  	[tilespmem:s15+$0x40] =	vst v10  }
0x92: {  	v10 =	vld [tilespmem:s13+$0xFFFFFFD0];
	v5 =	vmul.f32 $1.442695020e+00, v5;
	v16 =	vmul.f32 v16, v18;
	v21 =	vpop (erf);
	[tilespmem:s15+$0xFFFFFFA0] =	vst v11  }
0x93: {  	s16 =	simm.s32 $0xC6A0;
	v4 =	vadd.f32 v17, v4;
	v13 =	vld [tilespmem:s18+$0x70];
	v9 =	vmul.f32 v9, v2;
	[tilespmem:s22+$0x0] =	vst v21  }
0x94: {  	v6 =	vadd.f32 v7, v6;
	v11 =	vmul.f32 v12, v15;
	(erf) = vpow2.f32 v5;
	[tilespmem:s16+$0x30] =	vst v16;
	v17 =	vld [tilespmem:s13+$0x10]  }
0x95: {  	v14 =	vadd.f32 v14, v20;
	v5 =	vperm.xlane v19, v1;
	v19 =	vmul.f32 $2.000000030e-01, v4;
	[tilespmem:s15+$0x0] =	vst v9;
	v9 =	vld [tilespmem:s18+$0xFFFFFFA0]  }
0x96: {  	v20 =	vmul.f32 $2.000000030e-01, v6;
	v7 =	vld [tilespmem:s13+$0x60]  }
0x97: {  	s17 =	simm.s32 $0xA100;
	[tilespmem:s15+$0xFFFFFFE0] =	vst v11;
	v4 =	vmax.f32 v4, v19;
	v10 =	vmul.f32 v10, v5;
	v19 =	vmul.f32 $2.000000030e-01, v14;
	v11 =	vld [tilespmem:s18+$0x20];
	v16 =	vpop (erf)  }
0x98: {  	v6 =	vmax.f32 v6, v20;
	v20 =	vld [tilespmem:s17+$0x40];
	[tilespmem:s22+$0xFFFFFFE0] =	vst v16  }
0x99: {  	v8 =	vmul.f32 v13, v8;
	v4 =	vmul.f32 $1.442695020e+00, v4;
	[tilespmem:s16+$0xFFFFFFD0] =	vst v10;
	v10 =	vld [tilespmem:s18+$0xFFFFFFF0];
	v14 =	vmax.f32 v14, v19  }
0x9a: {  	v6 =	vmul.f32 $1.442695020e+00, v6;
	v12 =	vld [tilespmem:s13+$0xFFFFFF90];
	v14 =	vmul.f32 $1.442695020e+00, v14  }
0x9b: {  	s22 =	simm.s32 $0xBE60;
	v19 =	vld [tilespmem:s13+$0xFFFFFFE0];
	(erf) = vpow2.f32 v4;
	v4 =	vperm.xlane v21, v1  }
0x9c: {  	v21 =	vld [tilespmem:s22+$0xFFFFFFF0];
	(erf) = vpow2.f32 v6;
	v6 =	vperm.xlane v16, v1  }
0x9d: {  	v16 =	vld [tilespmem:s17+$0xFFFFFFC0];
	v7 =	vmul.f32 v7, v18;
	(erf) = vpow2.f32 v14  }
0x9e: {  	[tilespmem:s15+$0x50] =	vst v8;
	v14 =	vld [tilespmem:s22+$0x10]  }
0x9f: {  	s21 =	simm.s32 $0xDE20;
	v8 =	vmul.f32 v17, v4;
	v17 =	vld [tilespmem:s22+$0xFFFFFFE0];
	[tilespmem:s16+$0x40] =	vst v7;
	v22 =	vpop (erf)  }
0xa0: {  	v7 =	vld [tilespmem:s13+$0x70];
	[tilespmem:s21+$0x10] =	vst v22  }
0xa1: {  	v11 =	vmul.f32 v11, v2;
	v12 =	vmul.f32 v12, v6;
	v13 =	vld [tilespmem:s14+$0x50]  }
0xa2: {  	[tilespmem:s16+$0x0] =	vst v8;
	v8 =	vperm.xlane v22, v1;
	v22 =	vmul.f32 v10, v15;
	v15 =	vld [tilespmem:s17+$0xFFFFFF80]  }
0xa3: {  	v23 =	vld [tilespmem:s22+$0x0];
	[tilespmem:s15+$0x10] =	vst v11;
	v14 =	vadd.f32 v14, v20  }
0xa4: {  	[tilespmem:s16+$0xFFFFFFA0] =	vst v12;
	v12 =	vld [tilespmem:s17+$0x0];
	v20 =	vmul.f32 v9, v3;
	v9 =	vpop (erf)  }
0xa5: {  	v10 =	vmul.f32 $2.000000030e-01, v14;
	[tilespmem:s21+$0xFFFFFFF0] =	vst v9;
	v24 =	vpop (erf)  }
0xa6: {  	[tilespmem:s15+$0xFFFFFFB0] =	vst v20;
	v18 =	vmul.f32 v7, v18;
	v25 =	vld [tilespmem:s14+$0xFFFFFFD0];
	v7 =	vmul.f32 v13, v8;
	v13 =	vadd.f32 v21, v16;
	v16 =	vpop (erf)  }
0xa7: {  	s20 =	simm.s32 $0xC760;
	v19 =	vmul.f32 v19, v5;
	v11 =	vadd.f32 v17, v15;
	v15 =	vld [tilespmem:s13+$0xFFFFFFA0];
	v10 =	vmax.f32 v14, v10;
	[tilespmem:s21+$0xFFFFFFE0] =	vst v16  }
0xa8: {  	v9 =	vperm.xlane v9, v1;
	v14 =	vmul.f32 $1.442695020e+00, v10;
	[tilespmem:s20+$0x30] =	vst v7;
	v26 =	vld [tilespmem:s14+$0xFFFFFF90]  }
0xa9: {  	[tilespmem:s21+$0x0] =	vst v24;
	v23 =	vadd.f32 v23, v12;
	v10 =	vperm.xlane v16, v1;
	v20 =	vmul.f32 $2.000000030e-01, v13;
	v63 =	vld [tilespmem:s14+$0x60]  }
0xaa: {  	[tilespmem:s16+$0xFFFFFFE0] =	vst v19;
	v21 =	vld [tilespmem:s14+$0x10];
	v19 =	vmul.f32 $2.000000030e-01, v11;
	(erf) = vpow2.f32 v14  }
0xab: {  	[tilespmem:s15+$0xFFFFFFF0] =	vst v22;
	v14 =	vld [tilespmem:s13+$0x20];
	v12 =	vmax.f32 v13, v20;
	v13 =	vmul.f32 $2.000000030e-01, v23;
	v16 =	vmul.f32 v25, v9  }
0xac: {  	[tilespmem:s16+$0x50] =	vst v18;
	v7 =	vperm.xlane v24, v1;
	v11 =	vmax.f32 v11, v19;
	v22 =	vmul.f32 $1.442695020e+00, v12;
	v12 =	vld [tilespmem:s18+$0xFFFFFFB0]  }
0xad: {  	v18 =	vmul.f32 $1.442695020e+00, v11;
	v20 =	vmax.f32 v23, v13;
	v13 =	vld [tilespmem:s13+$0xFFFFFFF0];
	v23 =	vmul.f32 v26, v10;
	[tilespmem:s20+$0xFFFFFFD0] =	vst v16  }
0xae: {  	v19 =	vmul.f32 $1.442695020e+00, v20;
	v16 =	vld [tilespmem:s14+$0xFFFFFFE0];
	v20 =	vmul.f32 v63, v8  }
0xaf: {  	s10 =	simm.s32 $0xA200;
	s9 =	simm.s32 $0xC;
	v11 =	vld [tilespmem:s18+$0x30];
	s18 =	simm.s32 $0xC760;
	v17 =	vmul.f32 v21, v7;
	(erf) = vpow2.f32 v22;
	[tilespmem:s20+$0xFFFFFFA0] =	vst v23  }
.LBB2_5:
0xb0: {  	v21 =	vld [tilespmem:s10+$0x40];
	(erf) = vpow2.f32 v19;
	[tilespmem:s20+$0x40] =	vst v20;
	v15 =	vmul.f32 v15, v6;
	s11 =	smov.u32 s17;
	s17 =	smov.u32 s10  }
0xb1: {  	s22 =	sadd.s32 $0x40, s22;
	v14 =	vmul.f32 v14, v4;
	(erf) = vpow2.f32 v18;
	[tilespmem:s20+$0x0] =	vst v17;
	v17 =	vld [tilespmem:s14+$0x70]  }
0xb2: {  	s9 =	sadd.s32 $0x4, s9;
	v12 =	vmul.f32 v12, v3;
	v3 =	vmovc v6;
	v18 =	vld [tilespmem:s22+$0x10];
	[tilespmem:s16+$0xFFFFFFB0] =	vst v15;
	v13 =	vmul.f32 v13, v5;
	v5 =	vmov v9  }
0xb3: {  	s21 =	sadd.s32 $0x40, s21;
	p0 =	slt.u32 s9, $0x7C;
	v6 =	vmov v10;
	v15 =	vld [tilespmem:s22+$0xFFFFFFE0];
	v9 =	vpop (erf);
	v16 =	vmul.f32 v16, v5;
	[tilespmem:s16+$0x10] =	vst v14  }
0xb4: {  	v10 =	vld [tilespmem:s10+$0xFFFFFFC0];
	[tilespmem:s21+$0x10] =	vst v9;
	v11 =	vmul.f32 v11, v2;
	v2 =	vmov v4;
	v4 =	vmov v7  }
0xb5: {  	v14 =	vld [tilespmem:s11+$0x50];
	[tilespmem:s20+$0xFFFFFFE0] =	vst v16  }
0xb6: {  	v16 =	vld [tilespmem:s22+$0xFFFFFFF0];
	v20 =	vmul.f32 v17, v8;
	[tilespmem:s15+$0xFFFFFFC0] =	vst v12  }
0xb7: {  	v12 =	vld [tilespmem:s10+$0x0];
	v17 =	vadd.f32 v18, v21;
	[tilespmem:s16+$0xFFFFFFF0] =	vst v13  }
0xb8: {  	v8 =	vperm.xlane v9, v1;
	v13 =	vld [tilespmem:s22+$0x0];
	v9 =	vpop (erf);
	[tilespmem:s20+$0x50] =	vst v20  }
0xb9: {  	v18 =	vld [tilespmem:s10+$0xFFFFFF80];
	v19 =	vmul.f32 $2.000000030e-01, v17;
	[tilespmem:s21+$0xFFFFFFF0] =	vst v9;
	v9 =	vperm.xlane v9, v1;
	v7 =	vpop (erf)  }
0xba: {  	v20 =	vld [tilespmem:s11+$0xFFFFFFD0];
	[tilespmem:s21+$0x0] =	vst v7;
	v7 =	vperm.xlane v7, v1;
	v14 =	vmul.f32 v14, v8;
	v21 =	vpop (erf)  }
0xbb: {  	s20 =	sadd.s32 $0xC0, s20;
	v16 =	vadd.f32 v16, v10;
	v17 =	vmax.f32 v17, v19;
	[tilespmem:s21+$0xFFFFFFE0] =	vst v21;
	v10 =	vperm.xlane v21, v1;
	v19 =	vld [tilespmem:s11+$0x10]  }
0xbc: {  	v17 =	vmul.f32 $1.442695020e+00, v17;
	v21 =	vld [tilespmem:s11+$0xFFFFFF90];
	[tilespmem:s20+$0x30] =	vst v14  }
0xbd: {  	v14 =	vmul.f32 $2.000000030e-01, v16;
	v13 =	vadd.f32 v13, v12;
	v22 =	vld [tilespmem:s11+$0x60];
	[tilespmem:s15+$0x20] =	vst v11;
	s15 =	smov.u32 s16;
	s16 =	smov.u32 s18;
	s18 =	smov.u32 s20  }
0xbe: {  	v11 =	vadd.f32 v15, v18;
	(erf) = vpow2.f32 v17;
	v15 =	vld [tilespmem:s14+$0xFFFFFFA0]  }
.Ltmp1:
0xbf: {  	v12 =	vmax.f32 v16, v14;
	v16 =	vmul.f32 $2.000000030e-01, v13;
	v17 =	vmul.f32 v20, v9;
	v14 =	vld [tilespmem:s14+$0x20];
	(pc) =	sbr.rel @p0 .LBB2_5-.Ltmp1, $4  }
0xc0: {  	v18 =	vmul.f32 $2.000000030e-01, v11;
	v23 =	vmul.f32 $1.442695020e+00, v12;
	v12 =	vld [tilespmem:s13+$0xFFFFFFB0]  }
0xc1: {  	v16 =	vmax.f32 v13, v16;
	v21 =	vmul.f32 v21, v10;
	[tilespmem:s20+$0xFFFFFFD0] =	vst v17;
	v17 =	vmul.f32 v19, v7;
	v13 =	vld [tilespmem:s14+$0xFFFFFFF0]  }
0xc2: {  	v11 =	vmax.f32 v11, v18;
	v19 =	vmul.f32 $1.442695020e+00, v16;
	v16 =	vld [tilespmem:s11+$0xFFFFFFE0];
	v20 =	vmul.f32 v22, v8  }
0xc3: {  	s10 =	sadd.s32 $0x100, s10;
	v18 =	vmul.f32 $1.442695020e+00, v11;
	(erf) = vpow2.f32 v23;
	[tilespmem:s20+$0xFFFFFFA0] =	vst v21;
	v11 =	vld [tilespmem:s13+$0x30];
	s13 =	smov.u32 s14;
	s14 =	smov.u32 s11  }
0xc4: {  	(erf) = vpow2.f32 v19  }
0xc5: {  	(erf) = vpow2.f32 v18;
	_ =	sdelay $0x3  }
0xc6: {  	[tilespmem:s20+$0x40] =	vst v20;
	v15 =	vmul.f32 v15, v6  }
0xc7: {  	[tilespmem:s20+$0x0] =	vst v17  }
0xc8: {  	s9 =	sadd.s32 $0x40, s21;
	v14 =	vmul.f32 v14, v4;
	[tilespmem:s16+$0xFFFFFFB0] =	vst v15;
	v31 =	vpop (erf)  }
0xc9: {  	[tilespmem:s9+$0x10] =	vst v31;
	v33 =	vpop (erf)  }
0xca: {  	[tilespmem:s16+$0x10] =	vst v14;
	v32 =	vld [tilespmem:s17+$0x50];
	v19 =	vpop (erf)  }
0xcb: {  	[tilespmem:s9+$0xFFFFFFF0] =	vst v33;
	v36 =	vpop (erf)  }
0xcc: {  	v3 =	vmul.f32 v12, v3;
	v35 =	vld [tilespmem:s17+$0xFFFFFFD0];
	[tilespmem:s9+$0xFFFFFFE0] =	vst v36  }
0xcd: {  	v5 =	vmul.f32 v13, v5;
	v34 =	vperm.xlane v31, v1;
	[tilespmem:s9+$0x0] =	vst v19;
	v22 =	vld [tilespmem:s17+$0xFFFFFF90]  }
0xce: {  	v16 =	vmul.f32 v16, v9;
	[tilespmem:s15+$0xFFFFFFC0] =	vst v3;
	v38 =	vld [tilespmem:s17+$0x10]  }
0xcf: {  	v21 =	vld [tilespmem:s14+$0x70];
	[tilespmem:s16+$0xFFFFFFF0] =	vst v5;
	v37 =	vperm.xlane v33, v1;
	v17 =	vmul.f32 v32, v34  }
0xd0: {  	s22 =	sadd.s32 $0xC0, s20;
	v42 =	vld [tilespmem:s14+$0xFFFFFFA0];
	v2 =	vmul.f32 v11, v2;
	[tilespmem:s20+$0xFFFFFFE0] =	vst v16;
	v3 =	vperm.xlane v36, v1  }
0xd1: {  	v43 =	vld [tilespmem:s14+$0x20];
	v41 =	vperm.xlane v19, v1;
	[tilespmem:s22+$0x30] =	vst v17;
	v40 =	vmul.f32 v35, v37  }
0xd2: {  	[tilespmem:s15+$0x20] =	vst v2;
	v39 =	vld [tilespmem:s17+$0x60];
	v44 =	vmul.f32 v22, v3  }
0xd3: {  	v47 =	vld [tilespmem:s13+$0xFFFFFFB0];
	v45 =	vmul.f32 v38, v41;
	[tilespmem:s22+$0xFFFFFFD0] =	vst v40  }
0xd4: {  	v8 =	vmul.f32 v21, v8;
	v46 =	vld [tilespmem:s17+$0xFFFFFFE0];
	[tilespmem:s22+$0xFFFFFFA0] =	vst v44  }
0xd5: {  	v2 =	vmul.f32 v42, v10;
	[tilespmem:s22+$0x0] =	vst v45;
	v48 =	vld [tilespmem:s17+$0xFFFFFFA0]  }
0xd6: {  	v51 =	vmul.f32 v43, v7;
	[tilespmem:s20+$0x50] =	vst v8;
	v49 =	vld [tilespmem:s17+$0x20]  }
0xd7: {  	v53 =	vld [tilespmem:s13+$0x30];
	[tilespmem:s18+$0xFFFFFFB0] =	vst v2;
	v13 =	vmul.f32 v39, v34  }
0xd8: {  	v50 =	vld [tilespmem:s14+$0xFFFFFFF0];
	v54 =	vmul.f32 v47, v6;
	[tilespmem:s18+$0x10] =	vst v51  }
0xd9: {  	[tilespmem:s22+$0x40] =	vst v13;
	v13 =	vld [tilespmem:s14+$0x30];
	v2 =	vmul.f32 v46, v37  }
0xda: {  	[tilespmem:s16+$0xFFFFFFC0] =	vst v54;
	v52 =	vld [tilespmem:s17+$0x70];
	v8 =	vmul.f32 v48, v3  }
0xdb: {  	v56 =	vmul.f32 v49, v41;
	[tilespmem:s22+$0xFFFFFFE0] =	vst v2;
	v2 =	vld [tilespmem:s14+$0xFFFFFFB0]  }
0xdc: {  	v60 =	vmul.f32 v53, v4;
	v55 =	vld [tilespmem:s17+$0xFFFFFFF0];
	[tilespmem:s22+$0xFFFFFFB0] =	vst v8  }
0xdd: {  	v57 =	vmul.f32 v50, v9;
	[tilespmem:s22+$0x10] =	vst v56;
	v59 =	vld [tilespmem:s17+$0xFFFFFFB0]  }
0xde: {  	[tilespmem:s16+$0x20] =	vst v60;
	v63 =	vmul.f32 v13, v7;
	v61 =	vld [tilespmem:s17+$0x30]  }
0xdf: {  	[tilespmem:s18+$0xFFFFFFF0] =	vst v57;
	v58 =	vmul.f32 v52, v34  }
0xe0: {  	[tilespmem:s18+$0x20] =	vst v63;
	v2 =	vmul.f32 v2, v10  }
0xe1: {  	[tilespmem:s22+$0x50] =	vst v58;
	v62 =	vmul.f32 v55, v37  }
0xe2: {  	[tilespmem:s18+$0xFFFFFFC0] =	vst v2;
	v2 =	vmul.f32 v59, v3  }
0xe3: {  	[tilespmem:s22+$0xFFFFFFF0] =	vst v62;
	v3 =	vmul.f32 v61, v41  }
0xe4: {  	[tilespmem:s22+$0xFFFFFFC0] =	vst v2  }
0xe5: {  	[tilespmem:s22+$0x20] =	vst v3  }
0xe6: {  	[spmem:s3] =	stream.indirect.scatter.add.f32 [tilespmem:s23], [sflag:$0x3], $0x30, s28, s29, $0xb8;
	[tilespmem:$0xE580] =	vst v63  }
0xe7: {  	s12 =	sadd.s32 $0x1, s12;
	_ =	swait.ge [sflag:s24], $0x1800  }
0xe8: {  	p0 =	sne.s32 s12, $0x51;
	[sflag:s24] =	ssyncset.done $0x0  }
.Ltmp2:
0xe9: {  	[sflag:s24] =	ssyncadd.s32 $0xFFFFE800;
	(pc) =	sbr.rel @p0 .LBB2_4-.Ltmp2, $4  }
0xea: {  	[spmem:s4] =	stream.indirect.scatter.add.f32 [tilespmem:s25], [sflag:$0x3], $0x10, s28, s29, $0xb8;
	[tilespmem:$0xE580] =	vst v63  }
0xeb: {  	_ =	swait.ge [sflag:s24], $0x800  }
0xec: {  	[sflag:s24] =	ssyncset.done $0x0  }
0xed: {  	[sflag:s24] =	ssyncadd.s32 $0xFFFFF800  }
0xee: {  	s9 =	stileid.u32;
	[bflag:$0x0] =	sbarrier.arrive $0xFFFF  }
0xef: {  	s9 =	sshll.u32 s9, $0x6;
	s18 =	rddreg [dreg:$0x5]  }
0xf0: {  	s11 =	rddreg [dreg:$0xf];
	s9 =	sor.u32 $0x1C03, s9;
	s10 =	sshrl.u32 s18, $0x3  }
0xf1: {  	[hbm:s11], [sflag:s9] =	dma.local [spmem:s10], $0xEAC  }
0xf2: {  	_ =	swait.ge [sflag:s24], $0xEAC  }
0xf3: {  	[sflag:s24] =	ssyncset.done $0x0;
	s20 =	rddreg [dreg:$0x6]  }
0xf4: {  	s17 =	rddreg [dreg:$0x10];
	[sflag:s24] =	ssyncadd.s32 $0xFFFFF154;
	s16 =	sshrl.u32 s20, $0x3  }
0xf5: {  	[hbm:s17], [sflag:s9] =	dma.local [spmem:s16], $0x4E4  }
0xf6: {  	_ =	swait.ge [sflag:s24], $0x4E4  }
0xf7: {  	s21 =	rddreg [dreg:$0x12]  }
0xf8: {  	s22 =	rddreg [dreg:$0x11];
	s10 =	sadd.s32 $0x1, s21  }
0xf9: {  	p0 =	sne.s32 s10, s22  }
.Ltmp3:
0xfa: {  	_ = 	snop;
	(pc) =	sbr.rel @p0 .LBB2_1-.Ltmp3, $3  }
0xfb: {  	_ =	sdelay $0x1  }
0xfc: {  	[sflag:s24] =	ssyncset.done $0x0  }
0xfd: {  	[sflag:s24] =	ssyncadd.s32 $0xFFFFFB1C  }
0xfe: {  	_ =	sfence.sel $0x180000  }
0xff: {  	[bflag:$0x0] =	sbarrier.arrive $0xFFFF  }
0x100: {  	_ =	strace $0x9000004A  }
0x101: {  	s0 =	stileid.u32;
	[bflag:$0x2] =	sbarrier.arrive $0xFFFF  }
0x102: {  	p0 =	sne.s32 s0, $0x0;
	s0 =	rddreg [dreg:$0x4]  }
0x103: {  	s0 =	sadd.s32 @!p0 $0x100000, s0  }
0x104: {  	[sflag:s0] =	ssyncadd.tile.s32 @!p0 $0x1;
	_ =	shalt  }
.Lfunc_end2:
_tile_overlayer_lowered:
.L_overlay_start_2:
0x105: {  	(tag) =	ssettag $0x2  }
0x106: {  	s0 =	rddreg [dreg:$0x0];
	s2 =	stileid.u32  }
0x107: {  	s1 =	rddreg [dreg:$0x1];
	p0 =	sne.s32 s2, $0x0  }
0x108: {  	s3 =	rddreg [dreg:$0x2];
	[bflag:$0x3] =	sbarrier.arrive $0xFFFF;
	s2 =	simm.s32 @!p0 $0x1C03  }
0x109: {  	[timem:s3], [sflag:s2] =	dma.local @!p0 [hbm:s0], s1  }
0x10a: {  	s0 =	simm.s32 @!p0 $0x3  }
0x10b: {  	_ =	swait.ge @!p0 [sflag:s0], s1  }
0x10c: {  	s1 =	ssub.s32 @!p0 $0x0, s1;
	[sflag:s0] =	ssyncset.done @!p0 $0x0  }
0x10d: {  	[sflag:s0] =	ssyncadd.s32 @!p0 s1  }
0x10e: {  	[bflag:$0x3] =	sbarrier.arrive $0xFFFF  }
0x10f: {  	_ =	shalt  }

// kernel: kernel.7.cloned.1.call-start
scs
__scs_entry_jumppad:
0x0: {  	(pc) =	sbr.rel $0x88, $3  }
0x1: {  	(tag) =	ssettag $0x0;
	lr =	simm.s32 $0x1  }
0x2: {  	[smem:$0x3F97] =	sst lr;
	_ =	strace $0xD0000000  }
0x3: {  	_ = 	snop  }
0x4: {  	_ = 	snop  }
0x5: {  	_ = 	snop  }
0x6: {  	_ = 	snop  }
0x7: {  	_ = 	snop  }
__scs_overlays_trampoline_lowered:
0x8: {  	[smem:$0x3FA6] =	sst s0  }
0x9: {  	[smem:$0x3FA7] =	sst s1  }
0xa: {  	[smem:$0x3FA8] =	sst s2  }
0xb: {  	[smem:$0x3FA9] =	sst s3  }
0xc: {  	[smem:$0x3FAA] =	sst s4  }
0xd: {  	[smem:$0x3FAB] =	sst s5  }
0xe: {  	[smem:$0x3FAC] =	sst s6  }
0xf: {  	[smem:$0x3FAD] =	sst s7  }
0x10: {  	[smem:$0x3FAE] =	sst s8  }
0x11: {  	[smem:$0x3FAF] =	sst s9;
	s0 =	simm.s32 @!p0 $0x0  }
0x12: {  	s1 =	sld [smem:$0x3F95];
	s0 =	simm.s32 @p0 $0x1  }
0x13: {  	[smem:$0x3FB0] =	sst s0;
	s0 =	simm.s32 @!p1 $0x0  }
0x14: {  	s2 =	sld [smem:$0x3F94];
	s0 =	simm.s32 @p1 $0x1  }
0x15: {  	[smem:$0x3FB1] =	sst s0;
	s0 =	simm.s32 @!p2 $0x0  }
0x16: {  	s3 =	sld [smem:$0x3FDB];
	s0 =	simm.s32 @p2 $0x1  }
0x17: {  	s4 =	simm.s32 $0x1BF5;
	[smem:$0x3FB3] =	sst s0  }
0x18: {  	s0 =	sld [smem:$0x3F96];
	_ =	swait.ge [sflag:s4], $0x0  }
0x19: {  	s7 =	sld [smem:$0x3F97]  }
0x1a: {  	s8 =	sadd.s32 $0xFFFFE003, lr  }
0x1b: {  	s9 =	sadd.s32 $0xFFFFFEF7, lr;
	s5 =	simm.s32 $0xFFFFFFFF;
	p2 =	slt.u32 s8, $0xFFFFF086  }
0x1c: {  	p1 =	slt.u32 s9, $0xF7A;
	s5 =	simm.s32 @!p2 $0x0  }
0x1d: {  	s5 =	simm.s32 @p1 $0x1;
	p0 =	seq.s32 s7, s2  }
0x1e: {  	s7 =	smul.u32 @!p0 $0xF7A, s2;
	p2 =	seq.s32 @!p0 s5, $0x0  }
0x1f: {  	s9 =	smul.u32 $0xF7A, s1;
	s8 =	simm.s32 @!p0 $0x1BF5;
	p2 =	por !p2, p0  }
0x20: {  	[sflag:s8] =	ssyncset.s32 @!p0 $0xFFFFF086;
	s6 =	sadd.s32 @!p0 s3, s7;
	s7 =	simm.s32 @!p0 $0x108  }
0x21: {  	s3 =	sadd.s32 s3, s9;
	s6 =	sadd.s32 @!p0 $0x88, s6;
	s7 =	simm.s32 @p2 $0x1082  }
0x22: {  	[simem:s7], [sflag:s8] =	dma.local @!p0 [hbm:s6], $0xF7A  }
0x23: {  	s9 =	sor.u32 $0xD0000000, s2;
	s6 =	simm.s32 $0x108;
	_ =	swait.ge @!p0 [sflag:s8], $0x0  }
0x24: {  	s3 =	sadd.s32 $0x88, s3;
	s6 =	simm.s32 @!p1 $0x1082;
	[sflag:s4] =	ssyncset.s32 $0xFFFFF086  }
0x25: {  	[simem:s6], [sflag:s4] =	dma.local [hbm:s3], $0xF7A  }
0x26: {  	[smem:$0x3F97] =	sst s1;
	(tag) =	ssettag s2;
	_ =	strace s9  }
0x27: {  	s1 =	sld [smem:$0x3FA7]  }
0x28: {  	s2 =	sld [smem:$0x3FA8]  }
0x29: {  	s4 =	sld [smem:$0x3FAA]  }
0x2a: {  	p0 =	seq.s32 s5, $0x0;
	s5 =	sld [smem:$0x3FAB]  }
0x2b: {  	s6 =	sld [smem:$0x3FAC]  }
0x2c: {  	s7 =	sld [smem:$0x3FAD]  }
0x2d: {  	s3 =	simm.s32 $0x108;
	s8 =	sld [smem:$0x3FAE]  }
0x2e: {  	s3 =	simm.s32 @!p0 $0x1082;
	s9 =	sld [smem:$0x3FAF]  }
0x2f: {  	lr =	sadd.s32 s0, s3;
	s0 =	sld [smem:$0x3FA6]  }
0x30: {  	s3 =	sld [smem:$0x3FA9]  }
0x31: {  	[smem:$0x3FB2] =	sst s10  }
0x32: {  	s10 =	sld [smem:$0x3FB0];
	_ =	sdelay $0x3  }
0x33: {  	p0 =	seq.s32 s10, $0x1;
	s10 =	sld [smem:$0x3FB2];
	_ =	sdelay $0x3  }
0x34: {  	[smem:$0x3FB2] =	sst s10  }
0x35: {  	s10 =	sld [smem:$0x3FB1];
	_ =	sdelay $0x3  }
0x36: {  	p1 =	seq.s32 s10, $0x1;
	s10 =	sld [smem:$0x3FB2];
	_ =	sdelay $0x3  }
0x37: {  	[smem:$0x3FB2] =	sst s10  }
0x38: {  	s10 =	sld [smem:$0x3FB3]  }
0x39: {  	_ = 	snop;
	(pc) =	sbr.ind lr, $3  }
0x3a: {  	_ = 	snop  }
0x3b: {  	_ = 	snop  }
0x3c: {  	p2 =	seq.s32 s10, $0x1;
	s10 =	sld [smem:$0x3FB2]  }
0x3d: {  	_ =	shalt  }
0x3e: {  	_ =	shalt  }
0x3f: {  	_ =	shalt  }
0x40: {  	_ =	shalt  }
0x41: {  	_ =	shalt  }
0x42: {  	_ =	shalt  }
0x43: {  	_ =	shalt  }
0x44: {  	_ =	shalt  }
0x45: {  	_ =	shalt  }
0x46: {  	_ =	shalt  }
0x47: {  	_ =	shalt  }
0x48: {  	_ =	shalt  }
0x49: {  	_ =	shalt  }
0x4a: {  	_ =	shalt  }
0x4b: {  	_ =	shalt  }
0x4c: {  	_ =	shalt  }
0x4d: {  	_ =	shalt  }
0x4e: {  	_ =	shalt  }
0x4f: {  	_ =	shalt  }
0x50: {  	_ =	shalt  }
0x51: {  	_ =	shalt  }
0x52: {  	_ =	shalt  }
0x53: {  	_ =	shalt  }
0x54: {  	_ =	shalt  }
0x55: {  	_ =	shalt  }
0x56: {  	_ =	shalt  }
0x57: {  	_ =	shalt  }
0x58: {  	_ =	shalt  }
0x59: {  	_ =	shalt  }
0x5a: {  	_ =	shalt  }
0x5b: {  	_ =	shalt  }
0x5c: {  	_ =	shalt  }
0x5d: {  	_ =	shalt  }
0x5e: {  	_ =	shalt  }
0x5f: {  	_ =	shalt  }
0x60: {  	_ =	shalt  }
0x61: {  	_ =	shalt  }
0x62: {  	_ =	shalt  }
0x63: {  	_ =	shalt  }
0x64: {  	_ =	shalt  }
0x65: {  	_ =	shalt  }
0x66: {  	_ =	shalt  }
0x67: {  	_ =	shalt  }
0x68: {  	_ =	shalt  }
0x69: {  	_ =	shalt  }
0x6a: {  	_ =	shalt  }
0x6b: {  	_ =	shalt  }
0x6c: {  	_ =	shalt  }
0x6d: {  	_ =	shalt  }
0x6e: {  	_ =	shalt  }
0x6f: {  	_ =	shalt  }
0x70: {  	_ =	shalt  }
0x71: {  	_ =	shalt  }
0x72: {  	_ =	shalt  }
0x73: {  	_ =	shalt  }
0x74: {  	_ =	shalt  }
0x75: {  	_ =	shalt  }
0x76: {  	_ =	shalt  }
0x77: {  	_ =	shalt  }
0x78: {  	_ =	shalt  }
0x79: {  	_ =	shalt  }
0x7a: {  	_ =	shalt  }
0x7b: {  	_ =	shalt  }
0x7c: {  	_ =	shalt  }
0x7d: {  	_ =	shalt  }
0x7e: {  	_ =	shalt  }
0x7f: {  	_ =	shalt  }
0x80: {  	_ =	shalt  }
0x81: {  	_ =	shalt  }
0x82: {  	_ =	shalt  }
0x83: {  	_ =	shalt  }
0x84: {  	_ =	shalt  }
0x85: {  	_ =	shalt  }
0x86: {  	_ =	shalt  }
0x87: {  	_ =	shalt  }
.Lfunc_end0:
.L_simem_size_0:
called_computation_lowered:
.L_overlay_start_0:
0x88: {  	s2 =	sld [smem:$0x3FD9]  }
0x89: {  	s3 =	sld [smem:$0x3FFE];
	_ =	sdelay $0x1  }
0x8a: {  	s1 =	srdreg.scid  }
0x8b: {  	s0 =	sand.u32 $0x1, s1  }
0x8c: {  	s17 =	sshll.u32 s0, $0xA;
	s2 =	sadd.s32 s3, s2  }
0x8d: {  	s2 =	sadd.s32 s2, s17  }
0x8e: {  	[smem:$0x3FBE] =	sst s2  }
0x8f: {  	_ = 	snop  }
0x90: {  	s2 =	sld [smem:$0x3FD0];
	(tm) =	ssettm $0x1  }
0x91: {  	s18 =	sld [smem:$0x3FFB];
	_ =	sdelay $0x3  }
0x92: {  	_ =	strace s18  }
0x93: {  	s3 =	sld [smem:$0x3FFC];
	_ =	sdelay $0x3  }
0x94: {  	_ =	strace s3  }
0x95: {  	s3 =	sld [smem:$0x3FFD];
	_ =	sdelay $0x3  }
0x96: {  	_ =	strace s3  }
0x97: {  	_ =	strace $0x8FFFFFFF  }
0x98: {  	s19 =	sld [smem:$0x3FDB];
	_ =	sdelay $0x1  }
0x99: {  	s4 =	simm.s32 $_scs_section_size  }
0x9a: {  	s5 =	simm.s32 $_size__tile_overlayer_lowered;
	s6 =	simm.s32 $_tile_overlayer_lowered  }
0x9b: {  	s22 =	simm.s32 $0x1BFF;
	s21 =	sshll.u32 s6, $0x1;
	s3 =	sadd.s32 s4, s19  }
0x9c: {  	s7 =	simm.s32 $0x0;
	s20 =	sshll.u32 s5, $0x1;
	s5 =	sadd.s32 s21, s3  }
0x9d: {  	[timem:s7], [sflag:s22] =	dma.local [hbm:s5], s20  }
0x9e: {  	_ =	swait.ge [sflag:s22], s20  }
0x9f: {  	s4 =	ssub.s32 $0x0, s20;
	[sflag:s22] =	ssyncset.done $0x0  }
0xa0: {  	[sflag:s22] =	ssyncadd.s32 s4;
	_ =	sdelay $0x1  }
0xa1: {  	s23 =	simm.s32 $0x1B8B  }
0xa2: {  	_ =	swait.ge [sflag:s23], $0x1  }
0xa3: {  	[sflag:s23] =	ssyncset.done $0x0  }
0xa4: {  	s25 =	simm.s32 $0x1B8E;
	s24 =	sld [smem:$0x3FFE];
	[sflag:s23] =	ssyncadd.s32 $0xFFFFFFFF  }
0xa5: {  	s26 =	simm.s32 $execute0_lowered;
	[smem:$0x3FD2] =	sst s25  }
0xa6: {  	s5 =	sshll.u32 s26, $0x1;
	_ =	strace $0x80000046;
	[dreg:$0x1] =	wrdreg $0xFFFFFFFF  }
0xa7: {  	s28 =	simm.s32 $_size_execute0_lowered;
	s3 =	sadd.s32 s3, s5;
	[dreg:$0x0] =	wrdreg $0x0  }
0xa8: {  	s5 =	sshll.u32 s28, $0x1;
	[dreg:$0x2] =	wrdreg s3  }
0xa9: {  	[dreg:$0x3] =	wrdreg s5  }
0xaa: {  	[dreg:$0x4] =	wrdreg $0xC0  }
0xab: {  	_ =	task [dreg:s7], $0x5FFFF  }
0xac: {  	[dreg:$0x1] =	wrdreg $0xFFFFFFFF  }
0xad: {  	[dreg:$0x0] =	wrdreg $0x60  }
0xae: {  	[dreg:$0x2] =	wrdreg s24  }
0xaf: {  	[dreg:$0x3] =	wrdreg s2  }
0xb0: {  	[dreg:$0x4] =	wrdreg $0x0  }
0xb1: {  	[dreg:$0x5] =	wrdreg $0x139000  }
0xb2: {  	[dreg:$0x6] =	wrdreg $0x9  }
0xb3: {  	_ =	task.clear_ibuf [dreg:s7], $0x7FFFF;
	_ =	strace $0x90000046  }
0xb4: {  	s29 =	simm.s32 $0x9;
	_ =	strace $0x80000048  }
0xb5: {  	_ =	swait.ge [sflag:s29], $0x1  }
0xb6: {  	[sflag:s29] =	ssyncadd.s32 $0xFFFFFFFF  }
0xb7: {  	_ =	strace $0x90000048  }
0xb8: {  	_ =	sfence  }
0xb9: {  	s30 =	sld [smem:$0x0];
	_ =	sdelay $0x2  }
0xba: {  	s31 =	sshll.u32 s1, $0xD;
	s1 =	sshrl.u32 s1, $0x2  }
0xbb: {  	s3 =	sand.u32 $0x4000, s31;
	s1 =	sadd.s32 s1, s30  }
0xbc: {  	s0 =	sor.u32 s3, s0;
	s1 =	sshll.u32 s1, $0x11  }
0xbd: {  	s0 =	sor.u32 s1, s0  }
0xbe: {  	s0 =	sadd.s32 $0x8F2B, s0  }
0xbf: {  	[sflag:s0] =	ssyncadd.remote.s32 $0x1  }
0xc0: {  	_ =	sfence.sel $0xFFFF  }
0xc1: {  	[dreg:$0x0] =	wrdreg $0xFFFFFFFF;
	(pc) =	sbr.abs _section_cstart, $3  }
0xc2: {  	[dreg:$0x1] =	wrdreg $0xFFFFFFFF  }
0xc3: {  	_ =	task.clear_ibuf [dreg:s7], $0x2FFFF;
	_ =	strace $0x9FFFFFFF  }
0xc4: {  	(tm) =	ssettm $0x7FFFFFFF  }
0xc5: {  	_ =	shalt  }
tec
execute0_lowered:
.L_overlay_start_1:
0x0: {  	(tag) =	ssettag $0x1  }
0x1: {  	s0 =	rddreg [dreg:$0x0]  }
0x2: {  	s3 =	rddreg [dreg:$0x2]  }
0x3: {  	s1 =	srdreg.scid;
	s14 =	stileid.u32  }
0x4: {  	s4 =	rddreg [dreg:$0x3];
	s15 =	simm.s32 $0x0;
	s28 =	simm.s32 $0x160A0  }
0x5: {  	s29 =	simm.s32 $0x80;
	s30 =	simm.s32 $0x16120;
	s2 =	smul.u32 $0x13900, s14  }
0x6: {  	s31 =	simm.s32 $0x16220;
	s1 =	sand.u32 $0x1, s1;
	s9 =	smul.u32 $0x2720, s14  }
0x7: {  	[smem:$0x7FF] =	sst s15;
	s6 =	sadd.s32 $0xA2800, s0;
	s13 =	smul.u32 $0x272, s14  }
0x8: {  	s7 =	sadd.s32 $0x2800, s0;
	s8 =	sadd.s32 $0xC800, s0;
	s5 =	smul.u32 $0x140000, s1  }
0x9: {  	_ =	strace $0x80000047;
	s10 =	smul.u32 $0x28000, s1;
	s11 =	ssub.s32 $0x2, s1  }
0xa: {  	s1 =	smul.u32 $0x2800, s1;
	s12 =	sshrl.u32 s11, $0x1;
	s16 =	sadd.s32 s2, s3  }
0xb: {  	s17 =	sadd.s32 s9, s4;
	s20 =	sadd.s32 $0x180, s13;
	s23 =	sadd.s32 $0x200, s13  }
0xc: {  	s5 =	sadd.s32 s2, s5;
	s10 =	sadd.s32 s9, s10;
	s26 =	ssub.s32 s11, s12  }
0xd: {  	s9 =	sadd.s32 $0x80, s13;
	s12 =	sadd.s32 $0x100, s13;
	[dreg:$0x6] =	wrdreg s16  }
0xe: {  	s21 =	sshll.u32 s20, $0x7;
	s24 =	sshll.u32 s23, $0x7;
	[dreg:$0x7] =	wrdreg s17  }
0xf: {  	s13 =	simm.s32 $0x0;
	s5 =	sshrl.u32 s5, $0x3;
	s10 =	sshrl.u32 s10, $0x3  }
0x10: {  	s11 =	sshll.u32 s9, $0x7;
	s2 =	sshll.u32 s9, $0x4;
	s18 =	sshll.u32 s12, $0x7  }
0x11: {  	s19 =	sshll.u32 s12, $0x4;
	s26 =	smax.u32 s26, $0x1;
	s12 =	simm.s32 $0x2  }
0x12: {  	s5 =	sadd.s32 s5, s0;
	s9 =	sadd.s32 s11, s3;
	[dreg:$0x12] =	wrdreg s26  }
0x13: {  	s0 =	sadd.s32 s10, s0;
	s2 =	sadd.s32 s2, s4;
	[dreg:$0x8] =	wrdreg s9  }
0x14: {  	s26 =	simm.s32 $0x16020;
	[dreg:$0x9] =	wrdreg s2;
	s2 =	sadd.s32 s18, s3  }
0x15: {  	s11 =	simm.s32 $0x1;
	s25 =	sadd.s32 $0x20A00, s5;
	[dreg:$0xa] =	wrdreg s2  }
0x16: {  	s9 =	sshll.u32 s20, $0x4;
	s0 =	sadd.s32 $0x16A00, s0;
	[dreg:$0x10] =	wrdreg s25  }
0x17: {  	s2 =	sadd.s32 s19, s4;
	s22 =	sadd.s32 s9, s4;
	[dreg:$0x11] =	wrdreg s0  }
0x18: {  	s9 =	sadd.s32 s24, s3;
	s19 =	smul.u32 $0x5100, s14;
	[dreg:$0xb] =	wrdreg s2  }
0x19: {  	s24 =	simm.s32 $0x3;
	s2 =	sadd.s32 s21, s3;
	[dreg:$0xd] =	wrdreg s22  }
0x1a: {  	s25 =	simm.s32 $0x1F220;
	[dreg:$0xc] =	wrdreg s2;
	s2 =	sshll.u32 s23, $0x4  }
0x1b: {  	v2 =	vlaneseq.u32;
	s0 =	simm.s32 $0x1AA20;
	[dreg:$0xe] =	wrdreg s9;
	s2 =	sadd.s32 s2, s4  }
0x1c: {  	v1 =	vimm.f32 $0.0e+00;
	v2 =	vand.u32 $0x3, v2;
	v0 =	vmov s1;
	s23 =	simm.s32 $0x1B220;
	[dreg:$0xf] =	wrdreg s2;
	s2 =	simm.s32 $0x161A0  }
.LBB2_1:
0x1d: {  	s1 =	simm.s32 $0x1B260  }
0x1e: {  	[tilespmem:s1+$0xFFFFFFD0] =	vst v1  }
0x1f: {  	[tilespmem:s1+$0xFFFFFFE0] =	vst v1  }
0x20: {  	[tilespmem:s1+$0xFFFFFFF0] =	vst v1  }
0x21: {  	[tilespmem:s1+$0x0] =	vst v1  }
0x22: {  	[tilespmem:s1+$0x10] =	vst v1  }
0x23: {  	[tilespmem:s1+$0x20] =	vst v1  }
0x24: {  	[tilespmem:s1+$0x30] =	vst v1  }
0x25: {  	[dreg:$0x5] =	wrdreg s15;
	s9 =	simm.s32 $0x0;
	s5 =	simm.s32 $0x40;
	[tilespmem:s1+$0xFFFFFFC0] =	vst v1  }
.LBB2_2:
0x26: {  	p0 =	sne.s32 s5, $0x1FC0;
	[tilespmem:s9+$0x1F220] =	vst v1;
	s1 =	sadd.s32 $0x80, s1  }
0x27: {  	[tilespmem:s1+$0xFFFFFFD0] =	vst v1  }
0x28: {  	[tilespmem:s1+$0xFFFFFFE0] =	vst v1  }
0x29: {  	[tilespmem:s1+$0xFFFFFFF0] =	vst v1  }
.Ltmp0:
0x2a: {  	[tilespmem:s1+$0x0] =	vst v1;
	(pc) =	sbr.rel @p0 .LBB2_2-.Ltmp0, $4  }
0x2b: {  	[tilespmem:s1+$0x10] =	vst v1  }
0x2c: {  	[tilespmem:s1+$0x20] =	vst v1  }
0x2d: {  	[tilespmem:s1+$0x30] =	vst v1  }
0x2e: {  	s9 =	sshra.s32 s5, $0x2;
	s5 =	sadd.s32 $0x40, s5;
	[tilespmem:s1+$0xFFFFFFC0] =	vst v1  }
0x2f: {  	[tilespmem:s9+$0x1F220] =	vst v1  }
0x30: {  	[spmem:s16] =	stream.linear.scatter [tilespmem:s23], [sflag:$0x3], $0x4000, $0x38;
	[tilespmem:$0x1FA20] =	vst v63  }
0x31: {  	_ =	swait.ge [sflag:s24], $0x4000  }
0x32: {  	[sflag:s24] =	ssyncset.done $0x0  }
0x33: {  	[sflag:s24] =	ssyncadd.s32 $0xFFFFC000  }
0x34: {  	[spmem:s17] =	stream.linear.scatter [tilespmem:s25], [sflag:$0x3], $0x800, $0x38;
	[tilespmem:$0x1FA20] =	vst v63  }
0x35: {  	_ =	swait.ge [sflag:s24], $0x800  }
0x36: {  	[sflag:s24] =	ssyncset.done $0x0  }
0x37: {  	s1 =	rddreg [dreg:$0x8];
	[sflag:s24] =	ssyncadd.s32 $0xFFFFF800  }
0x38: {  	[spmem:s1] =	stream.linear.scatter [tilespmem:s23], [sflag:$0x3], $0x4000, $0x38;
	[tilespmem:$0x1FA20] =	vst v63  }
0x39: {  	_ =	swait.ge [sflag:s24], $0x4000  }
0x3a: {  	[sflag:s24] =	ssyncset.done $0x0  }
0x3b: {  	s15 =	rddreg [dreg:$0x9];
	[sflag:s24] =	ssyncadd.s32 $0xFFFFC000  }
0x3c: {  	[spmem:s15] =	stream.linear.scatter [tilespmem:s25], [sflag:$0x3], $0x800, $0x38;
	[tilespmem:$0x1FA20] =	vst v63  }
0x3d: {  	_ =	swait.ge [sflag:s24], $0x800  }
0x3e: {  	[sflag:s24] =	ssyncset.done $0x0  }
0x3f: {  	s16 =	rddreg [dreg:$0xa];
	[sflag:s24] =	ssyncadd.s32 $0xFFFFF800  }
0x40: {  	[spmem:s16] =	stream.linear.scatter [tilespmem:s23], [sflag:$0x3], $0x4000, $0x38;
	[tilespmem:$0x1FA20] =	vst v63  }
0x41: {  	_ =	swait.ge [sflag:s24], $0x4000  }
0x42: {  	[sflag:s24] =	ssyncset.done $0x0  }
0x43: {  	s17 =	rddreg [dreg:$0xb];
	[sflag:s24] =	ssyncadd.s32 $0xFFFFC000  }
0x44: {  	[spmem:s17] =	stream.linear.scatter [tilespmem:s25], [sflag:$0x3], $0x800, $0x38;
	[tilespmem:$0x1FA20] =	vst v63  }
0x45: {  	_ =	swait.ge [sflag:s24], $0x800  }
0x46: {  	[sflag:s24] =	ssyncset.done $0x0  }
0x47: {  	s18 =	rddreg [dreg:$0xc];
	[sflag:s24] =	ssyncadd.s32 $0xFFFFF800  }
0x48: {  	[spmem:s18] =	stream.linear.scatter [tilespmem:s23], [sflag:$0x3], $0x4000, $0x38;
	[tilespmem:$0x1FA20] =	vst v63  }
0x49: {  	_ =	swait.ge [sflag:s24], $0x4000  }
0x4a: {  	[sflag:s24] =	ssyncset.done $0x0  }
0x4b: {  	s20 =	rddreg [dreg:$0xd];
	[sflag:s24] =	ssyncadd.s32 $0xFFFFC000  }
0x4c: {  	[spmem:s20] =	stream.linear.scatter [tilespmem:s25], [sflag:$0x3], $0x800, $0x38;
	[tilespmem:$0x1FA20] =	vst v63  }
0x4d: {  	_ =	swait.ge [sflag:s24], $0x800  }
0x4e: {  	[sflag:s24] =	ssyncset.done $0x0  }
0x4f: {  	s21 =	rddreg [dreg:$0xe];
	[sflag:s24] =	ssyncadd.s32 $0xFFFFF800  }
0x50: {  	[spmem:s21] =	stream.linear.scatter [tilespmem:s23], [sflag:$0x3], $0x3900, $0x38;
	[tilespmem:$0x1FA20] =	vst v63  }
0x51: {  	_ =	swait.ge [sflag:s24], $0x3900  }
0x52: {  	[sflag:s24] =	ssyncset.done $0x0  }
0x53: {  	s22 =	rddreg [dreg:$0xf];
	[sflag:s24] =	ssyncadd.s32 $0xFFFFC700  }
0x54: {  	[spmem:s22] =	stream.linear.scatter [tilespmem:s25], [sflag:$0x3], $0x720, $0x38;
	[tilespmem:$0x1FA20] =	vst v63  }
0x55: {  	_ =	swait.ge [sflag:s24], $0x720  }
0x56: {  	[sflag:s24] =	ssyncset.done $0x0  }
0x57: {  	[sflag:s24] =	ssyncadd.s32 $0xFFFFF8E0  }
0x58: {  	s14 =	simm.s32 $0x0;
	[bflag:$0x0] =	sbarrier.arrive $0xFFFF  }
.LBB2_4:
0x59: {  	s1 =	sshll.u32 s14, $0x7  }
0x5a: {  	s1 =	sadd.s32 s19, s1  }
0x5b: {  	s5 =	rddreg [dreg:$0x1];
	s1 =	sshrl.u32 s1, $0x3  }
0x5c: {  	s5 =	sadd.s32 s5, s1  }
0x5d: {  	[tilespmem:s26], [sflag:$0x3] =	stream.linear.gather [hbm4b:s5+s13], $0x80, $0x38;
	[tilespmem:$0x1FA20] =	vst v63  }
0x5e: {  	_ =	swait.ge [sflag:s24], $0x80  }
0x5f: {  	[sflag:s24] =	ssyncset.done $0x0  }
0x60: {  	s1 =	sadd.s32 s8, s1;
	[sflag:s24] =	ssyncadd.s32 $0xFFFFFF80  }
0x61: {  	[tilespmem:s28], [sflag:$0x3] =	stream.linear.gather [hbm4b:s1+s13], $0x80, $0x38;
	[tilespmem:$0x1FA20] =	vst v63  }
0x62: {  	_ =	swait.ge [sflag:s24], $0x80  }
0x63: {  	[sflag:s24] =	ssyncset.done $0x0  }
0x64: {  	p0 =	por $0x1, $0x1;
	s1 =	simm.s32 $0x0;
	[sflag:s24] =	ssyncadd.s32 $0xFFFFFF80  }
.LBB2_5:
0x65: {  	v3 =	vld [tilespmem:s1+$0x16020]  }
0x66: {  	v4 =	vld [tilespmem:s1+$0x16030]  }
0x67: {  	v5 =	vld [tilespmem:s1+$0x16040]  }
0x68: {  	v6 =	vld [tilespmem:s1+$0x16050];
	_ =	sdelay $0x1  }
0x69: {  	v3 =	vadd.s32 v0, v3  }
0x6a: {  	v60 =	vld [tilespmem:s1+$0x160B0];
	[tilespmem:s1+$0x16120] =	vst v3;
	v3 =	vadd.s32 v0, v4  }
0x6b: {  	v61 =	vld [tilespmem:s1+$0x160C0];
	[tilespmem:s1+$0x16130] =	vst v3;
	v3 =	vadd.s32 v0, v5  }
0x6c: {  	v59 =	vld [tilespmem:s1+$0x160A0];
	[tilespmem:s1+$0x16140] =	vst v3;
	v3 =	vadd.s32 v0, v6  }
0x6d: {  	[tilespmem:s1+$0x16150] =	vst v3;
	v3 =	vld [tilespmem:s1+$0x160D0]  }
0x6e: {  	p1 =	por p0, p0  }
.Ltmp1:
0x6f: {  	v62 =	vadd.s32 v0, v60;
	(pc) =	sbr.rel @p1 .LBB2_5-.Ltmp1, $4  }
0x70: {  	v63 =	vadd.s32 v0, v61;
	[tilespmem:s1+$0x161B0] =	vst v62  }
0x71: {  	v4 =	vadd.s32 v0, v59;
	[tilespmem:s1+$0x161C0] =	vst v63  }
0x72: {  	[tilespmem:s1+$0x161A0] =	vst v4;
	v3 =	vadd.s32 v0, v3  }
0x73: {  	p0 =	por $0x0, $0x0;
	[tilespmem:s1+$0x161D0] =	vst v3;
	s1 =	simm.s32 $0x40  }
0x74: {  	[tilespmem:s31], [sflag:$0x1] =	stream.indirect.gather [hbm4b:s6+s29], $0x90, s30, s29, $0xb8;
	[tilespmem:$0x1FA20] =	vst v63  }
0x75: {  	_ = 	snop  }
0x76: {  	[tilespmem:s0], [sflag:$0x2] =	stream.indirect.gather [hbm4b:s7+s29], $0x10, s2, s29, $0xb8;
	[tilespmem:$0x1FA20] =	vst v63  }
0x77: {  	_ =	swait.ge [sflag:s11], $0x4800  }
0x78: {  	[sflag:s11] =	ssyncset.done $0x0  }
0x79: {  	[sflag:s11] =	ssyncadd.s32 $0xFFFFB800  }
0x7a: {  	_ =	swait.ge [sflag:s12], $0x800  }
0x7b: {  	[sflag:s12] =	ssyncset.done $0x0  }
0x7c: {  	s22 =	simm.s32 $0x16340;
	[sflag:s12] =	ssyncadd.s32 $0xFFFFF800  }
0x7d: {  	s1 =	simm.s32 $0x1AA40;
	v3 =	vld [tilespmem:s22+$0x90]  }
0x7e: {  	v4 =	vld [tilespmem:s1+$0x10];
	_ =	sdelay $0x1  }
0x7f: {  	v5 =	vld [tilespmem:s22+$0xFFFFFF70]  }
0x80: {  	v6 =	vld [tilespmem:s1+$0xFFFFFFF0]  }
0x81: {  	v7 =	vld [tilespmem:s22+$0x0]  }
0x82: {  	v8 =	vld [tilespmem:s1+$0x0];
	v3 =	vadd.f32 v4, v3;
	_ =	sdelay $0x1  }
0x83: {  	v4 =	vmul.f32 $2.000000030e-01, v3;
	_ =	sdelay $0x1  }
0x84: {  	v3 =	vmax.f32 v3, v4  }
0x85: {  	v5 =	vadd.f32 v6, v5;
	v6 =	vadd.f32 v8, v7;
	v7 =	vld [tilespmem:s22+$0xFFFFFEE0];
	v3 =	vmul.f32 $1.442695020e+00, v3  }
0x86: {  	v4 =	vld [tilespmem:s1+$0xFFFFFFE0]  }
0x87: {  	(erf) = vpow2.f32 v3  }
0x88: {  	v8 =	vmul.f32 $2.000000030e-01, v5  }
0x89: {  	v9 =	vmul.f32 $2.000000030e-01, v6  }
0x8a: {  	v3 =	vmax.f32 v5, v8  }
0x8b: {  	v5 =	vmax.f32 v6, v9;
	v3 =	vmul.f32 $1.442695020e+00, v3;
	v4 =	vadd.f32 v4, v7  }
0x8c: {  	v5 =	vmul.f32 $1.442695020e+00, v5  }
0x8d: {  	(erf) = vpow2.f32 v3;
	v3 =	vmul.f32 $2.000000030e-01, v4  }
0x8e: {  	(erf) = vpow2.f32 v5  }
0x8f: {  	v3 =	vmax.f32 v4, v3  }
0x90: {  	s15 =	simm.s32 $0x1F240;
	v3 =	vmul.f32 $1.442695020e+00, v3;
	v4 =	vpop (erf)  }
0x91: {  	[tilespmem:s15+$0x10] =	vst v4  }
0x92: {  	(erf) = vpow2.f32 v3;
	v3 =	vld [tilespmem:s22+$0xA0];
	_ =	sdelay $0x2  }
0x93: {  	v13 =	vperm.xlane v4, v2  }
0x94: {  	v5 =	vpop (erf)  }
0x95: {  	[tilespmem:s15+$0xFFFFFFF0] =	vst v5;
	v4 =	vpop (erf);
	v3 =	vmul.f32 v3, v13  }
0x96: {  	s16 =	simm.s32 $0x1B320;
	v6 =	vld [tilespmem:s22+$0xFFFFFF80];
	[tilespmem:s15+$0x0] =	vst v4  }
0x97: {  	v7 =	vld [tilespmem:s22+$0x10];
	[tilespmem:s16+$0x80] =	vst v3  }
0x98: {  	s17 =	simm.s32 $0x1AA80;
	v3 =	vld [tilespmem:s22+$0xB0]  }
0x99: {  	v14 =	vld [tilespmem:s17+$0xFFFFFFE0]  }
0x9a: {  	v16 =	vld [tilespmem:s17+$0xFFFFFFF0];
	v11 =	vperm.xlane v5, v2  }
0x9b: {  	v17 =	vld [tilespmem:s17+$0x0];
	v10 =	vperm.xlane v4, v2;
	v4 =	vpop (erf)  }
0x9c: {  	v9 =	vld [tilespmem:s17+$0x10];
	v5 =	vmul.f32 v6, v11;
	[tilespmem:s15+$0xFFFFFFE0] =	vst v4  }
0x9d: {  	s15 =	simm.s32 $0x16580;
	v6 =	vmul.f32 v7, v10;
	v7 =	vld [tilespmem:s22+$0xFFFFFEF0];
	v3 =	vmul.f32 v3, v13  }
0x9e: {  	v8 =	vld [tilespmem:s15+$0x90]  }
0x9f: {  	v15 =	vld [tilespmem:s15+$0xFFFFFF70];
	[tilespmem:s16+$0x90] =	vst v3  }
0xa0: {  	[tilespmem:s16+$0xFFFFFF80] =	vst v5;
	v3 =	vld [tilespmem:s22+$0xC0]  }
0xa1: {  	v5 =	vld [tilespmem:s22+$0xFFFFFF90]  }
0xa2: {  	v12 =	vperm.xlane v4, v2;
	v4 =	vld [tilespmem:s15+$0x0];
	[tilespmem:s16+$0x0] =	vst v6  }
0xa3: {  	v6 =	vld [tilespmem:s22+$0x20]  }
0xa4: {  	v8 =	vadd.f32 v9, v8;
	v7 =	vmul.f32 v7, v12;
	v9 =	vld [tilespmem:s15+$0xFFFFFEE0]  }
0xa5: {  	v3 =	vmul.f32 v3, v13  }
0xa6: {  	v15 =	vadd.f32 v16, v15;
	v5 =	vmul.f32 v5, v11;
	[tilespmem:s16+$0xFFFFFF00] =	vst v7  }
0xa7: {  	[tilespmem:s16+$0xA0] =	vst v3;
	v3 =	vmul.f32 $2.000000030e-01, v8  }
0xa8: {  	v4 =	vadd.f32 v17, v4;
	v16 =	vmul.f32 $2.000000030e-01, v15;
	[tilespmem:s16+$0xFFFFFF90] =	vst v5;
	v5 =	vld [tilespmem:s22+$0xFFFFFF00]  }
0xa9: {  	v6 =	vmul.f32 v6, v10;
	v9 =	vadd.f32 v14, v9;
	v7 =	vld [tilespmem:s22+$0xD0];
	v3 =	vmax.f32 v8, v3  }
0xaa: {  	v14 =	vmul.f32 $2.000000030e-01, v4;
	v3 =	vmul.f32 $1.442695020e+00, v3  }
0xab: {  	[tilespmem:s16+$0x10] =	vst v6;
	v6 =	vmul.f32 $2.000000030e-01, v9;
	v8 =	vld [tilespmem:s22+$0xFFFFFFA0]  }
0xac: {  	v4 =	vmax.f32 v4, v14;
	(erf) = vpow2.f32 v3;
	v3 =	vmax.f32 v15, v16;
	v15 =	vld [tilespmem:s22+$0x30]  }
0xad: {  	v4 =	vmul.f32 $1.442695020e+00, v4;
	v3 =	vmul.f32 $1.442695020e+00, v3  }
0xae: {  	v5 =	vmul.f32 v5, v12;
	v6 =	vmax.f32 v9, v6;
	v7 =	vmul.f32 v7, v13  }
0xaf: {  	v6 =	vmul.f32 $1.442695020e+00, v6;
	(erf) = vpow2.f32 v3  }
0xb0: {  	v8 =	vmul.f32 v8, v11;
	[tilespmem:s16+$0xB0] =	vst v7;
	(erf) = vpow2.f32 v4  }
0xb1: {  	[tilespmem:s16+$0xFFFFFF10] =	vst v5;
	v3 =	vld [tilespmem:s22+$0xE0];
	(erf) = vpow2.f32 v6;
	v6 =	vmul.f32 v15, v10  }
0xb2: {  	v4 =	vld [tilespmem:s22+$0xFFFFFF10]  }
0xb3: {  	[tilespmem:s16+$0xFFFFFFA0] =	vst v8  }
0xb4: {  	s20 =	simm.s32 $0x1AAC0;
	v5 =	vld [tilespmem:s22+$0xFFFFFFB0]  }
0xb5: {  	s18 =	simm.s32 $0x1F280;
	v20 =	vld [tilespmem:s20+$0x10];
	[tilespmem:s16+$0x20] =	vst v6;
	v6 =	vpop (erf)  }
0xb6: {  	v7 =	vld [tilespmem:s22+$0x40];
	v3 =	vmul.f32 v3, v13;
	[tilespmem:s18+$0x10] =	vst v6  }
0xb7: {  	v4 =	vmul.f32 v4, v12;
	v8 =	vld [tilespmem:s15+$0xA0]  }
0xb8: {  	v22 =	vld [tilespmem:s20+$0xFFFFFFE0];
	[tilespmem:s16+$0xC0] =	vst v3  }
0xb9: {  	v5 =	vmul.f32 v5, v11;
	v3 =	vld [tilespmem:s22+$0xF0]  }
0xba: {  	v24 =	vld [tilespmem:s20+$0xFFFFFFF0];
	v14 =	vperm.xlane v6, v2;
	[tilespmem:s16+$0xFFFFFF20] =	vst v4  }
0xbb: {  	v25 =	vld [tilespmem:s20+$0x0];
	[tilespmem:s16+$0xFFFFFFB0] =	vst v5;
	v4 =	vpop (erf);
	v7 =	vmul.f32 v7, v10  }
0xbc: {  	v9 =	vld [tilespmem:s22+$0xFFFFFF20];
	[tilespmem:s18+$0xFFFFFFF0] =	vst v4;
	v8 =	vmul.f32 v8, v14  }
0xbd: {  	s17 =	simm.s32 $0x1B520;
	v6 =	vld [tilespmem:s22+$0xFFFFFFC0];
	[tilespmem:s16+$0x30] =	vst v7  }
0xbe: {  	v5 =	vpop (erf);
	v15 =	vld [tilespmem:s15+$0xFFFFFF80];
	v7 =	vmul.f32 v3, v13;
	[tilespmem:s17+$0x80] =	vst v8  }
0xbf: {  	[tilespmem:s18+$0x0] =	vst v5;
	v16 =	vpop (erf);
	v3 =	vperm.xlane v4, v2;
	v4 =	vperm.xlane v5, v2;
	v5 =	vld [tilespmem:s15+$0xB0]  }
0xc0: {  	[tilespmem:s18+$0xFFFFFFE0] =	vst v16;
	v17 =	vld [tilespmem:s15+$0x10]  }
0xc1: {  	s18 =	simm.s32 $0x167C0;
	v18 =	vld [tilespmem:s15+$0xFFFFFEF0]  }
0xc2: {  	v19 =	vld [tilespmem:s18+$0x90];
	v8 =	vmul.f32 v9, v12  }
0xc3: {  	v23 =	vld [tilespmem:s18+$0xFFFFFF70];
	[tilespmem:s16+$0xD0] =	vst v7;
	v7 =	vmul.f32 v15, v3  }
0xc4: {  	v9 =	vld [tilespmem:s22+$0x50];
	[tilespmem:s16+$0xFFFFFF30] =	vst v8;
	v5 =	vmul.f32 v5, v14  }
0xc5: {  	v8 =	vld [tilespmem:s22+$0x100];
	[tilespmem:s17+$0xFFFFFF80] =	vst v7  }
0xc6: {  	v15 =	vmul.f32 v17, v4;
	v7 =	vld [tilespmem:s15+$0xFFFFFF90];
	[tilespmem:s17+$0x90] =	vst v5  }
0xc7: {  	v6 =	vmul.f32 v6, v11;
	v21 =	vld [tilespmem:s15+$0xC0]  }
0xc8: {  	v17 =	vld [tilespmem:s22+$0xFFFFFF30];
	[tilespmem:s17+$0x0] =	vst v15;
	v5 =	vperm.xlane v16, v2  }
0xc9: {  	[tilespmem:s16+$0xFFFFFFC0] =	vst v6;
	v9 =	vmul.f32 v9, v10;
	v15 =	vld [tilespmem:s15+$0x20]  }
0xca: {  	v6 =	vld [tilespmem:s22+$0xFFFFFFD0];
	v18 =	vmul.f32 v18, v5  }
0xcb: {  	[tilespmem:s16+$0x40] =	vst v9;
	v16 =	vld [tilespmem:s18+$0x0];
	v7 =	vmul.f32 v7, v3  }
0xcc: {  	v19 =	vadd.f32 v20, v19;
	v20 =	vld [tilespmem:s18+$0xFFFFFEE0];
	[tilespmem:s17+$0xFFFFFF00] =	vst v18;
	v21 =	vmul.f32 v21, v14  }
0xcd: {  	v8 =	vmul.f32 v8, v13;
	[tilespmem:s17+$0xFFFFFF90] =	vst v7;
	v7 =	vld [tilespmem:s15+$0xFFFFFF00]  }
0xce: {  	v23 =	vadd.f32 v24, v23;
	v15 =	vmul.f32 v15, v4;
	[tilespmem:s17+$0xA0] =	vst v21;
	v21 =	vmul.f32 $2.000000030e-01, v19  }
0xcf: {  	v17 =	vmul.f32 v17, v12;
	[tilespmem:s16+$0xE0] =	vst v8;
	v18 =	vld [tilespmem:s15+$0xD0]  }
0xd0: {  	v8 =	vld [tilespmem:s22+$0x60];
	v16 =	vadd.f32 v25, v16;
	[tilespmem:s17+$0x10] =	vst v15;
	v15 =	vmul.f32 $2.000000030e-01, v23;
	v19 =	vmax.f32 v19, v21  }
0xd1: {  	v6 =	vmul.f32 v6, v11;
	v20 =	vadd.f32 v22, v20;
	[tilespmem:s16+$0xFFFFFF40] =	vst v17;
	v21 =	vld [tilespmem:s15+$0xFFFFFFA0];
	v19 =	vmul.f32 $1.442695020e+00, v19  }
0xd2: {  	v9 =	vld [tilespmem:s22+$0xFFFFFF40];
	v22 =	vmul.f32 $2.000000030e-01, v16;
	v15 =	vmax.f32 v23, v15;
	v7 =	vmul.f32 v7, v5  }
0xd3: {  	s9 =	simm.s32 $0x1AB00;
	v17 =	vld [tilespmem:s15+$0x30];
	v15 =	vmul.f32 $1.442695020e+00, v15;
	(erf) = vpow2.f32 v19  }
0xd4: {  	v28 =	vld [tilespmem:s9+$0x10];
	v16 =	vmax.f32 v16, v22;
	[tilespmem:s17+$0xFFFFFF10] =	vst v7;
	v19 =	vmul.f32 $2.000000030e-01, v20;
	v18 =	vmul.f32 v18, v14  }
0xd5: {  	v16 =	vmul.f32 $1.442695020e+00, v16;
	(erf) = vpow2.f32 v15;
	v15 =	vld [tilespmem:s15+$0xFFFFFF10]  }
0xd6: {  	v30 =	vld [tilespmem:s9+$0xFFFFFFF0];
	v8 =	vmul.f32 v8, v10;
	v19 =	vmax.f32 v20, v19;
	v20 =	vmul.f32 v21, v3;
	[tilespmem:s17+$0xB0] =	vst v18  }
0xd7: {  	[tilespmem:s16+$0xFFFFFFD0] =	vst v6;
	(erf) = vpow2.f32 v16;
	v18 =	vmul.f32 $1.442695020e+00, v19;
	v7 =	vld [tilespmem:s15+$0xE0]  }
0xd8: {  	v9 =	vmul.f32 v9, v12;
	v22 =	vld [tilespmem:s22+$0x110];
	v16 =	vmul.f32 v17, v4;
	[tilespmem:s17+$0xFFFFFFA0] =	vst v20  }
0xd9: {  	[tilespmem:s16+$0x50] =	vst v8;
	(erf) = vpow2.f32 v18;
	v6 =	vld [tilespmem:s15+$0xFFFFFFB0]  }
0xda: {  	v17 =	vld [tilespmem:s22+$0xFFFFFFE0];
	[tilespmem:s17+$0x20] =	vst v16;
	v8 =	vmul.f32 v15, v5  }
0xdb: {  	[tilespmem:s16+$0xFFFFFF50] =	vst v9;
	v16 =	vld [tilespmem:s15+$0x40]  }
0xdc: {  	s21 =	simm.s32 $0x1F2C0;
	v18 =	vld [tilespmem:s22+$0xFFFFFF50];
	[tilespmem:s17+$0xFFFFFF20] =	vst v8;
	v9 =	vpop (erf);
	v7 =	vmul.f32 v7, v14  }
0xdd: {  	v20 =	vld [tilespmem:s15+$0xFFFFFF20];
	[tilespmem:s21+$0x10] =	vst v9  }
0xde: {  	v6 =	vmul.f32 v6, v3;
	v8 =	vpop (erf);
	v19 =	vld [tilespmem:s18+$0xA0];
	[tilespmem:s17+$0xC0] =	vst v7  }
0xdf: {  	[tilespmem:s21+$0xFFFFFFF0] =	vst v8;
	v7 =	vld [tilespmem:s15+$0xF0]  }
0xe0: {  	v21 =	vpop (erf);
	[tilespmem:s17+$0xFFFFFFB0] =	vst v6;
	v6 =	vmul.f32 v16, v4;
	v16 =	vld [tilespmem:s18+$0xFFFFFF80]  }
0xe1: {  	v9 =	vperm.xlane v9, v2;
	[tilespmem:s21+$0x0] =	vst v21;
	v23 =	vld [tilespmem:s15+$0xFFFFFFC0]  }
0xe2: {  	v15 =	vld [tilespmem:s22+$0x70];
	v24 =	vpop (erf);
	[tilespmem:s17+$0x30] =	vst v6;
	v6 =	vperm.xlane v8, v2;
	v8 =	vmul.f32 v20, v5  }
0xe3: {  	v25 =	vld [tilespmem:s18+$0x10];
	[tilespmem:s21+$0xFFFFFFE0] =	vst v24;
	v19 =	vmul.f32 v19, v9  }
0xe4: {  	s20 =	simm.s32 $0x1B720;
	v26 =	vld [tilespmem:s18+$0xFFFFFEF0];
	[tilespmem:s17+$0xFFFFFF30] =	vst v8;
	v27 =	vmul.f32 v7, v14  }
0xe5: {  	v16 =	vmul.f32 v16, v6;
	[tilespmem:s20+$0x80] =	vst v19;
	v19 =	vld [tilespmem:s15+$0x50]  }
0xe6: {  	v7 =	vperm.xlane v21, v2;
	v21 =	vmul.f32 v23, v3;
	v20 =	vld [tilespmem:s18+$0xB0];
	[tilespmem:s17+$0xD0] =	vst v27  }
0xe7: {  	[tilespmem:s20+$0xFFFFFF80] =	vst v16;
	v8 =	vld [tilespmem:s15+$0x100]  }
0xe8: {  	v13 =	vmul.f32 v22, v13;
	s21 =	simm.s32 $0x16A00;
	[tilespmem:s17+$0xFFFFFFC0] =	vst v21;
	v21 =	vld [tilespmem:s18+$0xFFFFFF90]  }
0xe9: {  	v22 =	vld [tilespmem:s21+$0xFFFFFF70];
	v23 =	vmul.f32 v25, v7  }
0xea: {  	[tilespmem:s16+$0xF0] =	vst v13;
	v27 =	vld [tilespmem:s21+$0x90];
	v13 =	vmul.f32 v19, v4  }
0xeb: {  	v16 =	vld [tilespmem:s15+$0xFFFFFFD0];
	[tilespmem:s20+$0x0] =	vst v23;
	v20 =	vmul.f32 v20, v9  }
0xec: {  	v23 =	vld [tilespmem:s18+$0x20];
	v8 =	vmul.f32 v8, v14;
	[tilespmem:s17+$0x40] =	vst v13  }
0xed: {  	v13 =	vmul.f32 v21, v6;
	v21 =	vld [tilespmem:s21+$0xFFFFFEE0];
	[tilespmem:s20+$0x90] =	vst v20  }
0xee: {  	v20 =	vld [tilespmem:s18+$0xC0];
	[tilespmem:s17+$0xE0] =	vst v8;
	v8 =	vperm.xlane v24, v2  }
0xef: {  	v24 =	vld [tilespmem:s9+$0xFFFFFFE0]  }
0xf0: {  	v25 =	vld [tilespmem:s15+$0xFFFFFF30];
	v26 =	vmul.f32 v26, v8  }
0xf1: {  	v19 =	vld [tilespmem:s21+$0x0];
	v23 =	vmul.f32 v23, v7;
	[tilespmem:s20+$0xFFFFFF90] =	vst v13  }
0xf2: {  	v22 =	vadd.f32 v30, v22;
	v16 =	vmul.f32 v16, v3;
	[tilespmem:s20+$0xFFFFFF00] =	vst v26;
	v26 =	vld [tilespmem:s9+$0x0]  }
0xf3: {  	v27 =	vadd.f32 v28, v27;
	[tilespmem:s20+$0x10] =	vst v23;
	v23 =	vld [tilespmem:s18+$0xFFFFFFA0];
	v20 =	vmul.f32 v20, v9  }
0xf4: {  	v13 =	vmul.f32 v17, v11;
	v29 =	vld [tilespmem:s15+$0x110];
	[tilespmem:s17+$0xFFFFFFD0] =	vst v16;
	v16 =	vmul.f32 $2.000000030e-01, v22;
	v21 =	vadd.f32 v24, v21  }
0xf5: {  	v17 =	vmul.f32 v25, v5;
	[tilespmem:s20+$0xA0] =	vst v20;
	v20 =	vmul.f32 $2.000000030e-01, v27  }
0xf6: {  	v18 =	vmul.f32 v18, v12;
	[tilespmem:s16+$0xFFFFFFE0] =	vst v13;
	v13 =	vmax.f32 v22, v16;
	v16 =	vmul.f32 $2.000000030e-01, v21;
	v25 =	vld [tilespmem:s18+$0xD0]  }
0xf7: {  	v15 =	vmul.f32 v15, v10;
	[tilespmem:s17+$0xFFFFFF40] =	vst v17;
	v58 =	vld [tilespmem:s18+$0xFFFFFF00];
	v20 =	vmax.f32 v27, v20;
	v17 =	vadd.f32 v26, v19  }
0xf8: {  	[tilespmem:s16+$0xFFFFFF60] =	vst v18;
	v24 =	vld [tilespmem:s15+$0xFFFFFF40];
	v16 =	vmax.f32 v21, v16;
	v21 =	vmul.f32 v23, v6;
	v19 =	vmul.f32 $1.442695020e+00, v20  }
0xf9: {  	[tilespmem:s16+$0x60] =	vst v15;
	v14 =	vmul.f32 v29, v14;
	v20 =	vld [tilespmem:s18+$0x30];
	v18 =	vmul.f32 $2.000000030e-01, v17  }
0xfa: {  	[tilespmem:s20+$0xFFFFFFA0] =	vst v21;
	(erf) = vpow2.f32 v19;
	v19 =	vld [tilespmem:s15+$0x60]  }
0xfb: {  	v13 =	vmul.f32 $1.442695020e+00, v13;
	[tilespmem:s17+$0xF0] =	vst v14;
	v15 =	vld [tilespmem:s18+$0xFFFFFFB0];
	v22 =	vmul.f32 v25, v9;
	v14 =	vmax.f32 v17, v18  }
0xfc: {  	v25 =	vld [tilespmem:s15+$0xFFFFFFE0];
	v17 =	vmul.f32 v58, v8;
	v14 =	vmul.f32 $1.442695020e+00, v14  }
0xfd: {  	v16 =	vmul.f32 $1.442695020e+00, v16;
	v18 =	vld [tilespmem:s22+$0xFFFFFF60];
	(erf) = vpow2.f32 v13;
	[tilespmem:s20+$0xB0] =	vst v22  }
0xfe: {  	[tilespmem:s20+$0xFFFFFF10] =	vst v17;
	v17 =	vmul.f32 v20, v7;
	v13 =	vld [tilespmem:s18+$0xE0];
	(erf) = vpow2.f32 v14  }
0xff: {  	v14 =	vld [tilespmem:s18+$0xFFFFFF10];
	(erf) = vpow2.f32 v16;
	v16 =	vmul.f32 v24, v5  }
0x100: {  	v22 =	vld [tilespmem:s22+$0xFFFFFFF0]  }
0x101: {  	[tilespmem:s20+$0x20] =	vst v17;
	v17 =	vmul.f32 v19, v4;
	v19 =	vld [tilespmem:s22+$0x80]  }
0x102: {  	v20 =	vld [tilespmem:s18+$0x40];
	[tilespmem:s17+$0xFFFFFF50] =	vst v16  }
0x103: {  	s10 =	simm.s32 $0x1F300;
	[tilespmem:s17+$0x50] =	vst v17;
	v23 =	vld [tilespmem:s15+$0xFFFFFF50];
	v16 =	vpop (erf);
	v13 =	vmul.f32 v13, v9  }
0x104: {  	v24 =	vld [tilespmem:s15+$0x70];
	v14 =	vmul.f32 v14, v8;
	[tilespmem:s10+$0x10] =	vst v16  }
0x105: {  	v15 =	vmul.f32 v15, v6;
	v17 =	vld [tilespmem:s21+$0xA0];
	[tilespmem:s20+$0xC0] =	vst v13  }
0x106: {  	[tilespmem:s20+$0xFFFFFF20] =	vst v14;
	v13 =	vld [tilespmem:s18+$0xF0]  }
0x107: {  	[tilespmem:s20+$0xFFFFFFB0] =	vst v15;
	v21 =	vpop (erf);
	v26 =	vld [tilespmem:s18+$0xFFFFFF20]  }
0x108: {  	v59 =	vld [tilespmem:s18+$0xFFFFFFC0];
	v16 =	vperm.xlane v16, v2;
	[tilespmem:s10+$0xFFFFFFF0] =	vst v21;
	v27 =	vpop (erf)  }
0x109: {  	v20 =	vmul.f32 v20, v7;
	v60 =	vld [tilespmem:s21+$0xFFFFFF80];
	[tilespmem:s10+$0x0] =	vst v27;
	v61 =	vpop (erf)  }
0x10a: {  	v15 =	vmul.f32 v18, v12;
	[tilespmem:s10+$0xFFFFFFE0] =	vst v61;
	v18 =	vld [tilespmem:s21+$0x10];
	v17 =	vmul.f32 v17, v16  }
0x10b: {  	s22 =	simm.s32 $0x1B920;
	v14 =	vmul.f32 v22, v11;
	[tilespmem:s20+$0x30] =	vst v20;
	v22 =	vld [tilespmem:s21+$0xFFFFFEF0];
	v13 =	vmul.f32 v13, v9  }
0x10c: {  	v12 =	vperm.xlane v21, v2;
	[tilespmem:s22+$0x80] =	vst v17;
	v17 =	vmul.f32 v26, v8;
	v26 =	vld [tilespmem:s18+$0x50]  }
0x10d: {  	v21 =	vmul.f32 v59, v6;
	v11 =	vperm.xlane v27, v2;
	[tilespmem:s20+$0xD0] =	vst v13;
	v27 =	vld [tilespmem:s21+$0xB0]  }
0x10e: {  	v62 =	vmul.f32 v60, v12;
	v13 =	vperm.xlane v61, v2;
	[tilespmem:s20+$0xFFFFFF30] =	vst v17;
	v20 =	vld [tilespmem:s18+$0x100]  }
0x10f: {  	[tilespmem:s20+$0xFFFFFFC0] =	vst v21;
	v17 =	vmul.f32 v25, v3;
	v25 =	vmul.f32 v18, v11;
	v21 =	vld [tilespmem:s18+$0xFFFFFF30]  }
0x110: {  	v10 =	vmul.f32 v19, v10;
	[tilespmem:s22+$0xFFFFFF80] =	vst v62;
	v63 =	vmul.f32 v22, v13;
	v22 =	vld [tilespmem:s18+$0xFFFFFFD0]  }
0x111: {  	v19 =	vmul.f32 v23, v5;
	v23 =	vld [tilespmem:s21+$0xFFFFFF90];
	[tilespmem:s22+$0x0] =	vst v25;
	v25 =	vmul.f32 v26, v7  }
0x112: {  	s5 =	simm.s32 $0xC;
	s1 =	simm.s32 $0x16C40;
	v18 =	vmul.f32 v24, v4;
	[tilespmem:s22+$0xFFFFFF00] =	vst v63;
	v24 =	vld [tilespmem:s21+$0x20];
	v26 =	vmul.f32 v27, v16  }
.LBB2_7:
0x113: {  	v27 =	vld [tilespmem:s1+$0x90];
	s9 =	sadd.s32 $0x40, s9;
	[tilespmem:s20+$0x40] =	vst v25;
	v20 =	vmul.f32 v20, v9  }
0x114: {  	v25 =	vld [tilespmem:s9+$0x10];
	[tilespmem:s22+$0x90] =	vst v26;
	v21 =	vmul.f32 v21, v8  }
0x115: {  	v26 =	vld [tilespmem:s21+$0xC0];
	v22 =	vmul.f32 v22, v6;
	[tilespmem:s20+$0xE0] =	vst v20  }
0x116: {  	v20 =	vmul.f32 v23, v12;
	[tilespmem:s20+$0xFFFFFF40] =	vst v21;
	v21 =	vld [tilespmem:s18+$0x110]  }
0x117: {  	s5 =	sadd.s32 $0x4, s5;
	v23 =	vld [tilespmem:s9+$0xFFFFFFE0];
	v24 =	vmul.f32 v24, v11;
	[tilespmem:s20+$0xFFFFFFD0] =	vst v22  }
0x118: {  	p0 =	slt.u32 s5, $0x7C;
	v22 =	vld [tilespmem:s1+$0xFFFFFF70];
	[tilespmem:s22+$0xFFFFFF90] =	vst v20  }
0x119: {  	v20 =	vld [tilespmem:s9+$0xFFFFFFF0];
	[tilespmem:s22+$0x10] =	vst v24  }
0x11a: {  	v24 =	vld [tilespmem:s1+$0x0];
	v26 =	vmul.f32 v26, v16;
	[tilespmem:s17+$0xFFFFFF60] =	vst v19  }
0x11b: {  	v25 =	vadd.f32 v25, v27;
	v19 =	vld [tilespmem:s9+$0x0];
	v21 =	vmul.f32 v21, v9;
	[tilespmem:s17+$0xFFFFFFE0] =	vst v17;
	v9 =	vmov v16  }
0x11c: {  	v16 =	vld [tilespmem:s1+$0xFFFFFEE0];
	[tilespmem:s22+$0xA0] =	vst v26  }
0x11d: {  	v17 =	vmul.f32 $2.000000030e-01, v25;
	v26 =	vld [tilespmem:s21+$0xFFFFFF00];
	[tilespmem:s20+$0xF0] =	vst v21  }
0x11e: {  	v20 =	vadd.f32 v20, v22;
	v21 =	vld [tilespmem:s21+$0xD0];
	[tilespmem:s17+$0x60] =	vst v18  }
0x11f: {  	v17 =	vmax.f32 v25, v17;
	v18 =	vld [tilespmem:s21+$0xFFFFFFA0];
	[tilespmem:s16+$0xFFFFFF70] =	vst v15  }
0x120: {  	v17 =	vmul.f32 $1.442695020e+00, v17;
	v15 =	vmul.f32 $2.000000030e-01, v20;
	v19 =	vadd.f32 v19, v24;
	v22 =	vld [tilespmem:s21+$0x30];
	[tilespmem:s16+$0xFFFFFFF0] =	vst v14  }
0x121: {  	v14 =	vadd.f32 v23, v16;
	v16 =	vld [tilespmem:s18+$0xFFFFFF40];
	[tilespmem:s16+$0x70] =	vst v10;
	s16 =	smov.u32 s17;
	s17 =	smov.u32 s20;
	s20 =	smov.u32 s22  }
0x122: {  	v10 =	vmax.f32 v20, v15;
	v15 =	vmul.f32 $2.000000030e-01, v19;
	(erf) = vpow2.f32 v17;
	v20 =	vld [tilespmem:s18+$0x60]  }
0x123: {  	v17 =	vmul.f32 $2.000000030e-01, v14;
	v21 =	vmul.f32 v21, v9;
	v23 =	vld [tilespmem:s18+$0xFFFFFFE0]  }
0x124: {  	v10 =	vmul.f32 $1.442695020e+00, v10;
	v15 =	vmax.f32 v19, v15;
	v19 =	vmul.f32 v26, v13;
	v24 =	vld [tilespmem:s15+$0xFFFFFF60]  }
0x125: {  	v14 =	vmax.f32 v14, v17;
	v15 =	vmul.f32 $1.442695020e+00, v15;
	v17 =	vmul.f32 v18, v12;
	[tilespmem:s22+$0xB0] =	vst v21;
	v18 =	vld [tilespmem:s15+$0xFFFFFFF0]  }
0x126: {  	v14 =	vmul.f32 $1.442695020e+00, v14;
	(erf) = vpow2.f32 v10;
	[tilespmem:s22+$0xFFFFFF10] =	vst v19;
	v10 =	vld [tilespmem:s21+$0xE0]  }
0x127: {  	(erf) = vpow2.f32 v15;
	v19 =	vld [tilespmem:s21+$0xFFFFFF10];
	[tilespmem:s22+$0xFFFFFFA0] =	vst v17;
	v15 =	vmul.f32 v22, v11  }
0x128: {  	(erf) = vpow2.f32 v14;
	v21 =	vld [tilespmem:s21+$0xFFFFFFB0];
	v14 =	vmul.f32 v16, v8  }
0x129: {  	v17 =	vmul.f32 v23, v6;
	v16 =	vmul.f32 v20, v7;
	[tilespmem:s22+$0x20] =	vst v15;
	v20 =	vld [tilespmem:s15+$0x80];
	s15 =	smov.u32 s18;
	s18 =	smov.u32 s21;
	s21 =	smov.u32 s1  }
0x12a: {  	v15 =	vmul.f32 v24, v5;
	v22 =	vld [tilespmem:s18+$0x40];
	[tilespmem:s17+$0xFFFFFF50] =	vst v14;
	v14 =	vmul.f32 v18, v3;
	v3 =	vmovc v6;
	v6 =	vmov v12  }
0x12b: {  	s10 =	sadd.s32 $0x40, s10;
	v5 =	vmov v8;
	v8 =	vmov v13;
	v18 =	vpop (erf);
	v10 =	vmul.f32 v10, v9;
	v23 =	vld [tilespmem:s15+$0xFFFFFF50];
	[tilespmem:s17+$0x50] =	vst v16  }
0x12c: {  	[tilespmem:s10+$0x10] =	vst v18;
	v12 =	vmul.f32 v19, v8;
	v24 =	vld [tilespmem:s15+$0x70]  }
0x12d: {  	v25 =	vld [tilespmem:s1+$0xA0];
	v13 =	vmul.f32 v21, v6;
	[tilespmem:s22+$0xC0] =	vst v10  }
0x12e: {  	[tilespmem:s22+$0xFFFFFF20] =	vst v12;
	v21 =	vld [tilespmem:s18+$0xF0];
	v10 =	vmul.f32 v20, v4;
	v4 =	vmov v7;
	v7 =	vmov v11  }
0x12f: {  	v11 =	vpop (erf);
	v20 =	vld [tilespmem:s18+$0xFFFFFF20];
	[tilespmem:s22+$0xFFFFFFB0] =	vst v13;
	v22 =	vmul.f32 v22, v7  }
0x130: {  	v16 =	vperm.xlane v18, v2;
	[tilespmem:s10+$0xFFFFFFF0] =	vst v11;
	v12 =	vperm.xlane v11, v2;
	v11 =	vpop (erf);
	v26 =	vld [tilespmem:s18+$0xFFFFFFC0]  }
0x131: {  	v19 =	vmul.f32 v23, v5;
	v27 =	vld [tilespmem:s1+$0xFFFFFF80];
	[tilespmem:s10+$0x0] =	vst v11;
	v11 =	vperm.xlane v11, v2;
	v13 =	vpop (erf)  }
0x132: {  	[tilespmem:s10+$0xFFFFFFE0] =	vst v13;
	v13 =	vperm.xlane v13, v2;
	v23 =	vld [tilespmem:s1+$0x10];
	v25 =	vmul.f32 v25, v16  }
0x133: {  	s22 =	sadd.s32 $0x200, s22;
	v18 =	vmul.f32 v24, v4;
	v28 =	vld [tilespmem:s1+$0xFFFFFEF0];
	[tilespmem:s20+$0x30] =	vst v22;
	v21 =	vmul.f32 v21, v9  }
0x134: {  	[tilespmem:s22+$0x80] =	vst v25;
	v20 =	vmul.f32 v20, v8;
	v24 =	vld [tilespmem:s18+$0x50]  }
0x135: {  	v29 =	vld [tilespmem:s1+$0xB0];
	v22 =	vmul.f32 v26, v6;
	[tilespmem:s20+$0xD0] =	vst v21  }
.Ltmp2:
0x136: {  	v25 =	vmul.f32 v27, v12;
	[tilespmem:s20+$0xFFFFFF30] =	vst v20;
	v20 =	vld [tilespmem:s18+$0x100];
	(pc) =	sbr.rel @p0 .LBB2_7-.Ltmp2, $4  }
0x137: {  	v26 =	vmul.f32 v23, v11;
	v21 =	vld [tilespmem:s18+$0xFFFFFF30];
	[tilespmem:s20+$0xFFFFFFC0] =	vst v22  }
0x138: {  	v27 =	vmul.f32 v28, v13;
	[tilespmem:s22+$0xFFFFFF80] =	vst v25;
	v22 =	vld [tilespmem:s18+$0xFFFFFFD0]  }
0x139: {  	v23 =	vld [tilespmem:s1+$0xFFFFFF90];
	[tilespmem:s22+$0x0] =	vst v26;
	v25 =	vmul.f32 v24, v7  }
0x13a: {  	s1 =	sadd.s32 $0x240, s1;
	[tilespmem:s22+$0xFFFFFF00] =	vst v27;
	v24 =	vld [tilespmem:s21+$0x20];
	v26 =	vmul.f32 v29, v16  }
0x13b: {  	_ = 	snop  }
0x13c: {  	v27 =	vld [tilespmem:s21+$0xFFFFFF00];
	[tilespmem:s22+$0x90] =	vst v26  }
0x13d: {  	v26 =	vld [tilespmem:s21+$0xC0];
	_ =	sdelay $0x1  }
0x13e: {  	v23 =	vmul.f32 v23, v12  }
0x13f: {  	v24 =	vmul.f32 v24, v11  }
0x140: {  	v27 =	vmul.f32 v27, v13;
	[tilespmem:s22+$0xFFFFFF90] =	vst v23  }
0x141: {  	[tilespmem:s22+$0x10] =	vst v24;
	v59 =	vld [tilespmem:s21+$0xFFFFFFA0];
	v26 =	vmul.f32 v26, v16  }
0x142: {  	[tilespmem:s22+$0xFFFFFF10] =	vst v27;
	v60 =	vld [tilespmem:s21+$0x30]  }
0x143: {  	v58 =	vld [tilespmem:s21+$0xFFFFFF10];
	[tilespmem:s22+$0xA0] =	vst v26  }
0x144: {  	v26 =	vld [tilespmem:s21+$0xD0];
	_ =	sdelay $0x1  }
0x145: {  	v24 =	vmul.f32 v59, v12  }
0x146: {  	[tilespmem:s20+$0x40] =	vst v25;
	v61 =	vmul.f32 v60, v11  }
0x147: {  	v23 =	vmul.f32 v58, v13;
	[tilespmem:s22+$0xFFFFFFA0] =	vst v24  }
0x148: {  	v24 =	vld [tilespmem:s21+$0xFFFFFFB0];
	[tilespmem:s22+$0x20] =	vst v61;
	v26 =	vmul.f32 v26, v16  }
0x149: {  	[tilespmem:s22+$0xFFFFFF20] =	vst v23;
	v62 =	vld [tilespmem:s21+$0x40]  }
0x14a: {  	v23 =	vld [tilespmem:s21+$0xFFFFFF20];
	[tilespmem:s22+$0xB0] =	vst v26  }
0x14b: {  	[tilespmem:s17+$0xFFFFFF60] =	vst v19;
	v26 =	vld [tilespmem:s21+$0xE0]  }
0x14c: {  	v20 =	vmul.f32 v20, v9;
	[tilespmem:s17+$0xFFFFFFE0] =	vst v17  }
0x14d: {  	[tilespmem:s17+$0x60] =	vst v18;
	v28 =	vmul.f32 v24, v12  }
0x14e: {  	[tilespmem:s20+$0xE0] =	vst v20;
	v20 =	vmul.f32 v62, v11  }
0x14f: {  	v35 =	vld [tilespmem:s18+$0x60];
	v23 =	vmul.f32 v23, v13;
	[tilespmem:s22+$0xFFFFFFB0] =	vst v28  }
0x150: {  	v31 =	vld [tilespmem:s21+$0xFFFFFFC0];
	[tilespmem:s22+$0x30] =	vst v20;
	v63 =	vmul.f32 v26, v16  }
0x151: {  	[tilespmem:s22+$0xFFFFFF30] =	vst v23;
	v20 =	vld [tilespmem:s21+$0x50]  }
0x152: {  	v29 =	vld [tilespmem:s21+$0xFFFFFF30];
	[tilespmem:s22+$0xC0] =	vst v63  }
0x153: {  	[tilespmem:s16+$0xFFFFFF70] =	vst v15;
	v21 =	vmul.f32 v21, v8;
	v27 =	vld [tilespmem:s21+$0xF0]  }
0x154: {  	[tilespmem:s16+$0xFFFFFFF0] =	vst v14;
	v45 =	vld [tilespmem:s15+$0xFFFFFF60]  }
0x155: {  	v51 =	vld [tilespmem:s15+$0xFFFFFFF0];
	[tilespmem:s20+$0xFFFFFF40] =	vst v21;
	v36 =	vmul.f32 v31, v12  }
0x156: {  	[tilespmem:s16+$0x70] =	vst v10;
	v33 =	vld [tilespmem:s18+$0xFFFFFF40];
	v20 =	vmul.f32 v20, v11  }
0x157: {  	v26 =	vld [tilespmem:s18+$0x110];
	v34 =	vmul.f32 v29, v13;
	[tilespmem:s22+$0xFFFFFFC0] =	vst v36  }
0x158: {  	v19 =	vld [tilespmem:s21+$0xFFFFFFD0];
	[tilespmem:s22+$0x40] =	vst v20;
	v32 =	vmul.f32 v27, v16  }
0x159: {  	v22 =	vmul.f32 v22, v6;
	[tilespmem:s22+$0xFFFFFF40] =	vst v34;
	v38 =	vld [tilespmem:s21+$0x60]  }
0x15a: {  	v39 =	vmul.f32 v35, v7;
	v18 =	vld [tilespmem:s21+$0xFFFFFF40];
	[tilespmem:s22+$0xD0] =	vst v32  }
0x15b: {  	[tilespmem:s20+$0xFFFFFFD0] =	vst v22;
	v5 =	vmul.f32 v45, v5;
	v17 =	vld [tilespmem:s21+$0x100]  }
0x15c: {  	v41 =	vld [tilespmem:s18+$0xFFFFFFE0];
	[tilespmem:s20+$0x50] =	vst v39;
	v30 =	vmul.f32 v26, v9;
	v9 =	vmul.f32 v33, v8  }
0x15d: {  	v3 =	vmul.f32 v51, v3;
	[tilespmem:s17+$0xFFFFFF70] =	vst v5;
	v43 =	vld [tilespmem:s18+$0x70]  }
0x15e: {  	v52 =	vld [tilespmem:s15+$0x80];
	[tilespmem:s20+$0xFFFFFF50] =	vst v9;
	v44 =	vmul.f32 v19, v12  }
0x15f: {  	[tilespmem:s17+$0xFFFFFFF0] =	vst v3;
	v40 =	vld [tilespmem:s18+$0xFFFFFF50];
	v42 =	vmul.f32 v18, v13  }
0x160: {  	[tilespmem:s22+$0xFFFFFFD0] =	vst v44;
	v37 =	vmul.f32 v17, v16;
	v17 =	vmul.f32 v38, v11  }
0x161: {  	v48 =	vmul.f32 v41, v6;
	v49 =	vld [tilespmem:s21+$0xFFFFFFE0];
	[tilespmem:s22+$0xFFFFFF50] =	vst v42  }
0x162: {  	v10 =	vmul.f32 v43, v7;
	v47 =	vld [tilespmem:s21+$0xFFFFFF50];
	[tilespmem:s22+$0x50] =	vst v17  }
0x163: {  	v4 =	vmul.f32 v52, v4;
	[tilespmem:s20+$0xFFFFFFE0] =	vst v48;
	v50 =	vld [tilespmem:s21+$0x70]  }
0x164: {  	v55 =	vld [tilespmem:s18+$0xFFFFFFF0];
	[tilespmem:s20+$0x60] =	vst v10;
	v46 =	vmul.f32 v40, v8  }
0x165: {  	[tilespmem:s17+$0x70] =	vst v4;
	v57 =	vld [tilespmem:s18+$0x80]  }
0x166: {  	[tilespmem:s20+$0xFFFFFF60] =	vst v46;
	v56 =	vmul.f32 v49, v12  }
0x167: {  	v53 =	vld [tilespmem:s18+$0xFFFFFF60];
	[tilespmem:s22+$0xE0] =	vst v37;
	v54 =	vmul.f32 v47, v13  }
0x168: {  	v9 =	vld [tilespmem:s21+$0x110];
	[tilespmem:s22+$0xFFFFFFE0] =	vst v56;
	v14 =	vmul.f32 v50, v11  }
0x169: {  	v60 =	vmul.f32 v55, v6;
	v58 =	vld [tilespmem:s21+$0xFFFFFFF0];
	[tilespmem:s22+$0xFFFFFF60] =	vst v54  }
0x16a: {  	v61 =	vmul.f32 v57, v7;
	v10 =	vld [tilespmem:s21+$0xFFFFFF60];
	[tilespmem:s22+$0x60] =	vst v14  }
0x16b: {  	[tilespmem:s20+$0xFFFFFFF0] =	vst v60;
	v59 =	vld [tilespmem:s21+$0x80]  }
0x16c: {  	[tilespmem:s20+$0x70] =	vst v61;
	v3 =	vmul.f32 v53, v8  }
0x16d: {  	[tilespmem:s20+$0xF0] =	vst v30;
	v9 =	vmul.f32 v9, v16  }
0x16e: {  	[tilespmem:s20+$0xFFFFFF70] =	vst v3;
	v62 =	vmul.f32 v58, v12  }
0x16f: {  	[tilespmem:s22+$0xF0] =	vst v9;
	v3 =	vmul.f32 v10, v13  }
0x170: {  	[tilespmem:s22+$0xFFFFFFF0] =	vst v62;
	v63 =	vmul.f32 v59, v11  }
0x171: {  	[tilespmem:s22+$0xFFFFFF70] =	vst v3  }
0x172: {  	[tilespmem:s22+$0x70] =	vst v63  }
0x173: {  	[spmem:s3] =	stream.indirect.scatter.add.f32 [tilespmem:s23], [sflag:$0x3], $0x80, s28, s29, $0xb8;
	[tilespmem:$0x1FA20] =	vst v63  }
0x174: {  	s14 =	sadd.s32 $0x1, s14;
	_ =	swait.ge [sflag:s24], $0x4000  }
0x175: {  	p0 =	sne.s32 s14, $0xA2;
	[sflag:s24] =	ssyncset.done $0x0  }
.Ltmp3:
0x176: {  	[sflag:s24] =	ssyncadd.s32 $0xFFFFC000;
	(pc) =	sbr.rel @p0 .LBB2_4-.Ltmp3, $4  }
0x177: {  	[spmem:s4] =	stream.indirect.scatter.add.f32 [tilespmem:s25], [sflag:$0x3], $0x10, s28, s29, $0xb8;
	[tilespmem:$0x1FA20] =	vst v63  }
0x178: {  	_ =	swait.ge [sflag:s24], $0x800  }
0x179: {  	[sflag:s24] =	ssyncset.done $0x0  }
0x17a: {  	[sflag:s24] =	ssyncadd.s32 $0xFFFFF800  }
0x17b: {  	s1 =	stileid.u32;
	[bflag:$0x0] =	sbarrier.arrive $0xFFFF  }
0x17c: {  	s1 =	sshll.u32 s1, $0x6;
	s16 =	rddreg [dreg:$0x6]  }
0x17d: {  	s9 =	rddreg [dreg:$0x10];
	s1 =	sor.u32 $0x1C03, s1;
	s5 =	sshrl.u32 s16, $0x3  }
0x17e: {  	[hbm:s9], [sflag:s1] =	dma.local [spmem:s5], $0x2720  }
0x17f: {  	_ =	swait.ge [sflag:s24], $0x2720  }
0x180: {  	[sflag:s24] =	ssyncset.done $0x0;
	s17 =	rddreg [dreg:$0x7]  }
0x181: {  	s21 =	rddreg [dreg:$0x11];
	[sflag:s24] =	ssyncadd.s32 $0xFFFFD8E0;
	s20 =	sshrl.u32 s17, $0x3  }
0x182: {  	[hbm:s21], [sflag:s1] =	dma.local [spmem:s20], $0x4E4  }
0x183: {  	_ =	swait.ge [sflag:s24], $0x4E4  }
0x184: {  	s15 =	rddreg [dreg:$0x5]  }
0x185: {  	s22 =	rddreg [dreg:$0x12];
	s15 =	sadd.s32 $0x1, s15  }
0x186: {  	p0 =	sne.s32 s15, s22  }
.Ltmp4:
0x187: {  	_ = 	snop;
	(pc) =	sbr.rel @p0 .LBB2_1-.Ltmp4, $3  }
0x188: {  	_ =	sdelay $0x1  }
0x189: {  	[sflag:s24] =	ssyncset.done $0x0  }
0x18a: {  	[sflag:s24] =	ssyncadd.s32 $0xFFFFFB1C  }
0x18b: {  	_ =	sfence.sel $0x180000  }
0x18c: {  	[bflag:$0x0] =	sbarrier.arrive $0xFFFF  }
0x18d: {  	_ =	strace $0x90000047  }
0x18e: {  	s0 =	stileid.u32;
	[bflag:$0x2] =	sbarrier.arrive $0xFFFF  }
0x18f: {  	p0 =	sne.s32 s0, $0x0;
	s0 =	rddreg [dreg:$0x4]  }
0x190: {  	s0 =	sadd.s32 @!p0 $0x100000, s0  }
0x191: {  	[sflag:s0] =	ssyncadd.tile.s32 @!p0 $0x1;
	_ =	shalt  }
.Lfunc_end2:
_tile_overlayer_lowered:
.L_overlay_start_2:
0x192: {  	(tag) =	ssettag $0x2  }
0x193: {  	s0 =	rddreg [dreg:$0x0];
	s2 =	stileid.u32  }
0x194: {  	s1 =	rddreg [dreg:$0x1];
	p0 =	sne.s32 s2, $0x0  }
0x195: {  	s3 =	rddreg [dreg:$0x2];
	[bflag:$0x3] =	sbarrier.arrive $0xFFFF;
	s2 =	simm.s32 @!p0 $0x1C03  }
0x196: {  	[timem:s3], [sflag:s2] =	dma.local @!p0 [hbm:s0], s1  }
0x197: {  	s0 =	simm.s32 @!p0 $0x3  }
0x198: {  	_ =	swait.ge @!p0 [sflag:s0], s1  }
0x199: {  	s1 =	ssub.s32 @!p0 $0x0, s1;
	[sflag:s0] =	ssyncset.done @!p0 $0x0  }
0x19a: {  	[sflag:s0] =	ssyncadd.s32 @!p0 s1  }
0x19b: {  	[bflag:$0x3] =	sbarrier.arrive $0xFFFF  }
0x19c: {  	_ =	shalt  }

</sc_bundles>
